<compile_context>
chip_gen: v7x
topology: tpu7x:2x2x1
jax: 0.10.2.dev20260603
libtpu: 0.0.44.dev20260713+nightly
codegen_flags: <defaults>
</compile_context>

<pallas_src>
import functools

import jax
import jax.numpy as jnp
from jax import lax
from jax.experimental import pallas as pl
from jax.experimental.pallas import tpu as pltpu
from jax.experimental.pallas import tpu_sc as plsc

N = 10000
NPAD = 10240
NT = 16
CHUNK = 128
NCH = 160
HCH = NCH // 2
E_PAD = NT * NCH * CHUNK
NROWS_T = NPAD // NT
DUMP = 10200
NB = NPAD // 128
NG = 64


def _sc_mesh():
    return plsc.VectorSubcoreMesh(core_axis_name="c", subcore_axis_name="s")



def _deg_call(dst3):

    @functools.partial(
        pl.kernel,
        mesh=_sc_mesh(),
        out_type=jax.ShapeDtypeStruct((2, NPAD, 16), jnp.float32),
        scratch_types=[
            pltpu.VMEM_SHARED((NPAD, 16), jnp.float32),
            pltpu.VMEM((HCH, CHUNK), jnp.int32),
            pltpu.VMEM((CHUNK, 16), jnp.float32),
            pltpu.VMEM((CHUNK, 16), jnp.float32),
        ],
    )
    def deg(dst_hbm, out_hbm, acc_sh, dst_v, ones_v, zero_v):
        c = lax.axis_index("c")
        s = lax.axis_index("s")
        r0 = s * NROWS_T
        sixteenth = jnp.full((16,), 1.0 / 16.0, jnp.float32)
        zeros16 = jnp.zeros((16,), jnp.float32)

        def fill(i, _):
            ones_v[i, :] = sixteenth
            zero_v[i, :] = zeros16
            return 0

        lax.fori_loop(0, CHUNK, fill, 0)

        def z(k, _):
            pltpu.sync_copy(zero_v, acc_sh.at[pl.ds(r0 + k * CHUNK, CHUNK)])
            return 0

        lax.fori_loop(0, NROWS_T // CHUNK, z, 0)
        pltpu.sync_copy(dst_hbm.at[s, pl.ds(c * HCH, HCH)], dst_v)
        plsc.subcore_barrier()

        def body(j, _):
            pltpu.sync_copy(ones_v, acc_sh.at[dst_v.at[j]], add=True)
            return 0

        lax.fori_loop(0, HCH, body, 0)
        plsc.subcore_barrier()
        pltpu.sync_copy(acc_sh.at[pl.ds(r0, NROWS_T)],
                        out_hbm.at[c, pl.ds(r0, NROWS_T)])

    return deg(dst3)


def _agg_call(hs, zeros_n, src3, dst3):

    @functools.partial(
        pl.kernel,
        mesh=_sc_mesh(),
        out_type=jax.ShapeDtypeStruct((2, NPAD, 128), jnp.float32),
        scratch_types=[
            pltpu.VMEM_SHARED((NPAD, 128), jnp.float32),
            pltpu.VMEM((HCH, CHUNK), jnp.int32),
            pltpu.VMEM((HCH, CHUNK), jnp.int32),
            pltpu.VMEM((CHUNK, 128), jnp.float32),
            pltpu.SemaphoreType.DMA,
        ],
    )
    def agg(hs_hbm, z_hbm, src_hbm, dst_hbm, out_hbm,
            acc_sh, src_v, dst_v, rows_v, sem):
        c = lax.axis_index("c")
        s = lax.axis_index("s")
        r0 = s * NROWS_T

        @pl.when(c == 0)
        def _():
            pltpu.sync_copy(hs_hbm.at[pl.ds(r0, NROWS_T)],
                            acc_sh.at[pl.ds(r0, NROWS_T)])

        @pl.when(c != 0)
        def _():
            pltpu.sync_copy(z_hbm.at[pl.ds(r0, NROWS_T)],
                            acc_sh.at[pl.ds(r0, NROWS_T)])

        pltpu.sync_copy(src_hbm.at[s, pl.ds(c * HCH, HCH)], src_v)
        pltpu.sync_copy(dst_hbm.at[s, pl.ds(c * HCH, HCH)], dst_v)
        plsc.subcore_barrier()

        def body(j, _):
            pltpu.async_copy(hs_hbm.at[src_v.at[j]], rows_v, sem).wait()
            pltpu.sync_copy(rows_v, acc_sh.at[dst_v.at[j]], add=True)
            return 0

        lax.fori_loop(0, HCH, body, 0)
        plsc.subcore_barrier()
        pltpu.sync_copy(acc_sh.at[pl.ds(r0, NROWS_T)],
                        out_hbm.at[c, pl.ds(r0, NROWS_T)])

    return agg(hs, zeros_n, src3, dst3)



def _k1(xp, W1, degp):

    def body(x_ref, w_ref, degp_ref, hs_ref, dinv_ref):
        i = pl.program_id(0)
        deg = (jnp.sum(degp_ref[0], axis=1, keepdims=True)
               + jnp.sum(degp_ref[1], axis=1, keepdims=True) + 1.0)
        dinv = lax.rsqrt(deg)
        row = lax.broadcasted_iota(jnp.int32, (128, 1), 0) + i * 128
        mask = row < N
        h = jnp.dot(x_ref[...], w_ref[...], preferred_element_type=jnp.float32)
        hs_ref[...] = jnp.where(mask, h * dinv, 0.0)
        dinv_ref[...] = jnp.broadcast_to(dinv, (128, 128))

    return pl.pallas_call(
        body,
        grid=(NB,),
        in_specs=[
            pl.BlockSpec((128, 128), lambda i: (i, 0)),
            pl.BlockSpec((128, 128), lambda i: (0, 0)),
            pl.BlockSpec((2, 128, 16), lambda i: (0, i, 0)),
        ],
        out_specs=[
            pl.BlockSpec((128, 128), lambda i: (i, 0)),
            pl.BlockSpec((128, 128), lambda i: (i, 0)),
        ],
        out_shape=[
            jax.ShapeDtypeStruct((NPAD, 128), jnp.float32),
            jax.ShapeDtypeStruct((NPAD, 128), jnp.float32),
        ],
    )(xp, W1, degp)


def _k2(accs, dinv, b, W, Din, Dout):
    na = len(accs)
    OH = Dout // 128

    def body(*refs):
        acc_refs = refs[:na]
        dinv_ref, b_ref, w_ref, out_ref = refs[na:]
        i = pl.program_id(0)
        d1 = dinv_ref[:, :1]
        parts = [a[0] + a[1] for a in acc_refs]
        accf = parts[0] if na == 1 else jnp.concatenate(parts, axis=1)
        row = lax.broadcasted_iota(jnp.int32, (128, 1), 0) + i * 128
        mask = row < N
        xv = jnp.where(mask, jnp.maximum(accf * d1 + b_ref[...], 0.0), 0.0)
        h = jnp.dot(xv, w_ref[...], preferred_element_type=jnp.float32)
        hs = jnp.where(mask, h * d1, 0.0)
        if OH == 1:
            out_ref[...] = hs
        else:
            out_ref[0] = hs[:, :128]
            out_ref[1] = hs[:, 128:]

    if OH == 1:
        out_spec = pl.BlockSpec((128, 128), lambda i: (i, 0))
        out_shape = jax.ShapeDtypeStruct((NPAD, 128), jnp.float32)
    else:
        out_spec = pl.BlockSpec((2, 128, 128), lambda i: (0, i, 0))
        out_shape = jax.ShapeDtypeStruct((2, NPAD, 128), jnp.float32)

    return pl.pallas_call(
        body,
        grid=(NB,),
        in_specs=(
            [pl.BlockSpec((2, 128, 128), lambda i: (0, i, 0))] * na
            + [
                pl.BlockSpec((128, 128), lambda i: (i, 0)),
                pl.BlockSpec((1, Din), lambda i: (0, 0)),
                pl.BlockSpec((Din, Dout), lambda i: (0, 0)),
            ]
        ),
        out_specs=out_spec,
        out_shape=out_shape,
    )(*accs, dinv, b, W)


def _k3(acc, dinv, b3, batch_p, Wf1, bf1, Wf2, bf2):

    def body(acc_ref, dinv_ref, b_ref, batch_ref, wf1_ref, bf1_ref,
             wf2_ref, bf2_ref, out_ref, sums, cnts):
        i = pl.program_id(0)

        @pl.when(i == 0)
        def _():
            sums[...] = jnp.zeros_like(sums)
            cnts[...] = jnp.zeros_like(cnts)

        d1 = dinv_ref[:, :1]
        accf = acc_ref[0] + acc_ref[1]
        row = lax.broadcasted_iota(jnp.int32, (128, 1), 0) + i * 128
        mask = row < N
        h = jnp.where(mask, jnp.maximum(accf * d1 + b_ref[...], 0.0), 0.0)
        g = lax.broadcasted_iota(jnp.int32, (NG, 128), 0)
        P = (g == batch_ref[0]).astype(jnp.float32)
        sums[...] = sums[...] + jnp.dot(P, h, preferred_element_type=jnp.float32)
        cnts[...] = cnts[...] + jnp.sum(P, axis=1, keepdims=True)

        @pl.when(i == NB - 1)
        def _():
            pooled = sums[...] / jnp.maximum(cnts[...], 1.0)
            g1 = jnp.maximum(
                jnp.dot(pooled, wf1_ref[...], preferred_element_type=jnp.float32)
                + bf1_ref[...], 0.0)
            g2 = (jnp.dot(g1, wf2_ref[...], preferred_element_type=jnp.float32)
                  + bf2_ref[...])
            m = jnp.max(g2, axis=1, keepdims=True)
            lse = m + jnp.log(jnp.sum(jnp.exp(g2 - m), axis=1, keepdims=True))
            out_ref[...] = g2 - lse

    return pl.pallas_call(
        body,
        grid=(NB,),
        in_specs=[
            pl.BlockSpec((2, 128, 128), lambda i: (0, i, 0)),
            pl.BlockSpec((128, 128), lambda i: (i, 0)),
            pl.BlockSpec((1, 128), lambda i: (0, 0)),
            pl.BlockSpec((1, 1, 128), lambda i: (i, 0, 0)),
            pl.BlockSpec((128, 128), lambda i: (0, 0)),
            pl.BlockSpec((1, 128), lambda i: (0, 0)),
            pl.BlockSpec((128, 10), lambda i: (0, 0)),
            pl.BlockSpec((1, 10), lambda i: (0, 0)),
        ],
        out_specs=pl.BlockSpec((NG, 10), lambda i: (0, 0)),
        out_shape=jax.ShapeDtypeStruct((NG, 10), jnp.float32),
        scratch_shapes=[
            pltpu.VMEM((NG, 128), jnp.float32),
            pltpu.VMEM((NG, 128), jnp.float32),
        ],
    )(acc, dinv, b3, batch_p, Wf1, bf1, Wf2, bf2)



def kernel(x, edge_index, batch, W1, b1, W2, b2, W3, b3, Wf1, bf1, Wf2, bf2):
    ei = edge_index.astype(jnp.int32)
    src = ei[0]
    dst = ei[1]
    padlen = E_PAD - src.shape[0]
    src_p = jnp.concatenate([src, jnp.full((padlen,), DUMP, jnp.int32)])
    dst_p = jnp.concatenate([dst, jnp.full((padlen,), DUMP, jnp.int32)])
    src3 = src_p.reshape(NT, NCH, CHUNK)
    dst3 = dst_p.reshape(NT, NCH, CHUNK)

    xp = jnp.pad(x, ((0, NPAD - N), (0, 0)))
    zeros_n = jnp.zeros((NPAD, 128), jnp.float32)
    batch_p = jnp.pad(batch.astype(jnp.int32), (0, NPAD - N),
                      constant_values=NG).reshape(NB, 1, 128)
    b1r = b1.reshape(1, -1)
    b2r = b2.reshape(1, -1)
    b3r = b3.reshape(1, -1)
    bf1r = bf1.reshape(1, -1)
    bf2r = bf2.reshape(1, -1)

    degp = _deg_call(dst3)
    hs1, dinv = _k1(xp, W1, degp)
    acc1 = _agg_call(hs1, zeros_n, src3, dst3)
    hs2 = _k2([acc1], dinv, b1r, W2, 128, 256)
    acc2a = _agg_call(hs2[0], zeros_n, src3, dst3)
    acc2b = _agg_call(hs2[1], zeros_n, src3, dst3)
    hs3 = _k2([acc2a, acc2b], dinv, b2r, W3, 256, 128)
    acc3 = _agg_call(hs3, zeros_n, src3, dst3)
    return _k3(acc3, dinv, b3r, batch_p, Wf1, bf1r, Wf2, bf2r)

# --- scband reference (transcript-rebuilt; emitter-appended) ---
"""Pipeline reference for scband-gcn-58523224375399 (READ-ONLY COPY).

The authoritative reference and input builder live on the scoring server;
editing this copy changes nothing except your own understanding.
"""

import jax, jax.numpy as jnp
import numpy as np

N_NODES = 10000
N_EDGES = 320000
IN_DIM = 128
HID = 128
OUT_DIM = 10
N_GRAPHS = 64


def gcn_conv(x, edge_index, W, b):
    # x: [N, din] -> [N, dout]; GCNConv with added self-loops and symmetric norm
    n = x.shape[0]
    h = x @ W
    src = edge_index[0]
    dst = edge_index[1]
    loop = jnp.arange(n, dtype=src.dtype)
    src = jnp.concatenate([src, loop])
    dst = jnp.concatenate([dst, loop])
    deg = jnp.zeros((n,), dtype=h.dtype).at[dst].add(1.0)
    dinv = jnp.where(deg > 0, 1.0 / jnp.sqrt(deg), 0.0)
    norm = dinv[src] * dinv[dst]
    msg = h[src] * norm[:, None]
    out = jnp.zeros((n, h.shape[1]), dtype=h.dtype).at[dst].add(msg)
    return out + b


def global_mean_pool(x, batch, num_graphs):
    sums = jax.ops.segment_sum(x, batch, num_segments=num_graphs)
    cnt = jax.ops.segment_sum(jnp.ones((x.shape[0],), dtype=x.dtype), batch, num_segments=num_graphs)
    return sums / jnp.clip(cnt, 1.0)[:, None]


def setup_inputs(seed: int = 0) -> dict:
    key = jax.random.key(seed)
    ks = jax.random.split(key, 16)
    x = jax.random.normal(ks[0], (N_NODES, IN_DIM), dtype=jnp.float32)
    edge_index = jax.random.randint(ks[1], (2, N_EDGES), 0, N_NODES, dtype=jnp.int64 if jax.config.jax_enable_x64 else jnp.int32)
    batch = jnp.sort(jax.random.randint(ks[2], (N_NODES,), 0, N_GRAPHS, dtype=jnp.int32))
    def glorot(k, shape):
        lim = np.sqrt(6.0 / (shape[0] + shape[1]))
        return jax.random.uniform(k, shape, dtype=jnp.float32, minval=-lim, maxval=lim)
    W1 = glorot(ks[3], (IN_DIM, HID)); b1 = jnp.zeros((HID,), jnp.float32)
    W2 = glorot(ks[4], (HID, HID * 2)); b2 = jnp.zeros((HID * 2,), jnp.float32)
    W3 = glorot(ks[5], (HID * 2, HID)); b3 = jnp.zeros((HID,), jnp.float32)
    Wf1 = glorot(ks[6], (HID, HID)); bf1 = jnp.zeros((HID,), jnp.float32)
    Wf2 = glorot(ks[7], (HID, OUT_DIM)); bf2 = jnp.zeros((OUT_DIM,), jnp.float32)
    return {"x": x, "edge_index": edge_index, "batch": batch,
            "W1": W1, "b1": b1, "W2": W2, "b2": b2, "W3": W3, "b3": b3,
            "Wf1": Wf1, "bf1": bf1, "Wf2": Wf2, "bf2": bf2}


def reference(x, edge_index, batch, W1, b1, W2, b2, W3, b3, Wf1, bf1, Wf2, bf2):
    h = jax.nn.relu(gcn_conv(x, edge_index, W1, b1))
    h = jax.nn.relu(gcn_conv(h, edge_index, W2, b2))
    h = jax.nn.relu(gcn_conv(h, edge_index, W3, b3))
    g = global_mean_pool(h, batch, N_GRAPHS)
    g = jax.nn.relu(g @ Wf1 + bf1)
    g = g @ Wf2 + bf2
    return jax.nn.log_softmax(g, axis=1)

if __name__ == "__main__":
    import jax
    _d = setup_inputs()
    print(jax.jit(kernel)(*tuple(_d.values())))

</pallas_src>

<mosaic_0001>
#map = affine_map<(d0, d1) -> (0, 0, 0)>
module attributes {stable_mosaic.version = 14 : i64} {
  func.func @deg(%arg0: i32, %arg1: i32, %arg2: memref<16x160x128xi32, #tpu.memory_space<hbm>>, %arg3: memref<2x10240x16xf32, #tpu.memory_space<hbm>>, %arg4: memref<10240x16xf32, #tpu.memory_space<vmem_shared>>, %arg5: memref<80x128xi32, #tpu.memory_space<vmem>>, %arg6: memref<128x16xf32, #tpu.memory_space<vmem>>, %arg7: memref<128x16xf32, #tpu.memory_space<vmem>>) attributes {dimension_semantics = [#tpu.dimension_semantics<core_parallel>, #tpu.dimension_semantics<subcore_parallel>], iteration_bounds = array<i64: 2, 16>, scalar_prefetch = 0 : i64, scratch_operands = 4 : i64, tpu.core_type = #tpu.core_type<sc_vector_subcore>, window_params = [{transform_indices = #map}, {transform_indices = #map}]} {
    %mul3A = arith.constant 640 : i32
    %mul3A_0 = arith.muli %arg1, %mul3A : i32
    %broadcast_in_dim3A = arith.constant 6.250000e-02 : f32
    %broadcast_in_dim3A_1 = vector.broadcast %broadcast_in_dim3A : f32 to vector<16xf32>
    %broadcast_in_dim3A_2 = arith.constant 0.000000e+00 : f32
    %broadcast_in_dim3A_3 = vector.broadcast %broadcast_in_dim3A_2 : f32 to vector<16xf32>
    %scan3A = arith.constant 0 : i32
    %scan3A_4 = arith.constant 0 : i32
    %scan3A_5 = arith.constant 128 : i32
    %scan3A_6 = arith.addi %scan3A_4, %scan3A_5 : i32
    %scan3A_7 = arith.constant 1 : i32
    %scan3A_8 = scf.for %scan3A_27 = %scan3A_4 to %scan3A_6 step %scan3A_7 iter_args(%scan3A_28 = %scan3A) -> (i32)  : i32 {
      %swap3A = arith.index_cast %scan3A_27 : i32 to index
      %swap3A_29 = arith.constant 0 : index
      %swap3A_30 = tpu.vector_load %arg6[%swap3A, %swap3A_29] {strides = array<i32>} : memref<128x16xf32, #tpu.memory_space<vmem>>, vector<1x16xf32>,
      %swap3A_31 = vector.shape_cast %swap3A_30 : vector<1x16xf32> to vector<16xf32>
      %swap3A_32 = vector.shape_cast %broadcast_in_dim3A_1 : vector<16xf32> to vector<1x16xf32>
      tpu.vector_store %arg6[%swap3A, %swap3A_29], %swap3A_32 {strides = array<i32>} : memref<128x16xf32, #tpu.memory_space<vmem>>, vector<1x16xf32>,
      %swap3A_33 = arith.index_cast %scan3A_27 : i32 to index
      %swap3A_34 = arith.constant 0 : index
      %swap3A_35 = tpu.vector_load %arg7[%swap3A_33, %swap3A_34] {strides = array<i32>} : memref<128x16xf32, #tpu.memory_space<vmem>>, vector<1x16xf32>,
      %swap3A_36 = vector.shape_cast %swap3A_35 : vector<1x16xf32> to vector<16xf32>
      %swap3A_37 = vector.shape_cast %broadcast_in_dim3A_3 : vector<16xf32> to vector<1x16xf32>
      tpu.vector_store %arg7[%swap3A_33, %swap3A_34], %swap3A_37 {strides = array<i32>} : memref<128x16xf32, #tpu.memory_space<vmem>>, vector<1x16xf32>,
      %scan3A_38 = arith.constant 0 : i32
      scf.yield %scan3A_38 : i32
    }
    %scan3A_9 = arith.constant 128 : i32
    %scan3A_10 = arith.constant 0 : i32
    %scan3A_11 = arith.constant 0 : i32
    %scan3A_12 = arith.constant 5 : i32
    %scan3A_13 = arith.addi %scan3A_11, %scan3A_12 : i32
    %scan3A_14 = arith.constant 1 : i32
    %scan3A_15 = scf.for %scan3A_27 = %scan3A_11 to %scan3A_13 step %scan3A_14 iter_args(%scan3A_28 = %scan3A_10) -> (i32)  : i32 {
      %mul3A_29 = arith.constant 128 : i32
      %mul3A_30 = arith.muli %scan3A_27, %mul3A_29 : i32
      %add3A = arith.addi %mul3A_0, %mul3A_30 : i32
      "tpu.region"() ({
        %run_scoped3A = tpu.sem_alloc : memref<!tpu.dma_semaphore, #tpu.memory_space<semaphore_mem>>
        %dma_start3A = arith.constant 0 : i32
        %dma_start3A_32 = tpu.memref_slice %arg4[%add3A, %dma_start3A] : memref<10240x16xf32, #tpu.memory_space<vmem_shared>> -> memref<128x16xf32, #tpu.memory_space<vmem_shared>>
        %dma_start3A_33 = arith.constant 0 : i32
        %dma_start3A_34 = tpu.memref_slice %arg4[%add3A, %dma_start3A_33] : memref<10240x16xf32, #tpu.memory_space<vmem_shared>> -> memref<128x16xf32, #tpu.memory_space<vmem_shared>>
        tpu.enqueue_dma source(%arg7 : memref<128x16xf32, #tpu.memory_space<vmem>>) target(%dma_start3A_34 : memref<128x16xf32, #tpu.memory_space<vmem_shared>>) target_semaphore(%run_scoped3A : memref<!tpu.dma_semaphore, #tpu.memory_space<semaphore_mem>>)
        %dma_wait3A = arith.constant 0 : i32
        %dma_wait3A_35 = tpu.memref_slice %arg4[%add3A, %dma_wait3A] : memref<10240x16xf32, #tpu.memory_space<vmem_shared>> -> memref<128x16xf32, #tpu.memory_space<vmem_shared>>
        %dma_wait3A_36 = arith.constant 0 : i32
        %dma_wait3A_37 = tpu.memref_slice %arg4[%add3A, %dma_wait3A_36] : memref<10240x16xf32, #tpu.memory_space<vmem_shared>> -> memref<128x16xf32, #tpu.memory_space<vmem_shared>>
        tpu.wait_dma2 semaphore(%run_scoped3A : memref<!tpu.dma_semaphore, #tpu.memory_space<semaphore_mem>>) src(%arg7 : memref<128x16xf32, #tpu.memory_space<vmem>>) dst(%dma_wait3A_37 : memref<128x16xf32, #tpu.memory_space<vmem_shared>>)
        tpu.yield
      }) : () -> ()
      %scan3A_31 = arith.constant 0 : i32
      scf.yield %scan3A_31 : i32
    }
    %scan3A_16 = arith.constant 5 : i32
    %mul3A_17 = arith.constant 80 : i32
    %mul3A_18 = arith.muli %arg0, %mul3A_17 : i32
    "tpu.region"() ({
      %run_scoped3A = tpu.sem_alloc : memref<!tpu.dma_semaphore, #tpu.memory_space<semaphore_mem>>
      %dma_start3A = arith.constant 0 : i32
      %dma_start3A_27 = tpu.memref_slice %arg2[%arg1, %mul3A_18, %dma_start3A] : memref<16x160x128xi32, #tpu.memory_space<hbm>> -> memref<1x80x128xi32, #tpu.memory_space<hbm>>
      %dma_start3A_28 = tpu.memref_squeeze %dma_start3A_27 : memref<1x80x128xi32, #tpu.memory_space<hbm>> -> memref<80x128xi32, #tpu.memory_space<hbm>>
      %dma_start3A_29 = arith.constant 0 : i32
      %dma_start3A_30 = tpu.memref_slice %arg2[%arg1, %mul3A_18, %dma_start3A_29] : memref<16x160x128xi32, #tpu.memory_space<hbm>> -> memref<1x80x128xi32, #tpu.memory_space<hbm>>
      %dma_start3A_31 = tpu.memref_squeeze %dma_start3A_30 : memref<1x80x128xi32, #tpu.memory_space<hbm>> -> memref<80x128xi32, #tpu.memory_space<hbm>>
      tpu.enqueue_dma source(%dma_start3A_31 : memref<80x128xi32, #tpu.memory_space<hbm>>) target(%arg5 : memref<80x128xi32, #tpu.memory_space<vmem>>) target_semaphore(%run_scoped3A : memref<!tpu.dma_semaphore, #tpu.memory_space<semaphore_mem>>)
      %dma_wait3A = arith.constant 0 : i32
      %dma_wait3A_32 = tpu.memref_slice %arg2[%arg1, %mul3A_18, %dma_wait3A] : memref<16x160x128xi32, #tpu.memory_space<hbm>> -> memref<1x80x128xi32, #tpu.memory_space<hbm>>
      %dma_wait3A_33 = tpu.memref_squeeze %dma_wait3A_32 : memref<1x80x128xi32, #tpu.memory_space<hbm>> -> memref<80x128xi32, #tpu.memory_space<hbm>>
      %dma_wait3A_34 = arith.constant 0 : i32
      %dma_wait3A_35 = tpu.memref_slice %arg2[%arg1, %mul3A_18, %dma_wait3A_34] : memref<16x160x128xi32, #tpu.memory_space<hbm>> -> memref<1x80x128xi32, #tpu.memory_space<hbm>>
      %dma_wait3A_36 = tpu.memref_squeeze %dma_wait3A_35 : memref<1x80x128xi32, #tpu.memory_space<hbm>> -> memref<80x128xi32, #tpu.memory_space<hbm>>
      tpu.wait_dma2 semaphore(%run_scoped3A : memref<!tpu.dma_semaphore, #tpu.memory_space<semaphore_mem>>) src(%dma_wait3A_36 : memref<80x128xi32, #tpu.memory_space<hbm>>) dst(%arg5 : memref<80x128xi32, #tpu.memory_space<vmem>>)
      tpu.yield
    }) : () -> ()
    %barrier3A = arith.constant 0 : index
    tpu.barrier barrier_id(%barrier3A)
    %scan3A_19 = arith.constant 0 : i32
    %scan3A_20 = arith.constant 0 : i32
    %scan3A_21 = arith.constant 80 : i32
    %scan3A_22 = arith.addi %scan3A_20, %scan3A_21 : i32
    %scan3A_23 = arith.constant 1 : i32
    %scan3A_24 = scf.for %scan3A_27 = %scan3A_20 to %scan3A_22 step %scan3A_23 iter_args(%scan3A_28 = %scan3A_19) -> (i32)  : i32 {
      "tpu.region"() ({
        %run_scoped3A = tpu.sem_alloc : memref<!tpu.dma_semaphore, #tpu.memory_space<semaphore_mem>>
        %dma_start3A = arith.constant 0 : i32
        %dma_start3A_30 = tpu.memref_slice %arg5[%scan3A_27, %dma_start3A] : memref<80x128xi32, #tpu.memory_space<vmem>> -> memref<1x128xi32, #tpu.memory_space<vmem>>
        %dma_start3A_31 = tpu.memref_squeeze %dma_start3A_30 : memref<1x128xi32, #tpu.memory_space<vmem>> -> memref<128xi32, #tpu.memory_space<vmem>>
        %dma_start3A_32 = arith.constant 0 : i32
        %dma_start3A_33 = arith.constant 0 : i32
        %dma_start3A_34 = tpu.memref_slice %arg4[%dma_start3A_32, %dma_start3A_33] : memref<10240x16xf32, #tpu.memory_space<vmem_shared>> -> memref<10240x16xf32, #tpu.memory_space<vmem_shared>>
        tpu.enqueue_indirect_dma source(%arg6 : memref<128x16xf32, #tpu.memory_space<vmem>>) target(%dma_start3A_34 : memref<10240x16xf32, #tpu.memory_space<vmem_shared>>) offsets(%dma_start3A_31 : memref<128xi32, #tpu.memory_space<vmem>>) semaphore(%run_scoped3A : memref<!tpu.dma_semaphore, #tpu.memory_space<semaphore_mem>>) {add = true}
        %dma_wait3A = arith.constant 0 : i32
        %dma_wait3A_35 = tpu.memref_slice %arg5[%scan3A_27, %dma_wait3A] : memref<80x128xi32, #tpu.memory_space<vmem>> -> memref<1x128xi32, #tpu.memory_space<vmem>>
        %dma_wait3A_36 = tpu.memref_squeeze %dma_wait3A_35 : memref<1x128xi32, #tpu.memory_space<vmem>> -> memref<128xi32, #tpu.memory_space<vmem>>
        %dma_wait3A_37 = arith.constant 0 : i32
        %dma_wait3A_38 = arith.constant 0 : i32
        %dma_wait3A_39 = tpu.memref_slice %arg4[%dma_wait3A_37, %dma_wait3A_38] : memref<10240x16xf32, #tpu.memory_space<vmem_shared>> -> memref<10240x16xf32, #tpu.memory_space<vmem_shared>>
        tpu.wait_indirect_dma semaphore(%run_scoped3A : memref<!tpu.dma_semaphore, #tpu.memory_space<semaphore_mem>>) src(%arg6 : memref<128x16xf32, #tpu.memory_space<vmem>>) dst(%dma_wait3A_39 : memref<10240x16xf32, #tpu.memory_space<vmem_shared>>)
        tpu.yield
      }) : () -> ()
      %scan3A_29 = arith.constant 0 : i32
      scf.yield %scan3A_29 : i32
    }
    %scan3A_25 = arith.constant 80 : i32
    %barrier3A_26 = arith.constant 0 : index
    tpu.barrier barrier_id(%barrier3A_26)
    "tpu.region"() ({
      %run_scoped3A = tpu.sem_alloc : memref<!tpu.dma_semaphore, #tpu.memory_space<semaphore_mem>>
      %dma_start3A = arith.constant 0 : i32
      %dma_start3A_27 = tpu.memref_slice %arg3[%arg0, %mul3A_0, %dma_start3A] : memref<2x10240x16xf32, #tpu.memory_space<hbm>> -> memref<1x640x16xf32, #tpu.memory_space<hbm>>
      %dma_start3A_28 = tpu.memref_squeeze %dma_start3A_27 : memref<1x640x16xf32, #tpu.memory_space<hbm>> -> memref<640x16xf32, #tpu.memory_space<hbm>>
      %dma_start3A_29 = arith.constant 0 : i32
      %dma_start3A_30 = tpu.memref_slice %arg4[%mul3A_0, %dma_start3A_29] : memref<10240x16xf32, #tpu.memory_space<vmem_shared>> -> memref<640x16xf32, #tpu.memory_space<vmem_shared>>
      tpu.enqueue_dma source(%dma_start3A_30 : memref<640x16xf32, #tpu.memory_space<vmem_shared>>) target(%dma_start3A_28 : memref<640x16xf32, #tpu.memory_space<hbm>>) target_semaphore(%run_scoped3A : memref<!tpu.dma_semaphore, #tpu.memory_space<semaphore_mem>>)
      %dma_wait3A = arith.constant 0 : i32
      %dma_wait3A_31 = tpu.memref_slice %arg3[%arg0, %mul3A_0, %dma_wait3A] : memref<2x10240x16xf32, #tpu.memory_space<hbm>> -> memref<1x640x16xf32, #tpu.memory_space<hbm>>
      %dma_wait3A_32 = tpu.memref_squeeze %dma_wait3A_31 : memref<1x640x16xf32, #tpu.memory_space<hbm>> -> memref<640x16xf32, #tpu.memory_space<hbm>>
      %dma_wait3A_33 = arith.constant 0 : i32
      %dma_wait3A_34 = tpu.memref_slice %arg4[%mul3A_0, %dma_wait3A_33] : memref<10240x16xf32, #tpu.memory_space<vmem_shared>> -> memref<640x16xf32, #tpu.memory_space<vmem_shared>>
      tpu.wait_dma2 semaphore(%run_scoped3A : memref<!tpu.dma_semaphore, #tpu.memory_space<semaphore_mem>>) src(%dma_wait3A_34 : memref<640x16xf32, #tpu.memory_space<vmem_shared>>) dst(%dma_wait3A_32 : memref<640x16xf32, #tpu.memory_space<hbm>>)
      tpu.yield
    }) : () -> ()
    return
  }
}

#map = affine_map<(d0, d1) -> (0, 0)>
#map1 = affine_map<(d0, d1) -> (0, 0, 0)>
module attributes {stable_mosaic.version = 14 : i64} {
  func.func @agg(%arg0: i32, %arg1: i32, %arg2: memref<10240x128xf32, #tpu.memory_space<hbm>>, %arg3: memref<10240x128xf32, #tpu.memory_space<hbm>>, %arg4: memref<16x160x128xi32, #tpu.memory_space<hbm>>, %arg5: memref<16x160x128xi32, #tpu.memory_space<hbm>>, %arg6: memref<2x10240x128xf32, #tpu.memory_space<hbm>>, %arg7: memref<10240x128xf32, #tpu.memory_space<vmem_shared>>, %arg8: memref<80x128xi32, #tpu.memory_space<vmem>>, %arg9: memref<80x128xi32, #tpu.memory_space<vmem>>, %arg10: memref<128x128xf32, #tpu.memory_space<vmem>>, %arg11: memref<!tpu.dma_semaphore, #tpu.memory_space<semaphore_mem>>) attributes {dimension_semantics = [#tpu.dimension_semantics<core_parallel>, #tpu.dimension_semantics<subcore_parallel>], iteration_bounds = array<i64: 2, 16>, scalar_prefetch = 0 : i64, scratch_operands = 5 : i64, tpu.core_type = #tpu.core_type<sc_vector_subcore>, window_params = [{transform_indices = #map}, {transform_indices = #map}, {transform_indices = #map1}, {transform_indices = #map1}, {transform_indices = #map1}]} {
    %mul3A = arith.constant 640 : i32
    %mul3A_0 = arith.muli %arg1, %mul3A : i32
    %eq3A = arith.constant 0 : i32
    %eq3A_1 = arith.cmpi eq, %arg0, %eq3A : i32
    %convert_element_type3A = arith.extui %eq3A_1 : i1 to i32
    %cond3A = arith.constant 0 : i32
    %cond3A_2 = arith.cmpi ne, %convert_element_type3A, %cond3A : i32
    scf.if %cond3A_2 {
      "tpu.region"() ({
        %run_scoped3A = tpu.sem_alloc : memref<!tpu.dma_semaphore, #tpu.memory_space<semaphore_mem>>
        %dma_start3A = arith.constant 0 : i32
        %dma_start3A_18 = tpu.memref_slice %arg7[%mul3A_0, %dma_start3A] : memref<10240x128xf32, #tpu.memory_space<vmem_shared>> -> memref<640x128xf32, #tpu.memory_space<vmem_shared>>
        %dma_start3A_19 = arith.constant 0 : i32
        %dma_start3A_20 = tpu.memref_slice %arg2[%mul3A_0, %dma_start3A_19] : memref<10240x128xf32, #tpu.memory_space<hbm>> -> memref<640x128xf32, #tpu.memory_space<hbm>>
        tpu.enqueue_dma source(%dma_start3A_20 : memref<640x128xf32, #tpu.memory_space<hbm>>) target(%dma_start3A_18 : memref<640x128xf32, #tpu.memory_space<vmem_shared>>) target_semaphore(%run_scoped3A : memref<!tpu.dma_semaphore, #tpu.memory_space<semaphore_mem>>)
        %dma_wait3A = arith.constant 0 : i32
        %dma_wait3A_21 = tpu.memref_slice %arg7[%mul3A_0, %dma_wait3A] : memref<10240x128xf32, #tpu.memory_space<vmem_shared>> -> memref<640x128xf32, #tpu.memory_space<vmem_shared>>
        %dma_wait3A_22 = arith.constant 0 : i32
        %dma_wait3A_23 = tpu.memref_slice %arg2[%mul3A_0, %dma_wait3A_22] : memref<10240x128xf32, #tpu.memory_space<hbm>> -> memref<640x128xf32, #tpu.memory_space<hbm>>
        tpu.wait_dma2 semaphore(%run_scoped3A : memref<!tpu.dma_semaphore, #tpu.memory_space<semaphore_mem>>) src(%dma_wait3A_23 : memref<640x128xf32, #tpu.memory_space<hbm>>) dst(%dma_wait3A_21 : memref<640x128xf32, #tpu.memory_space<vmem_shared>>)
        tpu.yield
      }) : () -> ()
    } else {
    }
    %ne3A = arith.constant 0 : i32
    %ne3A_3 = arith.cmpi ne, %arg0, %ne3A : i32
    %convert_element_type3A_4 = arith.extui %ne3A_3 : i1 to i32
    %cond3A_5 = arith.constant 0 : i32
    %cond3A_6 = arith.cmpi ne, %convert_element_type3A_4, %cond3A_5 : i32
    scf.if %cond3A_6 {
      "tpu.region"() ({
        %run_scoped3A = tpu.sem_alloc : memref<!tpu.dma_semaphore, #tpu.memory_space<semaphore_mem>>
        %dma_start3A = arith.constant 0 : i32
        %dma_start3A_18 = tpu.memref_slice %arg7[%mul3A_0, %dma_start3A] : memref<10240x128xf32, #tpu.memory_space<vmem_shared>> -> memref<640x128xf32, #tpu.memory_space<vmem_shared>>
        %dma_start3A_19 = arith.constant 0 : i32
        %dma_start3A_20 = tpu.memref_slice %arg3[%mul3A_0, %dma_start3A_19] : memref<10240x128xf32, #tpu.memory_space<hbm>> -> memref<640x128xf32, #tpu.memory_space<hbm>>
        tpu.enqueue_dma source(%dma_start3A_20 : memref<640x128xf32, #tpu.memory_space<hbm>>) target(%dma_start3A_18 : memref<640x128xf32, #tpu.memory_space<vmem_shared>>) target_semaphore(%run_scoped3A : memref<!tpu.dma_semaphore, #tpu.memory_space<semaphore_mem>>)
        %dma_wait3A = arith.constant 0 : i32
        %dma_wait3A_21 = tpu.memref_slice %arg7[%mul3A_0, %dma_wait3A] : memref<10240x128xf32, #tpu.memory_space<vmem_shared>> -> memref<640x128xf32, #tpu.memory_space<vmem_shared>>
        %dma_wait3A_22 = arith.constant 0 : i32
        %dma_wait3A_23 = tpu.memref_slice %arg3[%mul3A_0, %dma_wait3A_22] : memref<10240x128xf32, #tpu.memory_space<hbm>> -> memref<640x128xf32, #tpu.memory_space<hbm>>
        tpu.wait_dma2 semaphore(%run_scoped3A : memref<!tpu.dma_semaphore, #tpu.memory_space<semaphore_mem>>) src(%dma_wait3A_23 : memref<640x128xf32, #tpu.memory_space<hbm>>) dst(%dma_wait3A_21 : memref<640x128xf32, #tpu.memory_space<vmem_shared>>)
        tpu.yield
      }) : () -> ()
    } else {
    }
    %mul3A_7 = arith.constant 80 : i32
    %mul3A_8 = arith.muli %arg0, %mul3A_7 : i32
    "tpu.region"() ({
      %run_scoped3A = tpu.sem_alloc : memref<!tpu.dma_semaphore, #tpu.memory_space<semaphore_mem>>
      %dma_start3A = arith.constant 0 : i32
      %dma_start3A_18 = tpu.memref_slice %arg4[%arg1, %mul3A_8, %dma_start3A] : memref<16x160x128xi32, #tpu.memory_space<hbm>> -> memref<1x80x128xi32, #tpu.memory_space<hbm>>
      %dma_start3A_19 = tpu.memref_squeeze %dma_start3A_18 : memref<1x80x128xi32, #tpu.memory_space<hbm>> -> memref<80x128xi32, #tpu.memory_space<hbm>>
      %dma_start3A_20 = arith.constant 0 : i32
      %dma_start3A_21 = tpu.memref_slice %arg4[%arg1, %mul3A_8, %dma_start3A_20] : memref<16x160x128xi32, #tpu.memory_space<hbm>> -> memref<1x80x128xi32, #tpu.memory_space<hbm>>
      %dma_start3A_22 = tpu.memref_squeeze %dma_start3A_21 : memref<1x80x128xi32, #tpu.memory_space<hbm>> -> memref<80x128xi32, #tpu.memory_space<hbm>>
      tpu.enqueue_dma source(%dma_start3A_22 : memref<80x128xi32, #tpu.memory_space<hbm>>) target(%arg8 : memref<80x128xi32, #tpu.memory_space<vmem>>) target_semaphore(%run_scoped3A : memref<!tpu.dma_semaphore, #tpu.memory_space<semaphore_mem>>)
      %dma_wait3A = arith.constant 0 : i32
      %dma_wait3A_23 = tpu.memref_slice %arg4[%arg1, %mul3A_8, %dma_wait3A] : memref<16x160x128xi32, #tpu.memory_space<hbm>> -> memref<1x80x128xi32, #tpu.memory_space<hbm>>
      %dma_wait3A_24 = tpu.memref_squeeze %dma_wait3A_23 : memref<1x80x128xi32, #tpu.memory_space<hbm>> -> memref<80x128xi32, #tpu.memory_space<hbm>>
      %dma_wait3A_25 = arith.constant 0 : i32
      %dma_wait3A_26 = tpu.memref_slice %arg4[%arg1, %mul3A_8, %dma_wait3A_25] : memref<16x160x128xi32, #tpu.memory_space<hbm>> -> memref<1x80x128xi32, #tpu.memory_space<hbm>>
      %dma_wait3A_27 = tpu.memref_squeeze %dma_wait3A_26 : memref<1x80x128xi32, #tpu.memory_space<hbm>> -> memref<80x128xi32, #tpu.memory_space<hbm>>
      tpu.wait_dma2 semaphore(%run_scoped3A : memref<!tpu.dma_semaphore, #tpu.memory_space<semaphore_mem>>) src(%dma_wait3A_27 : memref<80x128xi32, #tpu.memory_space<hbm>>) dst(%arg8 : memref<80x128xi32, #tpu.memory_space<vmem>>)
      tpu.yield
    }) : () -> ()
    %mul3A_9 = arith.constant 80 : i32
    %mul3A_10 = arith.muli %arg0, %mul3A_9 : i32
    "tpu.region"() ({
      %run_scoped3A = tpu.sem_alloc : memref<!tpu.dma_semaphore, #tpu.memory_space<semaphore_mem>>
      %dma_start3A = arith.constant 0 : i32
      %dma_start3A_18 = tpu.memref_slice %arg5[%arg1, %mul3A_10, %dma_start3A] : memref<16x160x128xi32, #tpu.memory_space<hbm>> -> memref<1x80x128xi32, #tpu.memory_space<hbm>>
      %dma_start3A_19 = tpu.memref_squeeze %dma_start3A_18 : memref<1x80x128xi32, #tpu.memory_space<hbm>> -> memref<80x128xi32, #tpu.memory_space<hbm>>
      %dma_start3A_20 = arith.constant 0 : i32
      %dma_start3A_21 = tpu.memref_slice %arg5[%arg1, %mul3A_10, %dma_start3A_20] : memref<16x160x128xi32, #tpu.memory_space<hbm>> -> memref<1x80x128xi32, #tpu.memory_space<hbm>>
      %dma_start3A_22 = tpu.memref_squeeze %dma_start3A_21 : memref<1x80x128xi32, #tpu.memory_space<hbm>> -> memref<80x128xi32, #tpu.memory_space<hbm>>
      tpu.enqueue_dma source(%dma_start3A_22 : memref<80x128xi32, #tpu.memory_space<hbm>>) target(%arg9 : memref<80x128xi32, #tpu.memory_space<vmem>>) target_semaphore(%run_scoped3A : memref<!tpu.dma_semaphore, #tpu.memory_space<semaphore_mem>>)
      %dma_wait3A = arith.constant 0 : i32
      %dma_wait3A_23 = tpu.memref_slice %arg5[%arg1, %mul3A_10, %dma_wait3A] : memref<16x160x128xi32, #tpu.memory_space<hbm>> -> memref<1x80x128xi32, #tpu.memory_space<hbm>>
      %dma_wait3A_24 = tpu.memref_squeeze %dma_wait3A_23 : memref<1x80x128xi32, #tpu.memory_space<hbm>> -> memref<80x128xi32, #tpu.memory_space<hbm>>
      %dma_wait3A_25 = arith.constant 0 : i32
      %dma_wait3A_26 = tpu.memref_slice %arg5[%arg1, %mul3A_10, %dma_wait3A_25] : memref<16x160x128xi32, #tpu.memory_space<hbm>> -> memref<1x80x128xi32, #tpu.memory_space<hbm>>
      %dma_wait3A_27 = tpu.memref_squeeze %dma_wait3A_26 : memref<1x80x128xi32, #tpu.memory_space<hbm>> -> memref<80x128xi32, #tpu.memory_space<hbm>>
      tpu.wait_dma2 semaphore(%run_scoped3A : memref<!tpu.dma_semaphore, #tpu.memory_space<semaphore_mem>>) src(%dma_wait3A_27 : memref<80x128xi32, #tpu.memory_space<hbm>>) dst(%arg9 : memref<80x128xi32, #tpu.memory_space<vmem>>)
      tpu.yield
    }) : () -> ()
    %barrier3A = arith.constant 0 : index
    tpu.barrier barrier_id(%barrier3A)
    %scan3A = arith.constant 0 : i32
    %scan3A_11 = arith.constant 0 : i32
    %scan3A_12 = arith.constant 80 : i32
    %scan3A_13 = arith.addi %scan3A_11, %scan3A_12 : i32
    %scan3A_14 = arith.constant 1 : i32
    %scan3A_15 = scf.for %scan3A_18 = %scan3A_11 to %scan3A_13 step %scan3A_14 iter_args(%scan3A_19 = %scan3A) -> (i32)  : i32 {
      %dma_start3A = arith.constant 0 : i32
      %dma_start3A_20 = tpu.memref_slice %arg8[%scan3A_18, %dma_start3A] : memref<80x128xi32, #tpu.memory_space<vmem>> -> memref<1x128xi32, #tpu.memory_space<vmem>>
      %dma_start3A_21 = tpu.memref_squeeze %dma_start3A_20 : memref<1x128xi32, #tpu.memory_space<vmem>> -> memref<128xi32, #tpu.memory_space<vmem>>
      %dma_start3A_22 = arith.constant 0 : i32
      %dma_start3A_23 = arith.constant 0 : i32
      %dma_start3A_24 = tpu.memref_slice %arg2[%dma_start3A_22, %dma_start3A_23] : memref<10240x128xf32, #tpu.memory_space<hbm>> -> memref<10240x128xf32, #tpu.memory_space<hbm>>
      tpu.enqueue_indirect_dma source(%dma_start3A_24 : memref<10240x128xf32, #tpu.memory_space<hbm>>) target(%arg10 : memref<128x128xf32, #tpu.memory_space<vmem>>) offsets(%dma_start3A_21 : memref<128xi32, #tpu.memory_space<vmem>>) semaphore(%arg11 : memref<!tpu.dma_semaphore, #tpu.memory_space<semaphore_mem>>)
      %dma_wait3A = arith.constant 0 : i32
      %dma_wait3A_25 = tpu.memref_slice %arg8[%scan3A_18, %dma_wait3A] : memref<80x128xi32, #tpu.memory_space<vmem>> -> memref<1x128xi32, #tpu.memory_space<vmem>>
      %dma_wait3A_26 = tpu.memref_squeeze %dma_wait3A_25 : memref<1x128xi32, #tpu.memory_space<vmem>> -> memref<128xi32, #tpu.memory_space<vmem>>
      %dma_wait3A_27 = arith.constant 0 : i32
      %dma_wait3A_28 = arith.constant 0 : i32
      %dma_wait3A_29 = tpu.memref_slice %arg2[%dma_wait3A_27, %dma_wait3A_28] : memref<10240x128xf32, #tpu.memory_space<hbm>> -> memref<10240x128xf32, #tpu.memory_space<hbm>>
      tpu.wait_indirect_dma semaphore(%arg11 : memref<!tpu.dma_semaphore, #tpu.memory_space<semaphore_mem>>) src(%dma_wait3A_29 : memref<10240x128xf32, #tpu.memory_space<hbm>>) dst(%arg10 : memref<128x128xf32, #tpu.memory_space<vmem>>)
      "tpu.region"() ({
        %run_scoped3A = tpu.sem_alloc : memref<!tpu.dma_semaphore, #tpu.memory_space<semaphore_mem>>
        %dma_start3A_31 = arith.constant 0 : i32
        %dma_start3A_32 = tpu.memref_slice %arg9[%scan3A_18, %dma_start3A_31] : memref<80x128xi32, #tpu.memory_space<vmem>> -> memref<1x128xi32, #tpu.memory_space<vmem>>
        %dma_start3A_33 = tpu.memref_squeeze %dma_start3A_32 : memref<1x128xi32, #tpu.memory_space<vmem>> -> memref<128xi32, #tpu.memory_space<vmem>>
        %dma_start3A_34 = arith.constant 0 : i32
        %dma_start3A_35 = arith.constant 0 : i32
        %dma_start3A_36 = tpu.memref_slice %arg7[%dma_start3A_34, %dma_start3A_35] : memref<10240x128xf32, #tpu.memory_space<vmem_shared>> -> memref<10240x128xf32, #tpu.memory_space<vmem_shared>>
        tpu.enqueue_indirect_dma source(%arg10 : memref<128x128xf32, #tpu.memory_space<vmem>>) target(%dma_start3A_36 : memref<10240x128xf32, #tpu.memory_space<vmem_shared>>) offsets(%dma_start3A_33 : memref<128xi32, #tpu.memory_space<vmem>>) semaphore(%run_scoped3A : memref<!tpu.dma_semaphore, #tpu.memory_space<semaphore_mem>>) {add = true}
        %dma_wait3A_37 = arith.constant 0 : i32
        %dma_wait3A_38 = tpu.memref_slice %arg9[%scan3A_18, %dma_wait3A_37] : memref<80x128xi32, #tpu.memory_space<vmem>> -> memref<1x128xi32, #tpu.memory_space<vmem>>
        %dma_wait3A_39 = tpu.memref_squeeze %dma_wait3A_38 : memref<1x128xi32, #tpu.memory_space<vmem>> -> memref<128xi32, #tpu.memory_space<vmem>>
        %dma_wait3A_40 = arith.constant 0 : i32
        %dma_wait3A_41 = arith.constant 0 : i32
        %dma_wait3A_42 = tpu.memref_slice %arg7[%dma_wait3A_40, %dma_wait3A_41] : memref<10240x128xf32, #tpu.memory_space<vmem_shared>> -> memref<10240x128xf32, #tpu.memory_space<vmem_shared>>
        tpu.wait_indirect_dma semaphore(%run_scoped3A : memref<!tpu.dma_semaphore, #tpu.memory_space<semaphore_mem>>) src(%arg10 : memref<128x128xf32, #tpu.memory_space<vmem>>) dst(%dma_wait3A_42 : memref<10240x128xf32, #tpu.memory_space<vmem_shared>>)
        tpu.yield
      }) : () -> ()
      %scan3A_30 = arith.constant 0 : i32
      scf.yield %scan3A_30 : i32
    }
    %scan3A_16 = arith.constant 80 : i32
    %barrier3A_17 = arith.constant 0 : index
    tpu.barrier barrier_id(%barrier3A_17)
    "tpu.region"() ({
      %run_scoped3A = tpu.sem_alloc : memref<!tpu.dma_semaphore, #tpu.memory_space<semaphore_mem>>
      %dma_start3A = arith.constant 0 : i32
      %dma_start3A_18 = tpu.memref_slice %arg6[%arg0, %mul3A_0, %dma_start3A] : memref<2x10240x128xf32, #tpu.memory_space<hbm>> -> memref<1x640x128xf32, #tpu.memory_space<hbm>>
      %dma_start3A_19 = tpu.memref_squeeze %dma_start3A_18 : memref<1x640x128xf32, #tpu.memory_space<hbm>> -> memref<640x128xf32, #tpu.memory_space<hbm>>
      %dma_start3A_20 = arith.constant 0 : i32
      %dma_start3A_21 = tpu.memref_slice %arg7[%mul3A_0, %dma_start3A_20] : memref<10240x128xf32, #tpu.memory_space<vmem_shared>> -> memref<640x128xf32, #tpu.memory_space<vmem_shared>>
      tpu.enqueue_dma source(%dma_start3A_21 : memref<640x128xf32, #tpu.memory_space<vmem_shared>>) target(%dma_start3A_19 : memref<640x128xf32, #tpu.memory_space<hbm>>) target_semaphore(%run_scoped3A : memref<!tpu.dma_semaphore, #tpu.memory_space<semaphore_mem>>)
      %dma_wait3A = arith.constant 0 : i32
      %dma_wait3A_22 = tpu.memref_slice %arg6[%arg0, %mul3A_0, %dma_wait3A] : memref<2x10240x128xf32, #tpu.memory_space<hbm>> -> memref<1x640x128xf32, #tpu.memory_space<hbm>>
      %dma_wait3A_23 = tpu.memref_squeeze %dma_wait3A_22 : memref<1x640x128xf32, #tpu.memory_space<hbm>> -> memref<640x128xf32, #tpu.memory_space<hbm>>
      %dma_wait3A_24 = arith.constant 0 : i32
      %dma_wait3A_25 = tpu.memref_slice %arg7[%mul3A_0, %dma_wait3A_24] : memref<10240x128xf32, #tpu.memory_space<vmem_shared>> -> memref<640x128xf32, #tpu.memory_space<vmem_shared>>
      tpu.wait_dma2 semaphore(%run_scoped3A : memref<!tpu.dma_semaphore, #tpu.memory_space<semaphore_mem>>) src(%dma_wait3A_25 : memref<640x128xf32, #tpu.memory_space<vmem_shared>>) dst(%dma_wait3A_23 : memref<640x128xf32, #tpu.memory_space<hbm>>)
      tpu.yield
    }) : () -> ()
    return
  }
}

#map = affine_map<(d0, d1) -> (0, 0)>
#map1 = affine_map<(d0, d1) -> (0, 0, 0)>
module attributes {stable_mosaic.version = 14 : i64} {
  func.func @agg(%arg0: i32, %arg1: i32, %arg2: memref<10240x128xf32, #tpu.memory_space<hbm>>, %arg3: memref<10240x128xf32, #tpu.memory_space<hbm>>, %arg4: memref<16x160x128xi32, #tpu.memory_space<hbm>>, %arg5: memref<16x160x128xi32, #tpu.memory_space<hbm>>, %arg6: memref<2x10240x128xf32, #tpu.memory_space<hbm>>, %arg7: memref<10240x128xf32, #tpu.memory_space<vmem_shared>>, %arg8: memref<80x128xi32, #tpu.memory_space<vmem>>, %arg9: memref<80x128xi32, #tpu.memory_space<vmem>>, %arg10: memref<128x128xf32, #tpu.memory_space<vmem>>, %arg11: memref<!tpu.dma_semaphore, #tpu.memory_space<semaphore_mem>>) attributes {dimension_semantics = [#tpu.dimension_semantics<core_parallel>, #tpu.dimension_semantics<subcore_parallel>], iteration_bounds = array<i64: 2, 16>, scalar_prefetch = 0 : i64, scratch_operands = 5 : i64, tpu.core_type = #tpu.core_type<sc_vector_subcore>, window_params = [{transform_indices = #map}, {transform_indices = #map}, {transform_indices = #map1}, {transform_indices = #map1}, {transform_indices = #map1}]} {
    %mul3A = arith.constant 640 : i32
    %mul3A_0 = arith.muli %arg1, %mul3A : i32
    %eq3A = arith.constant 0 : i32
    %eq3A_1 = arith.cmpi eq, %arg0, %eq3A : i32
    %convert_element_type3A = arith.extui %eq3A_1 : i1 to i32
    %cond3A = arith.constant 0 : i32
    %cond3A_2 = arith.cmpi ne, %convert_element_type3A, %cond3A : i32
    scf.if %cond3A_2 {
      "tpu.region"() ({
        %run_scoped3A = tpu.sem_alloc : memref<!tpu.dma_semaphore, #tpu.memory_space<semaphore_mem>>
        %dma_start3A = arith.constant 0 : i32
        %dma_start3A_18 = tpu.memref_slice %arg7[%mul3A_0, %dma_start3A] : memref<10240x128xf32, #tpu.memory_space<vmem_shared>> -> memref<640x128xf32, #tpu.memory_space<vmem_shared>>
        %dma_start3A_19 = arith.constant 0 : i32
        %dma_start3A_20 = tpu.memref_slice %arg2[%mul3A_0, %dma_start3A_19] : memref<10240x128xf32, #tpu.memory_space<hbm>> -> memref<640x128xf32, #tpu.memory_space<hbm>>
        tpu.enqueue_dma source(%dma_start3A_20 : memref<640x128xf32, #tpu.memory_space<hbm>>) target(%dma_start3A_18 : memref<640x128xf32, #tpu.memory_space<vmem_shared>>) target_semaphore(%run_scoped3A : memref<!tpu.dma_semaphore, #tpu.memory_space<semaphore_mem>>)
        %dma_wait3A = arith.constant 0 : i32
        %dma_wait3A_21 = tpu.memref_slice %arg7[%mul3A_0, %dma_wait3A] : memref<10240x128xf32, #tpu.memory_space<vmem_shared>> -> memref<640x128xf32, #tpu.memory_space<vmem_shared>>
        %dma_wait3A_22 = arith.constant 0 : i32
        %dma_wait3A_23 = tpu.memref_slice %arg2[%mul3A_0, %dma_wait3A_22] : memref<10240x128xf32, #tpu.memory_space<hbm>> -> memref<640x128xf32, #tpu.memory_space<hbm>>
        tpu.wait_dma2 semaphore(%run_scoped3A : memref<!tpu.dma_semaphore, #tpu.memory_space<semaphore_mem>>) src(%dma_wait3A_23 : memref<640x128xf32, #tpu.memory_space<hbm>>) dst(%dma_wait3A_21 : memref<640x128xf32, #tpu.memory_space<vmem_shared>>)
        tpu.yield
      }) : () -> ()
    } else {
    }
    %ne3A = arith.constant 0 : i32
    %ne3A_3 = arith.cmpi ne, %arg0, %ne3A : i32
    %convert_element_type3A_4 = arith.extui %ne3A_3 : i1 to i32
    %cond3A_5 = arith.constant 0 : i32
    %cond3A_6 = arith.cmpi ne, %convert_element_type3A_4, %cond3A_5 : i32
    scf.if %cond3A_6 {
      "tpu.region"() ({
        %run_scoped3A = tpu.sem_alloc : memref<!tpu.dma_semaphore, #tpu.memory_space<semaphore_mem>>
        %dma_start3A = arith.constant 0 : i32
        %dma_start3A_18 = tpu.memref_slice %arg7[%mul3A_0, %dma_start3A] : memref<10240x128xf32, #tpu.memory_space<vmem_shared>> -> memref<640x128xf32, #tpu.memory_space<vmem_shared>>
        %dma_start3A_19 = arith.constant 0 : i32
        %dma_start3A_20 = tpu.memref_slice %arg3[%mul3A_0, %dma_start3A_19] : memref<10240x128xf32, #tpu.memory_space<hbm>> -> memref<640x128xf32, #tpu.memory_space<hbm>>
        tpu.enqueue_dma source(%dma_start3A_20 : memref<640x128xf32, #tpu.memory_space<hbm>>) target(%dma_start3A_18 : memref<640x128xf32, #tpu.memory_space<vmem_shared>>) target_semaphore(%run_scoped3A : memref<!tpu.dma_semaphore, #tpu.memory_space<semaphore_mem>>)
        %dma_wait3A = arith.constant 0 : i32
        %dma_wait3A_21 = tpu.memref_slice %arg7[%mul3A_0, %dma_wait3A] : memref<10240x128xf32, #tpu.memory_space<vmem_shared>> -> memref<640x128xf32, #tpu.memory_space<vmem_shared>>
        %dma_wait3A_22 = arith.constant 0 : i32
        %dma_wait3A_23 = tpu.memref_slice %arg3[%mul3A_0, %dma_wait3A_22] : memref<10240x128xf32, #tpu.memory_space<hbm>> -> memref<640x128xf32, #tpu.memory_space<hbm>>
        tpu.wait_dma2 semaphore(%run_scoped3A : memref<!tpu.dma_semaphore, #tpu.memory_space<semaphore_mem>>) src(%dma_wait3A_23 : memref<640x128xf32, #tpu.memory_space<hbm>>) dst(%dma_wait3A_21 : memref<640x128xf32, #tpu.memory_space<vmem_shared>>)
        tpu.yield
      }) : () -> ()
    } else {
    }
    %mul3A_7 = arith.constant 80 : i32
    %mul3A_8 = arith.muli %arg0, %mul3A_7 : i32
    "tpu.region"() ({
      %run_scoped3A = tpu.sem_alloc : memref<!tpu.dma_semaphore, #tpu.memory_space<semaphore_mem>>
      %dma_start3A = arith.constant 0 : i32
      %dma_start3A_18 = tpu.memref_slice %arg4[%arg1, %mul3A_8, %dma_start3A] : memref<16x160x128xi32, #tpu.memory_space<hbm>> -> memref<1x80x128xi32, #tpu.memory_space<hbm>>
      %dma_start3A_19 = tpu.memref_squeeze %dma_start3A_18 : memref<1x80x128xi32, #tpu.memory_space<hbm>> -> memref<80x128xi32, #tpu.memory_space<hbm>>
      %dma_start3A_20 = arith.constant 0 : i32
      %dma_start3A_21 = tpu.memref_slice %arg4[%arg1, %mul3A_8, %dma_start3A_20] : memref<16x160x128xi32, #tpu.memory_space<hbm>> -> memref<1x80x128xi32, #tpu.memory_space<hbm>>
      %dma_start3A_22 = tpu.memref_squeeze %dma_start3A_21 : memref<1x80x128xi32, #tpu.memory_space<hbm>> -> memref<80x128xi32, #tpu.memory_space<hbm>>
      tpu.enqueue_dma source(%dma_start3A_22 : memref<80x128xi32, #tpu.memory_space<hbm>>) target(%arg8 : memref<80x128xi32, #tpu.memory_space<vmem>>) target_semaphore(%run_scoped3A : memref<!tpu.dma_semaphore, #tpu.memory_space<semaphore_mem>>)
      %dma_wait3A = arith.constant 0 : i32
      %dma_wait3A_23 = tpu.memref_slice %arg4[%arg1, %mul3A_8, %dma_wait3A] : memref<16x160x128xi32, #tpu.memory_space<hbm>> -> memref<1x80x128xi32, #tpu.memory_space<hbm>>
      %dma_wait3A_24 = tpu.memref_squeeze %dma_wait3A_23 : memref<1x80x128xi32, #tpu.memory_space<hbm>> -> memref<80x128xi32, #tpu.memory_space<hbm>>
      %dma_wait3A_25 = arith.constant 0 : i32
      %dma_wait3A_26 = tpu.memref_slice %arg4[%arg1, %mul3A_8, %dma_wait3A_25] : memref<16x160x128xi32, #tpu.memory_space<hbm>> -> memref<1x80x128xi32, #tpu.memory_space<hbm>>
      %dma_wait3A_27 = tpu.memref_squeeze %dma_wait3A_26 : memref<1x80x128xi32, #tpu.memory_space<hbm>> -> memref<80x128xi32, #tpu.memory_space<hbm>>
      tpu.wait_dma2 semaphore(%run_scoped3A : memref<!tpu.dma_semaphore, #tpu.memory_space<semaphore_mem>>) src(%dma_wait3A_27 : memref<80x128xi32, #tpu.memory_space<hbm>>) dst(%arg8 : memref<80x128xi32, #tpu.memory_space<vmem>>)
      tpu.yield
    }) : () -> ()
    %mul3A_9 = arith.constant 80 : i32
    %mul3A_10 = arith.muli %arg0, %mul3A_9 : i32
    "tpu.region"() ({
      %run_scoped3A = tpu.sem_alloc : memref<!tpu.dma_semaphore, #tpu.memory_space<semaphore_mem>>
      %dma_start3A = arith.constant 0 : i32
      %dma_start3A_18 = tpu.memref_slice %arg5[%arg1, %mul3A_10, %dma_start3A] : memref<16x160x128xi32, #tpu.memory_space<hbm>> -> memref<1x80x128xi32, #tpu.memory_space<hbm>>
      %dma_start3A_19 = tpu.memref_squeeze %dma_start3A_18 : memref<1x80x128xi32, #tpu.memory_space<hbm>> -> memref<80x128xi32, #tpu.memory_space<hbm>>
      %dma_start3A_20 = arith.constant 0 : i32
      %dma_start3A_21 = tpu.memref_slice %arg5[%arg1, %mul3A_10, %dma_start3A_20] : memref<16x160x128xi32, #tpu.memory_space<hbm>> -> memref<1x80x128xi32, #tpu.memory_space<hbm>>
      %dma_start3A_22 = tpu.memref_squeeze %dma_start3A_21 : memref<1x80x128xi32, #tpu.memory_space<hbm>> -> memref<80x128xi32, #tpu.memory_space<hbm>>
      tpu.enqueue_dma source(%dma_start3A_22 : memref<80x128xi32, #tpu.memory_space<hbm>>) target(%arg9 : memref<80x128xi32, #tpu.memory_space<vmem>>) target_semaphore(%run_scoped3A : memref<!tpu.dma_semaphore, #tpu.memory_space<semaphore_mem>>)
      %dma_wait3A = arith.constant 0 : i32
      %dma_wait3A_23 = tpu.memref_slice %arg5[%arg1, %mul3A_10, %dma_wait3A] : memref<16x160x128xi32, #tpu.memory_space<hbm>> -> memref<1x80x128xi32, #tpu.memory_space<hbm>>
      %dma_wait3A_24 = tpu.memref_squeeze %dma_wait3A_23 : memref<1x80x128xi32, #tpu.memory_space<hbm>> -> memref<80x128xi32, #tpu.memory_space<hbm>>
      %dma_wait3A_25 = arith.constant 0 : i32
      %dma_wait3A_26 = tpu.memref_slice %arg5[%arg1, %mul3A_10, %dma_wait3A_25] : memref<16x160x128xi32, #tpu.memory_space<hbm>> -> memref<1x80x128xi32, #tpu.memory_space<hbm>>
      %dma_wait3A_27 = tpu.memref_squeeze %dma_wait3A_26 : memref<1x80x128xi32, #tpu.memory_space<hbm>> -> memref<80x128xi32, #tpu.memory_space<hbm>>
      tpu.wait_dma2 semaphore(%run_scoped3A : memref<!tpu.dma_semaphore, #tpu.memory_space<semaphore_mem>>) src(%dma_wait3A_27 : memref<80x128xi32, #tpu.memory_space<hbm>>) dst(%arg9 : memref<80x128xi32, #tpu.memory_space<vmem>>)
      tpu.yield
    }) : () -> ()
    %barrier3A = arith.constant 0 : index
    tpu.barrier barrier_id(%barrier3A)
    %scan3A = arith.constant 0 : i32
    %scan3A_11 = arith.constant 0 : i32
    %scan3A_12 = arith.constant 80 : i32
    %scan3A_13 = arith.addi %scan3A_11, %scan3A_12 : i32
    %scan3A_14 = arith.constant 1 : i32
    %scan3A_15 = scf.for %scan3A_18 = %scan3A_11 to %scan3A_13 step %scan3A_14 iter_args(%scan3A_19 = %scan3A) -> (i32)  : i32 {
      %dma_start3A = arith.constant 0 : i32
      %dma_start3A_20 = tpu.memref_slice %arg8[%scan3A_18, %dma_start3A] : memref<80x128xi32, #tpu.memory_space<vmem>> -> memref<1x128xi32, #tpu.memory_space<vmem>>
      %dma_start3A_21 = tpu.memref_squeeze %dma_start3A_20 : memref<1x128xi32, #tpu.memory_space<vmem>> -> memref<128xi32, #tpu.memory_space<vmem>>
      %dma_start3A_22 = arith.constant 0 : i32
      %dma_start3A_23 = arith.constant 0 : i32
      %dma_start3A_24 = tpu.memref_slice %arg2[%dma_start3A_22, %dma_start3A_23] : memref<10240x128xf32, #tpu.memory_space<hbm>> -> memref<10240x128xf32, #tpu.memory_space<hbm>>
      tpu.enqueue_indirect_dma source(%dma_start3A_24 : memref<10240x128xf32, #tpu.memory_space<hbm>>) target(%arg10 : memref<128x128xf32, #tpu.memory_space<vmem>>) offsets(%dma_start3A_21 : memref<128xi32, #tpu.memory_space<vmem>>) semaphore(%arg11 : memref<!tpu.dma_semaphore, #tpu.memory_space<semaphore_mem>>)
      %dma_wait3A = arith.constant 0 : i32
      %dma_wait3A_25 = tpu.memref_slice %arg8[%scan3A_18, %dma_wait3A] : memref<80x128xi32, #tpu.memory_space<vmem>> -> memref<1x128xi32, #tpu.memory_space<vmem>>
      %dma_wait3A_26 = tpu.memref_squeeze %dma_wait3A_25 : memref<1x128xi32, #tpu.memory_space<vmem>> -> memref<128xi32, #tpu.memory_space<vmem>>
      %dma_wait3A_27 = arith.constant 0 : i32
      %dma_wait3A_28 = arith.constant 0 : i32
      %dma_wait3A_29 = tpu.memref_slice %arg2[%dma_wait3A_27, %dma_wait3A_28] : memref<10240x128xf32, #tpu.memory_space<hbm>> -> memref<10240x128xf32, #tpu.memory_space<hbm>>
      tpu.wait_indirect_dma semaphore(%arg11 : memref<!tpu.dma_semaphore, #tpu.memory_space<semaphore_mem>>) src(%dma_wait3A_29 : memref<10240x128xf32, #tpu.memory_space<hbm>>) dst(%arg10 : memref<128x128xf32, #tpu.memory_space<vmem>>)
      "tpu.region"() ({
        %run_scoped3A = tpu.sem_alloc : memref<!tpu.dma_semaphore, #tpu.memory_space<semaphore_mem>>
        %dma_start3A_31 = arith.constant 0 : i32
        %dma_start3A_32 = tpu.memref_slice %arg9[%scan3A_18, %dma_start3A_31] : memref<80x128xi32, #tpu.memory_space<vmem>> -> memref<1x128xi32, #tpu.memory_space<vmem>>
        %dma_start3A_33 = tpu.memref_squeeze %dma_start3A_32 : memref<1x128xi32, #tpu.memory_space<vmem>> -> memref<128xi32, #tpu.memory_space<vmem>>
        %dma_start3A_34 = arith.constant 0 : i32
        %dma_start3A_35 = arith.constant 0 : i32
        %dma_start3A_36 = tpu.memref_slice %arg7[%dma_start3A_34, %dma_start3A_35] : memref<10240x128xf32, #tpu.memory_space<vmem_shared>> -> memref<10240x128xf32, #tpu.memory_space<vmem_shared>>
        tpu.enqueue_indirect_dma source(%arg10 : memref<128x128xf32, #tpu.memory_space<vmem>>) target(%dma_start3A_36 : memref<10240x128xf32, #tpu.memory_space<vmem_shared>>) offsets(%dma_start3A_33 : memref<128xi32, #tpu.memory_space<vmem>>) semaphore(%run_scoped3A : memref<!tpu.dma_semaphore, #tpu.memory_space<semaphore_mem>>) {add = true}
        %dma_wait3A_37 = arith.constant 0 : i32
        %dma_wait3A_38 = tpu.memref_slice %arg9[%scan3A_18, %dma_wait3A_37] : memref<80x128xi32, #tpu.memory_space<vmem>> -> memref<1x128xi32, #tpu.memory_space<vmem>>
        %dma_wait3A_39 = tpu.memref_squeeze %dma_wait3A_38 : memref<1x128xi32, #tpu.memory_space<vmem>> -> memref<128xi32, #tpu.memory_space<vmem>>
        %dma_wait3A_40 = arith.constant 0 : i32
        %dma_wait3A_41 = arith.constant 0 : i32
        %dma_wait3A_42 = tpu.memref_slice %arg7[%dma_wait3A_40, %dma_wait3A_41] : memref<10240x128xf32, #tpu.memory_space<vmem_shared>> -> memref<10240x128xf32, #tpu.memory_space<vmem_shared>>
        tpu.wait_indirect_dma semaphore(%run_scoped3A : memref<!tpu.dma_semaphore, #tpu.memory_space<semaphore_mem>>) src(%arg10 : memref<128x128xf32, #tpu.memory_space<vmem>>) dst(%dma_wait3A_42 : memref<10240x128xf32, #tpu.memory_space<vmem_shared>>)
        tpu.yield
      }) : () -> ()
      %scan3A_30 = arith.constant 0 : i32
      scf.yield %scan3A_30 : i32
    }
    %scan3A_16 = arith.constant 80 : i32
    %barrier3A_17 = arith.constant 0 : index
    tpu.barrier barrier_id(%barrier3A_17)
    "tpu.region"() ({
      %run_scoped3A = tpu.sem_alloc : memref<!tpu.dma_semaphore, #tpu.memory_space<semaphore_mem>>
      %dma_start3A = arith.constant 0 : i32
      %dma_start3A_18 = tpu.memref_slice %arg6[%arg0, %mul3A_0, %dma_start3A] : memref<2x10240x128xf32, #tpu.memory_space<hbm>> -> memref<1x640x128xf32, #tpu.memory_space<hbm>>
      %dma_start3A_19 = tpu.memref_squeeze %dma_start3A_18 : memref<1x640x128xf32, #tpu.memory_space<hbm>> -> memref<640x128xf32, #tpu.memory_space<hbm>>
      %dma_start3A_20 = arith.constant 0 : i32
      %dma_start3A_21 = tpu.memref_slice %arg7[%mul3A_0, %dma_start3A_20] : memref<10240x128xf32, #tpu.memory_space<vmem_shared>> -> memref<640x128xf32, #tpu.memory_space<vmem_shared>>
      tpu.enqueue_dma source(%dma_start3A_21 : memref<640x128xf32, #tpu.memory_space<vmem_shared>>) target(%dma_start3A_19 : memref<640x128xf32, #tpu.memory_space<hbm>>) target_semaphore(%run_scoped3A : memref<!tpu.dma_semaphore, #tpu.memory_space<semaphore_mem>>)
      %dma_wait3A = arith.constant 0 : i32
      %dma_wait3A_22 = tpu.memref_slice %arg6[%arg0, %mul3A_0, %dma_wait3A] : memref<2x10240x128xf32, #tpu.memory_space<hbm>> -> memref<1x640x128xf32, #tpu.memory_space<hbm>>
      %dma_wait3A_23 = tpu.memref_squeeze %dma_wait3A_22 : memref<1x640x128xf32, #tpu.memory_space<hbm>> -> memref<640x128xf32, #tpu.memory_space<hbm>>
      %dma_wait3A_24 = arith.constant 0 : i32
      %dma_wait3A_25 = tpu.memref_slice %arg7[%mul3A_0, %dma_wait3A_24] : memref<10240x128xf32, #tpu.memory_space<vmem_shared>> -> memref<640x128xf32, #tpu.memory_space<vmem_shared>>
      tpu.wait_dma2 semaphore(%run_scoped3A : memref<!tpu.dma_semaphore, #tpu.memory_space<semaphore_mem>>) src(%dma_wait3A_25 : memref<640x128xf32, #tpu.memory_space<vmem_shared>>) dst(%dma_wait3A_23 : memref<640x128xf32, #tpu.memory_space<hbm>>)
      tpu.yield
    }) : () -> ()
    return
  }
}

#map = affine_map<(d0, d1) -> (0, 0)>
#map1 = affine_map<(d0, d1) -> (0, 0, 0)>
module attributes {stable_mosaic.version = 14 : i64} {
  func.func @agg(%arg0: i32, %arg1: i32, %arg2: memref<10240x128xf32, #tpu.memory_space<hbm>>, %arg3: memref<10240x128xf32, #tpu.memory_space<hbm>>, %arg4: memref<16x160x128xi32, #tpu.memory_space<hbm>>, %arg5: memref<16x160x128xi32, #tpu.memory_space<hbm>>, %arg6: memref<2x10240x128xf32, #tpu.memory_space<hbm>>, %arg7: memref<10240x128xf32, #tpu.memory_space<vmem_shared>>, %arg8: memref<80x128xi32, #tpu.memory_space<vmem>>, %arg9: memref<80x128xi32, #tpu.memory_space<vmem>>, %arg10: memref<128x128xf32, #tpu.memory_space<vmem>>, %arg11: memref<!tpu.dma_semaphore, #tpu.memory_space<semaphore_mem>>) attributes {dimension_semantics = [#tpu.dimension_semantics<core_parallel>, #tpu.dimension_semantics<subcore_parallel>], iteration_bounds = array<i64: 2, 16>, scalar_prefetch = 0 : i64, scratch_operands = 5 : i64, tpu.core_type = #tpu.core_type<sc_vector_subcore>, window_params = [{transform_indices = #map}, {transform_indices = #map}, {transform_indices = #map1}, {transform_indices = #map1}, {transform_indices = #map1}]} {
    %mul3A = arith.constant 640 : i32
    %mul3A_0 = arith.muli %arg1, %mul3A : i32
    %eq3A = arith.constant 0 : i32
    %eq3A_1 = arith.cmpi eq, %arg0, %eq3A : i32
    %convert_element_type3A = arith.extui %eq3A_1 : i1 to i32
    %cond3A = arith.constant 0 : i32
    %cond3A_2 = arith.cmpi ne, %convert_element_type3A, %cond3A : i32
    scf.if %cond3A_2 {
      "tpu.region"() ({
        %run_scoped3A = tpu.sem_alloc : memref<!tpu.dma_semaphore, #tpu.memory_space<semaphore_mem>>
        %dma_start3A = arith.constant 0 : i32
        %dma_start3A_18 = tpu.memref_slice %arg7[%mul3A_0, %dma_start3A] : memref<10240x128xf32, #tpu.memory_space<vmem_shared>> -> memref<640x128xf32, #tpu.memory_space<vmem_shared>>
        %dma_start3A_19 = arith.constant 0 : i32
        %dma_start3A_20 = tpu.memref_slice %arg2[%mul3A_0, %dma_start3A_19] : memref<10240x128xf32, #tpu.memory_space<hbm>> -> memref<640x128xf32, #tpu.memory_space<hbm>>
        tpu.enqueue_dma source(%dma_start3A_20 : memref<640x128xf32, #tpu.memory_space<hbm>>) target(%dma_start3A_18 : memref<640x128xf32, #tpu.memory_space<vmem_shared>>) target_semaphore(%run_scoped3A : memref<!tpu.dma_semaphore, #tpu.memory_space<semaphore_mem>>)
        %dma_wait3A = arith.constant 0 : i32
        %dma_wait3A_21 = tpu.memref_slice %arg7[%mul3A_0, %dma_wait3A] : memref<10240x128xf32, #tpu.memory_space<vmem_shared>> -> memref<640x128xf32, #tpu.memory_space<vmem_shared>>
        %dma_wait3A_22 = arith.constant 0 : i32
        %dma_wait3A_23 = tpu.memref_slice %arg2[%mul3A_0, %dma_wait3A_22] : memref<10240x128xf32, #tpu.memory_space<hbm>> -> memref<640x128xf32, #tpu.memory_space<hbm>>
        tpu.wait_dma2 semaphore(%run_scoped3A : memref<!tpu.dma_semaphore, #tpu.memory_space<semaphore_mem>>) src(%dma_wait3A_23 : memref<640x128xf32, #tpu.memory_space<hbm>>) dst(%dma_wait3A_21 : memref<640x128xf32, #tpu.memory_space<vmem_shared>>)
        tpu.yield
      }) : () -> ()
    } else {
    }
    %ne3A = arith.constant 0 : i32
    %ne3A_3 = arith.cmpi ne, %arg0, %ne3A : i32
    %convert_element_type3A_4 = arith.extui %ne3A_3 : i1 to i32
    %cond3A_5 = arith.constant 0 : i32
    %cond3A_6 = arith.cmpi ne, %convert_element_type3A_4, %cond3A_5 : i32
    scf.if %cond3A_6 {
      "tpu.region"() ({
        %run_scoped3A = tpu.sem_alloc : memref<!tpu.dma_semaphore, #tpu.memory_space<semaphore_mem>>
        %dma_start3A = arith.constant 0 : i32
        %dma_start3A_18 = tpu.memref_slice %arg7[%mul3A_0, %dma_start3A] : memref<10240x128xf32, #tpu.memory_space<vmem_shared>> -> memref<640x128xf32, #tpu.memory_space<vmem_shared>>
        %dma_start3A_19 = arith.constant 0 : i32
        %dma_start3A_20 = tpu.memref_slice %arg3[%mul3A_0, %dma_start3A_19] : memref<10240x128xf32, #tpu.memory_space<hbm>> -> memref<640x128xf32, #tpu.memory_space<hbm>>
        tpu.enqueue_dma source(%dma_start3A_20 : memref<640x128xf32, #tpu.memory_space<hbm>>) target(%dma_start3A_18 : memref<640x128xf32, #tpu.memory_space<vmem_shared>>) target_semaphore(%run_scoped3A : memref<!tpu.dma_semaphore, #tpu.memory_space<semaphore_mem>>)
        %dma_wait3A = arith.constant 0 : i32
        %dma_wait3A_21 = tpu.memref_slice %arg7[%mul3A_0, %dma_wait3A] : memref<10240x128xf32, #tpu.memory_space<vmem_shared>> -> memref<640x128xf32, #tpu.memory_space<vmem_shared>>
        %dma_wait3A_22 = arith.constant 0 : i32
        %dma_wait3A_23 = tpu.memref_slice %arg3[%mul3A_0, %dma_wait3A_22] : memref<10240x128xf32, #tpu.memory_space<hbm>> -> memref<640x128xf32, #tpu.memory_space<hbm>>
        tpu.wait_dma2 semaphore(%run_scoped3A : memref<!tpu.dma_semaphore, #tpu.memory_space<semaphore_mem>>) src(%dma_wait3A_23 : memref<640x128xf32, #tpu.memory_space<hbm>>) dst(%dma_wait3A_21 : memref<640x128xf32, #tpu.memory_space<vmem_shared>>)
        tpu.yield
      }) : () -> ()
    } else {
    }
    %mul3A_7 = arith.constant 80 : i32
    %mul3A_8 = arith.muli %arg0, %mul3A_7 : i32
    "tpu.region"() ({
      %run_scoped3A = tpu.sem_alloc : memref<!tpu.dma_semaphore, #tpu.memory_space<semaphore_mem>>
      %dma_start3A = arith.constant 0 : i32
      %dma_start3A_18 = tpu.memref_slice %arg4[%arg1, %mul3A_8, %dma_start3A] : memref<16x160x128xi32, #tpu.memory_space<hbm>> -> memref<1x80x128xi32, #tpu.memory_space<hbm>>
      %dma_start3A_19 = tpu.memref_squeeze %dma_start3A_18 : memref<1x80x128xi32, #tpu.memory_space<hbm>> -> memref<80x128xi32, #tpu.memory_space<hbm>>
      %dma_start3A_20 = arith.constant 0 : i32
      %dma_start3A_21 = tpu.memref_slice %arg4[%arg1, %mul3A_8, %dma_start3A_20] : memref<16x160x128xi32, #tpu.memory_space<hbm>> -> memref<1x80x128xi32, #tpu.memory_space<hbm>>
      %dma_start3A_22 = tpu.memref_squeeze %dma_start3A_21 : memref<1x80x128xi32, #tpu.memory_space<hbm>> -> memref<80x128xi32, #tpu.memory_space<hbm>>
      tpu.enqueue_dma source(%dma_start3A_22 : memref<80x128xi32, #tpu.memory_space<hbm>>) target(%arg8 : memref<80x128xi32, #tpu.memory_space<vmem>>) target_semaphore(%run_scoped3A : memref<!tpu.dma_semaphore, #tpu.memory_space<semaphore_mem>>)
      %dma_wait3A = arith.constant 0 : i32
      %dma_wait3A_23 = tpu.memref_slice %arg4[%arg1, %mul3A_8, %dma_wait3A] : memref<16x160x128xi32, #tpu.memory_space<hbm>> -> memref<1x80x128xi32, #tpu.memory_space<hbm>>
      %dma_wait3A_24 = tpu.memref_squeeze %dma_wait3A_23 : memref<1x80x128xi32, #tpu.memory_space<hbm>> -> memref<80x128xi32, #tpu.memory_space<hbm>>
      %dma_wait3A_25 = arith.constant 0 : i32
      %dma_wait3A_26 = tpu.memref_slice %arg4[%arg1, %mul3A_8, %dma_wait3A_25] : memref<16x160x128xi32, #tpu.memory_space<hbm>> -> memref<1x80x128xi32, #tpu.memory_space<hbm>>
      %dma_wait3A_27 = tpu.memref_squeeze %dma_wait3A_26 : memref<1x80x128xi32, #tpu.memory_space<hbm>> -> memref<80x128xi32, #tpu.memory_space<hbm>>
      tpu.wait_dma2 semaphore(%run_scoped3A : memref<!tpu.dma_semaphore, #tpu.memory_space<semaphore_mem>>) src(%dma_wait3A_27 : memref<80x128xi32, #tpu.memory_space<hbm>>) dst(%arg8 : memref<80x128xi32, #tpu.memory_space<vmem>>)
      tpu.yield
    }) : () -> ()
    %mul3A_9 = arith.constant 80 : i32
    %mul3A_10 = arith.muli %arg0, %mul3A_9 : i32
    "tpu.region"() ({
      %run_scoped3A = tpu.sem_alloc : memref<!tpu.dma_semaphore, #tpu.memory_space<semaphore_mem>>
      %dma_start3A = arith.constant 0 : i32
      %dma_start3A_18 = tpu.memref_slice %arg5[%arg1, %mul3A_10, %dma_start3A] : memref<16x160x128xi32, #tpu.memory_space<hbm>> -> memref<1x80x128xi32, #tpu.memory_space<hbm>>
      %dma_start3A_19 = tpu.memref_squeeze %dma_start3A_18 : memref<1x80x128xi32, #tpu.memory_space<hbm>> -> memref<80x128xi32, #tpu.memory_space<hbm>>
      %dma_start3A_20 = arith.constant 0 : i32
      %dma_start3A_21 = tpu.memref_slice %arg5[%arg1, %mul3A_10, %dma_start3A_20] : memref<16x160x128xi32, #tpu.memory_space<hbm>> -> memref<1x80x128xi32, #tpu.memory_space<hbm>>
      %dma_start3A_22 = tpu.memref_squeeze %dma_start3A_21 : memref<1x80x128xi32, #tpu.memory_space<hbm>> -> memref<80x128xi32, #tpu.memory_space<hbm>>
      tpu.enqueue_dma source(%dma_start3A_22 : memref<80x128xi32, #tpu.memory_space<hbm>>) target(%arg9 : memref<80x128xi32, #tpu.memory_space<vmem>>) target_semaphore(%run_scoped3A : memref<!tpu.dma_semaphore, #tpu.memory_space<semaphore_mem>>)
      %dma_wait3A = arith.constant 0 : i32
      %dma_wait3A_23 = tpu.memref_slice %arg5[%arg1, %mul3A_10, %dma_wait3A] : memref<16x160x128xi32, #tpu.memory_space<hbm>> -> memref<1x80x128xi32, #tpu.memory_space<hbm>>
      %dma_wait3A_24 = tpu.memref_squeeze %dma_wait3A_23 : memref<1x80x128xi32, #tpu.memory_space<hbm>> -> memref<80x128xi32, #tpu.memory_space<hbm>>
      %dma_wait3A_25 = arith.constant 0 : i32
      %dma_wait3A_26 = tpu.memref_slice %arg5[%arg1, %mul3A_10, %dma_wait3A_25] : memref<16x160x128xi32, #tpu.memory_space<hbm>> -> memref<1x80x128xi32, #tpu.memory_space<hbm>>
      %dma_wait3A_27 = tpu.memref_squeeze %dma_wait3A_26 : memref<1x80x128xi32, #tpu.memory_space<hbm>> -> memref<80x128xi32, #tpu.memory_space<hbm>>
      tpu.wait_dma2 semaphore(%run_scoped3A : memref<!tpu.dma_semaphore, #tpu.memory_space<semaphore_mem>>) src(%dma_wait3A_27 : memref<80x128xi32, #tpu.memory_space<hbm>>) dst(%arg9 : memref<80x128xi32, #tpu.memory_space<vmem>>)
      tpu.yield
    }) : () -> ()
    %barrier3A = arith.constant 0 : index
    tpu.barrier barrier_id(%barrier3A)
    %scan3A = arith.constant 0 : i32
    %scan3A_11 = arith.constant 0 : i32
    %scan3A_12 = arith.constant 80 : i32
    %scan3A_13 = arith.addi %scan3A_11, %scan3A_12 : i32
    %scan3A_14 = arith.constant 1 : i32
    %scan3A_15 = scf.for %scan3A_18 = %scan3A_11 to %scan3A_13 step %scan3A_14 iter_args(%scan3A_19 = %scan3A) -> (i32)  : i32 {
      %dma_start3A = arith.constant 0 : i32
      %dma_start3A_20 = tpu.memref_slice %arg8[%scan3A_18, %dma_start3A] : memref<80x128xi32, #tpu.memory_space<vmem>> -> memref<1x128xi32, #tpu.memory_space<vmem>>
      %dma_start3A_21 = tpu.memref_squeeze %dma_start3A_20 : memref<1x128xi32, #tpu.memory_space<vmem>> -> memref<128xi32, #tpu.memory_space<vmem>>
      %dma_start3A_22 = arith.constant 0 : i32
      %dma_start3A_23 = arith.constant 0 : i32
      %dma_start3A_24 = tpu.memref_slice %arg2[%dma_start3A_22, %dma_start3A_23] : memref<10240x128xf32, #tpu.memory_space<hbm>> -> memref<10240x128xf32, #tpu.memory_space<hbm>>
      tpu.enqueue_indirect_dma source(%dma_start3A_24 : memref<10240x128xf32, #tpu.memory_space<hbm>>) target(%arg10 : memref<128x128xf32, #tpu.memory_space<vmem>>) offsets(%dma_start3A_21 : memref<128xi32, #tpu.memory_space<vmem>>) semaphore(%arg11 : memref<!tpu.dma_semaphore, #tpu.memory_space<semaphore_mem>>)
      %dma_wait3A = arith.constant 0 : i32
      %dma_wait3A_25 = tpu.memref_slice %arg8[%scan3A_18, %dma_wait3A] : memref<80x128xi32, #tpu.memory_space<vmem>> -> memref<1x128xi32, #tpu.memory_space<vmem>>
      %dma_wait3A_26 = tpu.memref_squeeze %dma_wait3A_25 : memref<1x128xi32, #tpu.memory_space<vmem>> -> memref<128xi32, #tpu.memory_space<vmem>>
      %dma_wait3A_27 = arith.constant 0 : i32
      %dma_wait3A_28 = arith.constant 0 : i32
      %dma_wait3A_29 = tpu.memref_slice %arg2[%dma_wait3A_27, %dma_wait3A_28] : memref<10240x128xf32, #tpu.memory_space<hbm>> -> memref<10240x128xf32, #tpu.memory_space<hbm>>
      tpu.wait_indirect_dma semaphore(%arg11 : memref<!tpu.dma_semaphore, #tpu.memory_space<semaphore_mem>>) src(%dma_wait3A_29 : memref<10240x128xf32, #tpu.memory_space<hbm>>) dst(%arg10 : memref<128x128xf32, #tpu.memory_space<vmem>>)
      "tpu.region"() ({
        %run_scoped3A = tpu.sem_alloc : memref<!tpu.dma_semaphore, #tpu.memory_space<semaphore_mem>>
        %dma_start3A_31 = arith.constant 0 : i32
        %dma_start3A_32 = tpu.memref_slice %arg9[%scan3A_18, %dma_start3A_31] : memref<80x128xi32, #tpu.memory_space<vmem>> -> memref<1x128xi32, #tpu.memory_space<vmem>>
        %dma_start3A_33 = tpu.memref_squeeze %dma_start3A_32 : memref<1x128xi32, #tpu.memory_space<vmem>> -> memref<128xi32, #tpu.memory_space<vmem>>
        %dma_start3A_34 = arith.constant 0 : i32
        %dma_start3A_35 = arith.constant 0 : i32
        %dma_start3A_36 = tpu.memref_slice %arg7[%dma_start3A_34, %dma_start3A_35] : memref<10240x128xf32, #tpu.memory_space<vmem_shared>> -> memref<10240x128xf32, #tpu.memory_space<vmem_shared>>
        tpu.enqueue_indirect_dma source(%arg10 : memref<128x128xf32, #tpu.memory_space<vmem>>) target(%dma_start3A_36 : memref<10240x128xf32, #tpu.memory_space<vmem_shared>>) offsets(%dma_start3A_33 : memref<128xi32, #tpu.memory_space<vmem>>) semaphore(%run_scoped3A : memref<!tpu.dma_semaphore, #tpu.memory_space<semaphore_mem>>) {add = true}
        %dma_wait3A_37 = arith.constant 0 : i32
        %dma_wait3A_38 = tpu.memref_slice %arg9[%scan3A_18, %dma_wait3A_37] : memref<80x128xi32, #tpu.memory_space<vmem>> -> memref<1x128xi32, #tpu.memory_space<vmem>>
        %dma_wait3A_39 = tpu.memref_squeeze %dma_wait3A_38 : memref<1x128xi32, #tpu.memory_space<vmem>> -> memref<128xi32, #tpu.memory_space<vmem>>
        %dma_wait3A_40 = arith.constant 0 : i32
        %dma_wait3A_41 = arith.constant 0 : i32
        %dma_wait3A_42 = tpu.memref_slice %arg7[%dma_wait3A_40, %dma_wait3A_41] : memref<10240x128xf32, #tpu.memory_space<vmem_shared>> -> memref<10240x128xf32, #tpu.memory_space<vmem_shared>>
        tpu.wait_indirect_dma semaphore(%run_scoped3A : memref<!tpu.dma_semaphore, #tpu.memory_space<semaphore_mem>>) src(%arg10 : memref<128x128xf32, #tpu.memory_space<vmem>>) dst(%dma_wait3A_42 : memref<10240x128xf32, #tpu.memory_space<vmem_shared>>)
        tpu.yield
      }) : () -> ()
      %scan3A_30 = arith.constant 0 : i32
      scf.yield %scan3A_30 : i32
    }
    %scan3A_16 = arith.constant 80 : i32
    %barrier3A_17 = arith.constant 0 : index
    tpu.barrier barrier_id(%barrier3A_17)
    "tpu.region"() ({
      %run_scoped3A = tpu.sem_alloc : memref<!tpu.dma_semaphore, #tpu.memory_space<semaphore_mem>>
      %dma_start3A = arith.constant 0 : i32
      %dma_start3A_18 = tpu.memref_slice %arg6[%arg0, %mul3A_0, %dma_start3A] : memref<2x10240x128xf32, #tpu.memory_space<hbm>> -> memref<1x640x128xf32, #tpu.memory_space<hbm>>
      %dma_start3A_19 = tpu.memref_squeeze %dma_start3A_18 : memref<1x640x128xf32, #tpu.memory_space<hbm>> -> memref<640x128xf32, #tpu.memory_space<hbm>>
      %dma_start3A_20 = arith.constant 0 : i32
      %dma_start3A_21 = tpu.memref_slice %arg7[%mul3A_0, %dma_start3A_20] : memref<10240x128xf32, #tpu.memory_space<vmem_shared>> -> memref<640x128xf32, #tpu.memory_space<vmem_shared>>
      tpu.enqueue_dma source(%dma_start3A_21 : memref<640x128xf32, #tpu.memory_space<vmem_shared>>) target(%dma_start3A_19 : memref<640x128xf32, #tpu.memory_space<hbm>>) target_semaphore(%run_scoped3A : memref<!tpu.dma_semaphore, #tpu.memory_space<semaphore_mem>>)
      %dma_wait3A = arith.constant 0 : i32
      %dma_wait3A_22 = tpu.memref_slice %arg6[%arg0, %mul3A_0, %dma_wait3A] : memref<2x10240x128xf32, #tpu.memory_space<hbm>> -> memref<1x640x128xf32, #tpu.memory_space<hbm>>
      %dma_wait3A_23 = tpu.memref_squeeze %dma_wait3A_22 : memref<1x640x128xf32, #tpu.memory_space<hbm>> -> memref<640x128xf32, #tpu.memory_space<hbm>>
      %dma_wait3A_24 = arith.constant 0 : i32
      %dma_wait3A_25 = tpu.memref_slice %arg7[%mul3A_0, %dma_wait3A_24] : memref<10240x128xf32, #tpu.memory_space<vmem_shared>> -> memref<640x128xf32, #tpu.memory_space<vmem_shared>>
      tpu.wait_dma2 semaphore(%run_scoped3A : memref<!tpu.dma_semaphore, #tpu.memory_space<semaphore_mem>>) src(%dma_wait3A_25 : memref<640x128xf32, #tpu.memory_space<vmem_shared>>) dst(%dma_wait3A_23 : memref<640x128xf32, #tpu.memory_space<hbm>>)
      tpu.yield
    }) : () -> ()
    return
  }
}

#map = affine_map<(d0, d1) -> (0, 0)>
#map1 = affine_map<(d0, d1) -> (0, 0, 0)>
module attributes {stable_mosaic.version = 14 : i64} {
  func.func @agg(%arg0: i32, %arg1: i32, %arg2: memref<10240x128xf32, #tpu.memory_space<hbm>>, %arg3: memref<10240x128xf32, #tpu.memory_space<hbm>>, %arg4: memref<16x160x128xi32, #tpu.memory_space<hbm>>, %arg5: memref<16x160x128xi32, #tpu.memory_space<hbm>>, %arg6: memref<2x10240x128xf32, #tpu.memory_space<hbm>>, %arg7: memref<10240x128xf32, #tpu.memory_space<vmem_shared>>, %arg8: memref<80x128xi32, #tpu.memory_space<vmem>>, %arg9: memref<80x128xi32, #tpu.memory_space<vmem>>, %arg10: memref<128x128xf32, #tpu.memory_space<vmem>>, %arg11: memref<!tpu.dma_semaphore, #tpu.memory_space<semaphore_mem>>) attributes {dimension_semantics = [#tpu.dimension_semantics<core_parallel>, #tpu.dimension_semantics<subcore_parallel>], iteration_bounds = array<i64: 2, 16>, scalar_prefetch = 0 : i64, scratch_operands = 5 : i64, tpu.core_type = #tpu.core_type<sc_vector_subcore>, window_params = [{transform_indices = #map}, {transform_indices = #map}, {transform_indices = #map1}, {transform_indices = #map1}, {transform_indices = #map1}]} {
    %mul3A = arith.constant 640 : i32
    %mul3A_0 = arith.muli %arg1, %mul3A : i32
    %eq3A = arith.constant 0 : i32
    %eq3A_1 = arith.cmpi eq, %arg0, %eq3A : i32
    %convert_element_type3A = arith.extui %eq3A_1 : i1 to i32
    %cond3A = arith.constant 0 : i32
    %cond3A_2 = arith.cmpi ne, %convert_element_type3A, %cond3A : i32
    scf.if %cond3A_2 {
      "tpu.region"() ({
        %run_scoped3A = tpu.sem_alloc : memref<!tpu.dma_semaphore, #tpu.memory_space<semaphore_mem>>
        %dma_start3A = arith.constant 0 : i32
        %dma_start3A_18 = tpu.memref_slice %arg7[%mul3A_0, %dma_start3A] : memref<10240x128xf32, #tpu.memory_space<vmem_shared>> -> memref<640x128xf32, #tpu.memory_space<vmem_shared>>
        %dma_start3A_19 = arith.constant 0 : i32
        %dma_start3A_20 = tpu.memref_slice %arg2[%mul3A_0, %dma_start3A_19] : memref<10240x128xf32, #tpu.memory_space<hbm>> -> memref<640x128xf32, #tpu.memory_space<hbm>>
        tpu.enqueue_dma source(%dma_start3A_20 : memref<640x128xf32, #tpu.memory_space<hbm>>) target(%dma_start3A_18 : memref<640x128xf32, #tpu.memory_space<vmem_shared>>) target_semaphore(%run_scoped3A : memref<!tpu.dma_semaphore, #tpu.memory_space<semaphore_mem>>)
        %dma_wait3A = arith.constant 0 : i32
        %dma_wait3A_21 = tpu.memref_slice %arg7[%mul3A_0, %dma_wait3A] : memref<10240x128xf32, #tpu.memory_space<vmem_shared>> -> memref<640x128xf32, #tpu.memory_space<vmem_shared>>
        %dma_wait3A_22 = arith.constant 0 : i32
        %dma_wait3A_23 = tpu.memref_slice %arg2[%mul3A_0, %dma_wait3A_22] : memref<10240x128xf32, #tpu.memory_space<hbm>> -> memref<640x128xf32, #tpu.memory_space<hbm>>
        tpu.wait_dma2 semaphore(%run_scoped3A : memref<!tpu.dma_semaphore, #tpu.memory_space<semaphore_mem>>) src(%dma_wait3A_23 : memref<640x128xf32, #tpu.memory_space<hbm>>) dst(%dma_wait3A_21 : memref<640x128xf32, #tpu.memory_space<vmem_shared>>)
        tpu.yield
      }) : () -> ()
    } else {
    }
    %ne3A = arith.constant 0 : i32
    %ne3A_3 = arith.cmpi ne, %arg0, %ne3A : i32
    %convert_element_type3A_4 = arith.extui %ne3A_3 : i1 to i32
    %cond3A_5 = arith.constant 0 : i32
    %cond3A_6 = arith.cmpi ne, %convert_element_type3A_4, %cond3A_5 : i32
    scf.if %cond3A_6 {
      "tpu.region"() ({
        %run_scoped3A = tpu.sem_alloc : memref<!tpu.dma_semaphore, #tpu.memory_space<semaphore_mem>>
        %dma_start3A = arith.constant 0 : i32
        %dma_start3A_18 = tpu.memref_slice %arg7[%mul3A_0, %dma_start3A] : memref<10240x128xf32, #tpu.memory_space<vmem_shared>> -> memref<640x128xf32, #tpu.memory_space<vmem_shared>>
        %dma_start3A_19 = arith.constant 0 : i32
        %dma_start3A_20 = tpu.memref_slice %arg3[%mul3A_0, %dma_start3A_19] : memref<10240x128xf32, #tpu.memory_space<hbm>> -> memref<640x128xf32, #tpu.memory_space<hbm>>
        tpu.enqueue_dma source(%dma_start3A_20 : memref<640x128xf32, #tpu.memory_space<hbm>>) target(%dma_start3A_18 : memref<640x128xf32, #tpu.memory_space<vmem_shared>>) target_semaphore(%run_scoped3A : memref<!tpu.dma_semaphore, #tpu.memory_space<semaphore_mem>>)
        %dma_wait3A = arith.constant 0 : i32
        %dma_wait3A_21 = tpu.memref_slice %arg7[%mul3A_0, %dma_wait3A] : memref<10240x128xf32, #tpu.memory_space<vmem_shared>> -> memref<640x128xf32, #tpu.memory_space<vmem_shared>>
        %dma_wait3A_22 = arith.constant 0 : i32
        %dma_wait3A_23 = tpu.memref_slice %arg3[%mul3A_0, %dma_wait3A_22] : memref<10240x128xf32, #tpu.memory_space<hbm>> -> memref<640x128xf32, #tpu.memory_space<hbm>>
        tpu.wait_dma2 semaphore(%run_scoped3A : memref<!tpu.dma_semaphore, #tpu.memory_space<semaphore_mem>>) src(%dma_wait3A_23 : memref<640x128xf32, #tpu.memory_space<hbm>>) dst(%dma_wait3A_21 : memref<640x128xf32, #tpu.memory_space<vmem_shared>>)
        tpu.yield
      }) : () -> ()
    } else {
    }
    %mul3A_7 = arith.constant 80 : i32
    %mul3A_8 = arith.muli %arg0, %mul3A_7 : i32
    "tpu.region"() ({
      %run_scoped3A = tpu.sem_alloc : memref<!tpu.dma_semaphore, #tpu.memory_space<semaphore_mem>>
      %dma_start3A = arith.constant 0 : i32
      %dma_start3A_18 = tpu.memref_slice %arg4[%arg1, %mul3A_8, %dma_start3A] : memref<16x160x128xi32, #tpu.memory_space<hbm>> -> memref<1x80x128xi32, #tpu.memory_space<hbm>>
      %dma_start3A_19 = tpu.memref_squeeze %dma_start3A_18 : memref<1x80x128xi32, #tpu.memory_space<hbm>> -> memref<80x128xi32, #tpu.memory_space<hbm>>
      %dma_start3A_20 = arith.constant 0 : i32
      %dma_start3A_21 = tpu.memref_slice %arg4[%arg1, %mul3A_8, %dma_start3A_20] : memref<16x160x128xi32, #tpu.memory_space<hbm>> -> memref<1x80x128xi32, #tpu.memory_space<hbm>>
      %dma_start3A_22 = tpu.memref_squeeze %dma_start3A_21 : memref<1x80x128xi32, #tpu.memory_space<hbm>> -> memref<80x128xi32, #tpu.memory_space<hbm>>
      tpu.enqueue_dma source(%dma_start3A_22 : memref<80x128xi32, #tpu.memory_space<hbm>>) target(%arg8 : memref<80x128xi32, #tpu.memory_space<vmem>>) target_semaphore(%run_scoped3A : memref<!tpu.dma_semaphore, #tpu.memory_space<semaphore_mem>>)
      %dma_wait3A = arith.constant 0 : i32
      %dma_wait3A_23 = tpu.memref_slice %arg4[%arg1, %mul3A_8, %dma_wait3A] : memref<16x160x128xi32, #tpu.memory_space<hbm>> -> memref<1x80x128xi32, #tpu.memory_space<hbm>>
      %dma_wait3A_24 = tpu.memref_squeeze %dma_wait3A_23 : memref<1x80x128xi32, #tpu.memory_space<hbm>> -> memref<80x128xi32, #tpu.memory_space<hbm>>
      %dma_wait3A_25 = arith.constant 0 : i32
      %dma_wait3A_26 = tpu.memref_slice %arg4[%arg1, %mul3A_8, %dma_wait3A_25] : memref<16x160x128xi32, #tpu.memory_space<hbm>> -> memref<1x80x128xi32, #tpu.memory_space<hbm>>
      %dma_wait3A_27 = tpu.memref_squeeze %dma_wait3A_26 : memref<1x80x128xi32, #tpu.memory_space<hbm>> -> memref<80x128xi32, #tpu.memory_space<hbm>>
      tpu.wait_dma2 semaphore(%run_scoped3A : memref<!tpu.dma_semaphore, #tpu.memory_space<semaphore_mem>>) src(%dma_wait3A_27 : memref<80x128xi32, #tpu.memory_space<hbm>>) dst(%arg8 : memref<80x128xi32, #tpu.memory_space<vmem>>)
      tpu.yield
    }) : () -> ()
    %mul3A_9 = arith.constant 80 : i32
    %mul3A_10 = arith.muli %arg0, %mul3A_9 : i32
    "tpu.region"() ({
      %run_scoped3A = tpu.sem_alloc : memref<!tpu.dma_semaphore, #tpu.memory_space<semaphore_mem>>
      %dma_start3A = arith.constant 0 : i32
      %dma_start3A_18 = tpu.memref_slice %arg5[%arg1, %mul3A_10, %dma_start3A] : memref<16x160x128xi32, #tpu.memory_space<hbm>> -> memref<1x80x128xi32, #tpu.memory_space<hbm>>
      %dma_start3A_19 = tpu.memref_squeeze %dma_start3A_18 : memref<1x80x128xi32, #tpu.memory_space<hbm>> -> memref<80x128xi32, #tpu.memory_space<hbm>>
      %dma_start3A_20 = arith.constant 0 : i32
      %dma_start3A_21 = tpu.memref_slice %arg5[%arg1, %mul3A_10, %dma_start3A_20] : memref<16x160x128xi32, #tpu.memory_space<hbm>> -> memref<1x80x128xi32, #tpu.memory_space<hbm>>
      %dma_start3A_22 = tpu.memref_squeeze %dma_start3A_21 : memref<1x80x128xi32, #tpu.memory_space<hbm>> -> memref<80x128xi32, #tpu.memory_space<hbm>>
      tpu.enqueue_dma source(%dma_start3A_22 : memref<80x128xi32, #tpu.memory_space<hbm>>) target(%arg9 : memref<80x128xi32, #tpu.memory_space<vmem>>) target_semaphore(%run_scoped3A : memref<!tpu.dma_semaphore, #tpu.memory_space<semaphore_mem>>)
      %dma_wait3A = arith.constant 0 : i32
      %dma_wait3A_23 = tpu.memref_slice %arg5[%arg1, %mul3A_10, %dma_wait3A] : memref<16x160x128xi32, #tpu.memory_space<hbm>> -> memref<1x80x128xi32, #tpu.memory_space<hbm>>
      %dma_wait3A_24 = tpu.memref_squeeze %dma_wait3A_23 : memref<1x80x128xi32, #tpu.memory_space<hbm>> -> memref<80x128xi32, #tpu.memory_space<hbm>>
      %dma_wait3A_25 = arith.constant 0 : i32
      %dma_wait3A_26 = tpu.memref_slice %arg5[%arg1, %mul3A_10, %dma_wait3A_25] : memref<16x160x128xi32, #tpu.memory_space<hbm>> -> memref<1x80x128xi32, #tpu.memory_space<hbm>>
      %dma_wait3A_27 = tpu.memref_squeeze %dma_wait3A_26 : memref<1x80x128xi32, #tpu.memory_space<hbm>> -> memref<80x128xi32, #tpu.memory_space<hbm>>
      tpu.wait_dma2 semaphore(%run_scoped3A : memref<!tpu.dma_semaphore, #tpu.memory_space<semaphore_mem>>) src(%dma_wait3A_27 : memref<80x128xi32, #tpu.memory_space<hbm>>) dst(%arg9 : memref<80x128xi32, #tpu.memory_space<vmem>>)
      tpu.yield
    }) : () -> ()
    %barrier3A = arith.constant 0 : index
    tpu.barrier barrier_id(%barrier3A)
    %scan3A = arith.constant 0 : i32
    %scan3A_11 = arith.constant 0 : i32
    %scan3A_12 = arith.constant 80 : i32
    %scan3A_13 = arith.addi %scan3A_11, %scan3A_12 : i32
    %scan3A_14 = arith.constant 1 : i32
    %scan3A_15 = scf.for %scan3A_18 = %scan3A_11 to %scan3A_13 step %scan3A_14 iter_args(%scan3A_19 = %scan3A) -> (i32)  : i32 {
      %dma_start3A = arith.constant 0 : i32
      %dma_start3A_20 = tpu.memref_slice %arg8[%scan3A_18, %dma_start3A] : memref<80x128xi32, #tpu.memory_space<vmem>> -> memref<1x128xi32, #tpu.memory_space<vmem>>
      %dma_start3A_21 = tpu.memref_squeeze %dma_start3A_20 : memref<1x128xi32, #tpu.memory_space<vmem>> -> memref<128xi32, #tpu.memory_space<vmem>>
      %dma_start3A_22 = arith.constant 0 : i32
      %dma_start3A_23 = arith.constant 0 : i32
      %dma_start3A_24 = tpu.memref_slice %arg2[%dma_start3A_22, %dma_start3A_23] : memref<10240x128xf32, #tpu.memory_space<hbm>> -> memref<10240x128xf32, #tpu.memory_space<hbm>>
      tpu.enqueue_indirect_dma source(%dma_start3A_24 : memref<10240x128xf32, #tpu.memory_space<hbm>>) target(%arg10 : memref<128x128xf32, #tpu.memory_space<vmem>>) offsets(%dma_start3A_21 : memref<128xi32, #tpu.memory_space<vmem>>) semaphore(%arg11 : memref<!tpu.dma_semaphore, #tpu.memory_space<semaphore_mem>>)
      %dma_wait3A = arith.constant 0 : i32
      %dma_wait3A_25 = tpu.memref_slice %arg8[%scan3A_18, %dma_wait3A] : memref<80x128xi32, #tpu.memory_space<vmem>> -> memref<1x128xi32, #tpu.memory_space<vmem>>
      %dma_wait3A_26 = tpu.memref_squeeze %dma_wait3A_25 : memref<1x128xi32, #tpu.memory_space<vmem>> -> memref<128xi32, #tpu.memory_space<vmem>>
      %dma_wait3A_27 = arith.constant 0 : i32
      %dma_wait3A_28 = arith.constant 0 : i32
      %dma_wait3A_29 = tpu.memref_slice %arg2[%dma_wait3A_27, %dma_wait3A_28] : memref<10240x128xf32, #tpu.memory_space<hbm>> -> memref<10240x128xf32, #tpu.memory_space<hbm>>
      tpu.wait_indirect_dma semaphore(%arg11 : memref<!tpu.dma_semaphore, #tpu.memory_space<semaphore_mem>>) src(%dma_wait3A_29 : memref<10240x128xf32, #tpu.memory_space<hbm>>) dst(%arg10 : memref<128x128xf32, #tpu.memory_space<vmem>>)
      "tpu.region"() ({
        %run_scoped3A = tpu.sem_alloc : memref<!tpu.dma_semaphore, #tpu.memory_space<semaphore_mem>>
        %dma_start3A_31 = arith.constant 0 : i32
        %dma_start3A_32 = tpu.memref_slice %arg9[%scan3A_18, %dma_start3A_31] : memref<80x128xi32, #tpu.memory_space<vmem>> -> memref<1x128xi32, #tpu.memory_space<vmem>>
        %dma_start3A_33 = tpu.memref_squeeze %dma_start3A_32 : memref<1x128xi32, #tpu.memory_space<vmem>> -> memref<128xi32, #tpu.memory_space<vmem>>
        %dma_start3A_34 = arith.constant 0 : i32
        %dma_start3A_35 = arith.constant 0 : i32
        %dma_start3A_36 = tpu.memref_slice %arg7[%dma_start3A_34, %dma_start3A_35] : memref<10240x128xf32, #tpu.memory_space<vmem_shared>> -> memref<10240x128xf32, #tpu.memory_space<vmem_shared>>
        tpu.enqueue_indirect_dma source(%arg10 : memref<128x128xf32, #tpu.memory_space<vmem>>) target(%dma_start3A_36 : memref<10240x128xf32, #tpu.memory_space<vmem_shared>>) offsets(%dma_start3A_33 : memref<128xi32, #tpu.memory_space<vmem>>) semaphore(%run_scoped3A : memref<!tpu.dma_semaphore, #tpu.memory_space<semaphore_mem>>) {add = true}
        %dma_wait3A_37 = arith.constant 0 : i32
        %dma_wait3A_38 = tpu.memref_slice %arg9[%scan3A_18, %dma_wait3A_37] : memref<80x128xi32, #tpu.memory_space<vmem>> -> memref<1x128xi32, #tpu.memory_space<vmem>>
        %dma_wait3A_39 = tpu.memref_squeeze %dma_wait3A_38 : memref<1x128xi32, #tpu.memory_space<vmem>> -> memref<128xi32, #tpu.memory_space<vmem>>
        %dma_wait3A_40 = arith.constant 0 : i32
        %dma_wait3A_41 = arith.constant 0 : i32
        %dma_wait3A_42 = tpu.memref_slice %arg7[%dma_wait3A_40, %dma_wait3A_41] : memref<10240x128xf32, #tpu.memory_space<vmem_shared>> -> memref<10240x128xf32, #tpu.memory_space<vmem_shared>>
        tpu.wait_indirect_dma semaphore(%run_scoped3A : memref<!tpu.dma_semaphore, #tpu.memory_space<semaphore_mem>>) src(%arg10 : memref<128x128xf32, #tpu.memory_space<vmem>>) dst(%dma_wait3A_42 : memref<10240x128xf32, #tpu.memory_space<vmem_shared>>)
        tpu.yield
      }) : () -> ()
      %scan3A_30 = arith.constant 0 : i32
      scf.yield %scan3A_30 : i32
    }
    %scan3A_16 = arith.constant 80 : i32
    %barrier3A_17 = arith.constant 0 : index
    tpu.barrier barrier_id(%barrier3A_17)
    "tpu.region"() ({
      %run_scoped3A = tpu.sem_alloc : memref<!tpu.dma_semaphore, #tpu.memory_space<semaphore_mem>>
      %dma_start3A = arith.constant 0 : i32
      %dma_start3A_18 = tpu.memref_slice %arg6[%arg0, %mul3A_0, %dma_start3A] : memref<2x10240x128xf32, #tpu.memory_space<hbm>> -> memref<1x640x128xf32, #tpu.memory_space<hbm>>
      %dma_start3A_19 = tpu.memref_squeeze %dma_start3A_18 : memref<1x640x128xf32, #tpu.memory_space<hbm>> -> memref<640x128xf32, #tpu.memory_space<hbm>>
      %dma_start3A_20 = arith.constant 0 : i32
      %dma_start3A_21 = tpu.memref_slice %arg7[%mul3A_0, %dma_start3A_20] : memref<10240x128xf32, #tpu.memory_space<vmem_shared>> -> memref<640x128xf32, #tpu.memory_space<vmem_shared>>
      tpu.enqueue_dma source(%dma_start3A_21 : memref<640x128xf32, #tpu.memory_space<vmem_shared>>) target(%dma_start3A_19 : memref<640x128xf32, #tpu.memory_space<hbm>>) target_semaphore(%run_scoped3A : memref<!tpu.dma_semaphore, #tpu.memory_space<semaphore_mem>>)
      %dma_wait3A = arith.constant 0 : i32
      %dma_wait3A_22 = tpu.memref_slice %arg6[%arg0, %mul3A_0, %dma_wait3A] : memref<2x10240x128xf32, #tpu.memory_space<hbm>> -> memref<1x640x128xf32, #tpu.memory_space<hbm>>
      %dma_wait3A_23 = tpu.memref_squeeze %dma_wait3A_22 : memref<1x640x128xf32, #tpu.memory_space<hbm>> -> memref<640x128xf32, #tpu.memory_space<hbm>>
      %dma_wait3A_24 = arith.constant 0 : i32
      %dma_wait3A_25 = tpu.memref_slice %arg7[%mul3A_0, %dma_wait3A_24] : memref<10240x128xf32, #tpu.memory_space<vmem_shared>> -> memref<640x128xf32, #tpu.memory_space<vmem_shared>>
      tpu.wait_dma2 semaphore(%run_scoped3A : memref<!tpu.dma_semaphore, #tpu.memory_space<semaphore_mem>>) src(%dma_wait3A_25 : memref<640x128xf32, #tpu.memory_space<vmem_shared>>) dst(%dma_wait3A_23 : memref<640x128xf32, #tpu.memory_space<hbm>>)
      tpu.yield
    }) : () -> ()
    return
  }
}

module attributes {stable_mosaic.version = 14 : i64} {
  func.func @body(%arg0: i32, %arg1: memref<128x128xf32, #tpu.memory_space<vmem>>, %arg2: memref<128x128xf32, #tpu.memory_space<vmem>>, %arg3: memref<2x128x16xf32, #tpu.memory_space<vmem>>, %arg4: memref<128x128xf32, #tpu.memory_space<vmem>>, %arg5: memref<128x128xf32, #tpu.memory_space<vmem>>) attributes {dimension_semantics = [#tpu.dimension_semantics<arbitrary>], iteration_bounds = array<i64: 80>, scalar_prefetch = 0 : i64, scratch_operands = 0 : i64, tpu.core_type = #tpu.core_type<tc>, window_params = [{transform_indices = @transform_0, window_bounds = array<i64: 128, 128>}, {pipeline_mode = #tpu.pipeline_mode<synchronous>, transform_indices = @transform_1, window_bounds = array<i64: 128, 128>}, {transform_indices = @transform_2, window_bounds = array<i64: 2, 128, 16>}, {transform_indices = @transform_3, window_bounds = array<i64: 128, 128>}, {transform_indices = @transform_4, window_bounds = array<i64: 128, 128>}]} {
    %get3A = arith.constant 0 : index
    %get3A_0 = arith.constant 0 : index
    %get3A_1 = arith.constant 0 : index
    %get3A_2 = vector.load %arg3[%get3A, %get3A_0, %get3A_1] : memref<2x128x16xf32, #tpu.memory_space<vmem>>, vector<1x128x16xf32>
    %get3A_3 = vector.shape_cast %get3A_2 : vector<1x128x16xf32> to vector<128x16xf32>
    %reduce_sum3A = arith.constant dense<0.000000e+00> : vector<128xf32>
    %reduce_sum3A_4 = vector.multi_reduction <add>, %get3A_3, %reduce_sum3A [1] : vector<128x16xf32> to vector<128xf32>
    %broadcast_in_dim3A = vector.shape_cast %reduce_sum3A_4 : vector<128xf32> to vector<128x1xf32>
    %get3A_5 = arith.constant 1 : index
    %get3A_6 = arith.constant 0 : index
    %get3A_7 = arith.constant 0 : index
    %get3A_8 = vector.load %arg3[%get3A_5, %get3A_6, %get3A_7] : memref<2x128x16xf32, #tpu.memory_space<vmem>>, vector<1x128x16xf32>
    %get3A_9 = vector.shape_cast %get3A_8 : vector<1x128x16xf32> to vector<128x16xf32>
    %reduce_sum3A_10 = arith.constant dense<0.000000e+00> : vector<128xf32>
    %reduce_sum3A_11 = vector.multi_reduction <add>, %get3A_9, %reduce_sum3A_10 [1] : vector<128x16xf32> to vector<128xf32>
    %broadcast_in_dim3A_12 = vector.shape_cast %reduce_sum3A_11 : vector<128xf32> to vector<128x1xf32>
    %add3A = arith.addf %broadcast_in_dim3A, %broadcast_in_dim3A_12 : vector<128x1xf32>
    %add3A_13 = arith.constant 1.000000e+00 : f32
    %add3A_14 = vector.broadcast %add3A_13 : f32 to vector<128x1xf32>
    %add3A_15 = arith.addf %add3A, %add3A_14 : vector<128x1xf32>
    %rsqrt3A = math.rsqrt %add3A_15 : vector<128x1xf32>
    %iota3A = tpu.iota {dimensions = array<i32: 0>} : vector<128x1xi32>
    %mul3A = arith.constant 128 : i32
    %mul3A_16 = arith.muli %arg0, %mul3A : i32
    %add3A_17 = vector.broadcast %mul3A_16 : i32 to vector<128x1xi32>
    %add3A_18 = arith.addi %iota3A, %add3A_17 : vector<128x1xi32>
    %lt3A = arith.constant 10000 : i32
    %lt3A_19 = vector.broadcast %lt3A : i32 to vector<128x1xi32>
    %lt3A_20 = arith.cmpi slt, %add3A_18, %lt3A_19 : vector<128x1xi32>
    %get3A_21 = arith.constant 0 : index
    %get3A_22 = arith.constant 0 : index
    %get3A_23 = vector.load %arg1[%get3A_21, %get3A_22] : memref<128x128xf32, #tpu.memory_space<vmem>>, vector<128x128xf32>
    %get3A_24 = arith.constant 0 : index
    %get3A_25 = arith.constant 0 : index
    %get3A_26 = vector.load %arg2[%get3A_24, %get3A_25] : memref<128x128xf32, #tpu.memory_space<vmem>>, vector<128x128xf32>
    %dot_general3A = arith.constant dense<0.000000e+00> : vector<128x128xf32>
    %dot_general3A_27 = tpu.matmul %get3A_23, %get3A_26, %dot_general3A {dimension_numbers = #tpu.dot_dimension_numbers<[1], [0], [0], [1], [0, 0, 1, 1], [], []>, transpose_lhs_hint = false} : vector<128x128xf32>, vector<128x128xf32>, vector<128x128xf32> -> vector<128x128xf32>
    %mul3A_28 = vector.broadcast %rsqrt3A : vector<128x1xf32> to vector<128x128xf32>
    %mul3A_29 = arith.mulf %dot_general3A_27, %mul3A_28 : vector<128x128xf32>
    %jit3A = arith.constant 0.000000e+00 : f32
    %broadcast_in_dim3A_30 = vector.shape_cast %lt3A_20 : vector<128x1xi1> to vector<128x1xi1>
    %broadcast_in_dim3A_31 = vector.broadcast %broadcast_in_dim3A_30 : vector<128x1xi1> to vector<128x128xi1>
    %broadcast_in_dim3A_32 = vector.broadcast %jit3A : f32 to vector<128x128xf32>
    %select_n3A = arith.select %broadcast_in_dim3A_31, %mul3A_29, %broadcast_in_dim3A_32 : vector<128x128xi1>, vector<128x128xf32>
    %swap3A = arith.constant 0 : index
    %swap3A_33 = arith.constant 0 : index
    %swap3A_34 = vector.load %arg4[%swap3A, %swap3A_33] : memref<128x128xf32, #tpu.memory_space<vmem>>, vector<128x128xf32>
    tpu.vector_store %arg4[%swap3A, %swap3A_33], %select_n3A {strides = array<i32>} : memref<128x128xf32, #tpu.memory_space<vmem>>, vector<128x128xf32>,
    %broadcast_in_dim3A_35 = vector.shape_cast %rsqrt3A : vector<128x1xf32> to vector<128x1xf32>
    %broadcast_in_dim3A_36 = vector.broadcast %broadcast_in_dim3A_35 : vector<128x1xf32> to vector<128x128xf32>
    %swap3A_37 = arith.constant 0 : index
    %swap3A_38 = arith.constant 0 : index
    %swap3A_39 = vector.load %arg5[%swap3A_37, %swap3A_38] : memref<128x128xf32, #tpu.memory_space<vmem>>, vector<128x128xf32>
    tpu.vector_store %arg5[%swap3A_37, %swap3A_38], %broadcast_in_dim3A_36 {strides = array<i32>} : memref<128x128xf32, #tpu.memory_space<vmem>>, vector<128x128xf32>,
    return
  }
  func.func @transform_0(%arg0: i32) -> (i32, i32) {
    %c0_i32 = arith.constant 0 : i32
    %c0_i32_0 = arith.constant 0 : i32
    return %arg0, %c0_i32 : i32, i32
  }
  func.func @transform_1(%arg0: i32) -> (i32, i32) {
    %c0_i32 = arith.constant 0 : i32
    %c0_i32_0 = arith.constant 0 : i32
    %c0_i32_1 = arith.constant 0 : i32
    return %c0_i32, %c0_i32_0 : i32, i32
  }
  func.func @transform_2(%arg0: i32) -> (i32, i32, i32) {
    %c0_i32 = arith.constant 0 : i32
    %c0_i32_0 = arith.constant 0 : i32
    %c0_i32_1 = arith.constant 0 : i32
    return %c0_i32, %arg0, %c0_i32_0 : i32, i32, i32
  }
  func.func @transform_3(%arg0: i32) -> (i32, i32) {
    %c0_i32 = arith.constant 0 : i32
    %c0_i32_0 = arith.constant 0 : i32
    return %arg0, %c0_i32 : i32, i32
  }
  func.func @transform_4(%arg0: i32) -> (i32, i32) {
    %c0_i32 = arith.constant 0 : i32
    %c0_i32_0 = arith.constant 0 : i32
    return %arg0, %c0_i32 : i32, i32
  }
}

module attributes {stable_mosaic.version = 14 : i64} {
  func.func @body(%arg0: i32, %arg1: memref<2x128x128xf32, #tpu.memory_space<vmem>>, %arg2: memref<128x128xf32, #tpu.memory_space<vmem>>, %arg3: memref<1x128xf32, #tpu.memory_space<vmem>>, %arg4: memref<128x256xf32, #tpu.memory_space<vmem>>, %arg5: memref<2x128x128xf32, #tpu.memory_space<vmem>>) attributes {dimension_semantics = [#tpu.dimension_semantics<arbitrary>], iteration_bounds = array<i64: 80>, scalar_prefetch = 0 : i64, scratch_operands = 0 : i64, tpu.core_type = #tpu.core_type<tc>, window_params = [{transform_indices = @transform_0, window_bounds = array<i64: 2, 128, 128>}, {transform_indices = @transform_1, window_bounds = array<i64: 128, 128>}, {pipeline_mode = #tpu.pipeline_mode<synchronous>, transform_indices = @transform_2, window_bounds = array<i64: 1, 128>}, {pipeline_mode = #tpu.pipeline_mode<synchronous>, transform_indices = @transform_3, window_bounds = array<i64: 128, 256>}, {transform_indices = @transform_4, window_bounds = array<i64: 2, 128, 128>}]} {
    %get3A = arith.constant 0 : index
    %get3A_0 = arith.constant 0 : index
    %get3A_1 = vector.load %arg2[%get3A, %get3A_0] : memref<128x128xf32, #tpu.memory_space<vmem>>, vector<128x1xf32>
    %get3A_2 = arith.constant 0 : index
    %get3A_3 = arith.constant 0 : index
    %get3A_4 = arith.constant 0 : index
    %get3A_5 = vector.load %arg1[%get3A_2, %get3A_3, %get3A_4] : memref<2x128x128xf32, #tpu.memory_space<vmem>>, vector<1x128x128xf32>
    %get3A_6 = vector.shape_cast %get3A_5 : vector<1x128x128xf32> to vector<128x128xf32>
    %get3A_7 = arith.constant 1 : index
    %get3A_8 = arith.constant 0 : index
    %get3A_9 = arith.constant 0 : index
    %get3A_10 = vector.load %arg1[%get3A_7, %get3A_8, %get3A_9] : memref<2x128x128xf32, #tpu.memory_space<vmem>>, vector<1x128x128xf32>
    %get3A_11 = vector.shape_cast %get3A_10 : vector<1x128x128xf32> to vector<128x128xf32>
    %add3A = arith.addf %get3A_6, %get3A_11 : vector<128x128xf32>
    %iota3A = tpu.iota {dimensions = array<i32: 0>} : vector<128x1xi32>
    %mul3A = arith.constant 128 : i32
    %mul3A_12 = arith.muli %arg0, %mul3A : i32
    %add3A_13 = vector.broadcast %mul3A_12 : i32 to vector<128x1xi32>
    %add3A_14 = arith.addi %iota3A, %add3A_13 : vector<128x1xi32>
    %lt3A = arith.constant 10000 : i32
    %lt3A_15 = vector.broadcast %lt3A : i32 to vector<128x1xi32>
    %lt3A_16 = arith.cmpi slt, %add3A_14, %lt3A_15 : vector<128x1xi32>
    %mul3A_17 = vector.broadcast %get3A_1 : vector<128x1xf32> to vector<128x128xf32>
    %mul3A_18 = arith.mulf %add3A, %mul3A_17 : vector<128x128xf32>
    %get3A_19 = arith.constant 0 : index
    %get3A_20 = arith.constant 0 : index
    %get3A_21 = vector.load %arg3[%get3A_19, %get3A_20] : memref<1x128xf32, #tpu.memory_space<vmem>>, vector<1x128xf32>
    %add3A_22 = vector.broadcast %get3A_21 : vector<1x128xf32> to vector<128x128xf32>
    %add3A_23 = arith.addf %mul3A_18, %add3A_22 : vector<128x128xf32>
    %max3A = arith.constant 0.000000e+00 : f32
    %max3A_24 = vector.broadcast %max3A : f32 to vector<128x128xf32>
    %max3A_25 = arith.maximumf %add3A_23, %max3A_24 : vector<128x128xf32>
    %jit3A = arith.constant 0.000000e+00 : f32
    %broadcast_in_dim3A = vector.shape_cast %lt3A_16 : vector<128x1xi1> to vector<128x1xi1>
    %broadcast_in_dim3A_26 = vector.broadcast %broadcast_in_dim3A : vector<128x1xi1> to vector<128x128xi1>
    %broadcast_in_dim3A_27 = vector.broadcast %jit3A : f32 to vector<128x128xf32>
    %select_n3A = arith.select %broadcast_in_dim3A_26, %max3A_25, %broadcast_in_dim3A_27 : vector<128x128xi1>, vector<128x128xf32>
    %get3A_28 = arith.constant 0 : index
    %get3A_29 = arith.constant 0 : index
    %get3A_30 = vector.load %arg4[%get3A_28, %get3A_29] : memref<128x256xf32, #tpu.memory_space<vmem>>, vector<128x256xf32>
    %dot_general3A = arith.constant dense<0.000000e+00> : vector<128x256xf32>
    %dot_general3A_31 = tpu.matmul %select_n3A, %get3A_30, %dot_general3A {dimension_numbers = #tpu.dot_dimension_numbers<[1], [0], [0], [1], [0, 0, 1, 1], [], []>, transpose_lhs_hint = false} : vector<128x128xf32>, vector<128x256xf32>, vector<128x256xf32> -> vector<128x256xf32>
    %mul3A_32 = vector.broadcast %get3A_1 : vector<128x1xf32> to vector<128x256xf32>
    %mul3A_33 = arith.mulf %dot_general3A_31, %mul3A_32 : vector<128x256xf32>
    %jit3A_34 = arith.constant 0.000000e+00 : f32
    %broadcast_in_dim3A_35 = vector.shape_cast %lt3A_16 : vector<128x1xi1> to vector<128x1xi1>
    %broadcast_in_dim3A_36 = vector.broadcast %broadcast_in_dim3A_35 : vector<128x1xi1> to vector<128x256xi1>
    %broadcast_in_dim3A_37 = vector.broadcast %jit3A_34 : f32 to vector<128x256xf32>
    %select_n3A_38 = arith.select %broadcast_in_dim3A_36, %mul3A_33, %broadcast_in_dim3A_37 : vector<128x256xi1>, vector<128x256xf32>
    %slice3A = vector.extract_strided_slice %select_n3A_38 {offsets = [0, 0], sizes = [128, 128], strides = [1, 1]} : vector<128x256xf32> to vector<128x128xf32>
    %swap3A = arith.constant 0 : index
    %swap3A_39 = arith.constant 0 : index
    %swap3A_40 = arith.constant 0 : index
    %swap3A_41 = vector.load %arg5[%swap3A, %swap3A_39, %swap3A_40] : memref<2x128x128xf32, #tpu.memory_space<vmem>>, vector<1x128x128xf32>
    %swap3A_42 = vector.shape_cast %swap3A_41 : vector<1x128x128xf32> to vector<128x128xf32>
    %swap3A_43 = vector.shape_cast %slice3A : vector<128x128xf32> to vector<1x128x128xf32>
    tpu.vector_store %arg5[%swap3A, %swap3A_39, %swap3A_40], %swap3A_43 {strides = array<i32>} : memref<2x128x128xf32, #tpu.memory_space<vmem>>, vector<1x128x128xf32>,
    %slice3A_44 = vector.extract_strided_slice %select_n3A_38 {offsets = [0, 128], sizes = [128, 128], strides = [1, 1]} : vector<128x256xf32> to vector<128x128xf32>
    %swap3A_45 = arith.constant 1 : index
    %swap3A_46 = arith.constant 0 : index
    %swap3A_47 = arith.constant 0 : index
    %swap3A_48 = vector.load %arg5[%swap3A_45, %swap3A_46, %swap3A_47] : memref<2x128x128xf32, #tpu.memory_space<vmem>>, vector<1x128x128xf32>
    %swap3A_49 = vector.shape_cast %swap3A_48 : vector<1x128x128xf32> to vector<128x128xf32>
    %swap3A_50 = vector.shape_cast %slice3A_44 : vector<128x128xf32> to vector<1x128x128xf32>
    tpu.vector_store %arg5[%swap3A_45, %swap3A_46, %swap3A_47], %swap3A_50 {strides = array<i32>} : memref<2x128x128xf32, #tpu.memory_space<vmem>>, vector<1x128x128xf32>,
    return
  }
  func.func @transform_0(%arg0: i32) -> (i32, i32, i32) {
    %c0_i32 = arith.constant 0 : i32
    %c0_i32_0 = arith.constant 0 : i32
    %c0_i32_1 = arith.constant 0 : i32
    return %c0_i32, %arg0, %c0_i32_0 : i32, i32, i32
  }
  func.func @transform_1(%arg0: i32) -> (i32, i32) {
    %c0_i32 = arith.constant 0 : i32
    %c0_i32_0 = arith.constant 0 : i32
    return %arg0, %c0_i32 : i32, i32
  }
  func.func @transform_2(%arg0: i32) -> (i32, i32) {
    %c0_i32 = arith.constant 0 : i32
    %c0_i32_0 = arith.constant 0 : i32
    %c0_i32_1 = arith.constant 0 : i32
    return %c0_i32, %c0_i32_0 : i32, i32
  }
  func.func @transform_3(%arg0: i32) -> (i32, i32) {
    %c0_i32 = arith.constant 0 : i32
    %c0_i32_0 = arith.constant 0 : i32
    %c0_i32_1 = arith.constant 0 : i32
    return %c0_i32, %c0_i32_0 : i32, i32
  }
  func.func @transform_4(%arg0: i32) -> (i32, i32, i32) {
    %c0_i32 = arith.constant 0 : i32
    %c0_i32_0 = arith.constant 0 : i32
    %c0_i32_1 = arith.constant 0 : i32
    return %c0_i32, %arg0, %c0_i32_0 : i32, i32, i32
  }
}

module attributes {stable_mosaic.version = 14 : i64} {
  func.func @body(%arg0: i32, %arg1: memref<2x128x128xf32, #tpu.memory_space<vmem>>, %arg2: memref<128x128xf32, #tpu.memory_space<vmem>>, %arg3: memref<1x128xf32, #tpu.memory_space<vmem>>, %arg4: memref<1x1x128xi32, #tpu.memory_space<vmem>>, %arg5: memref<128x128xf32, #tpu.memory_space<vmem>>, %arg6: memref<1x128xf32, #tpu.memory_space<vmem>>, %arg7: memref<128x10xf32, #tpu.memory_space<vmem>>, %arg8: memref<1x10xf32, #tpu.memory_space<vmem>>, %arg9: memref<64x10xf32, #tpu.memory_space<vmem>>, %arg10: memref<64x128xf32, #tpu.memory_space<vmem>>, %arg11: memref<64x128xf32, #tpu.memory_space<vmem>>) attributes {dimension_semantics = [#tpu.dimension_semantics<arbitrary>], iteration_bounds = array<i64: 80>, scalar_prefetch = 0 : i64, scratch_operands = 2 : i64, tpu.core_type = #tpu.core_type<tc>, window_params = [{transform_indices = @transform_0, window_bounds = array<i64: 2, 128, 128>}, {transform_indices = @transform_1, window_bounds = array<i64: 128, 128>}, {pipeline_mode = #tpu.pipeline_mode<synchronous>, transform_indices = @transform_2, window_bounds = array<i64: 1, 128>}, {transform_indices = @transform_3, window_bounds = array<i64: 1, 1, 128>}, {pipeline_mode = #tpu.pipeline_mode<synchronous>, transform_indices = @transform_4, window_bounds = array<i64: 128, 128>}, {pipeline_mode = #tpu.pipeline_mode<synchronous>, transform_indices = @transform_5, window_bounds = array<i64: 1, 128>}, {pipeline_mode = #tpu.pipeline_mode<synchronous>, transform_indices = @transform_6, window_bounds = array<i64: 128, 10>}, {pipeline_mode = #tpu.pipeline_mode<synchronous>, transform_indices = @transform_7, window_bounds = array<i64: 1, 10>}, {pipeline_mode = #tpu.pipeline_mode<synchronous>, transform_indices = @transform_8, window_bounds = array<i64: 64, 10>}]} {
    %eq3A = arith.constant 0 : i32
    %eq3A_0 = arith.cmpi eq, %arg0, %eq3A : i32
    %convert_element_type3A = arith.extui %eq3A_0 : i1 to i32
    %cond3A = arith.constant 0 : i32
    %cond3A_1 = arith.cmpi ne, %convert_element_type3A, %cond3A : i32
    scf.if %cond3A_1 {
      %broadcast_in_dim3A_62 = arith.constant 0.000000e+00 : f32
      %broadcast_in_dim3A_63 = vector.broadcast %broadcast_in_dim3A_62 : f32 to vector<64x128xf32>
      %swap3A_64 = arith.constant 0 : index
      %swap3A_65 = arith.constant 0 : index
      %swap3A_66 = vector.load %arg10[%swap3A_64, %swap3A_65] : memref<64x128xf32, #tpu.memory_space<vmem>>, vector<64x128xf32>
      tpu.vector_store %arg10[%swap3A_64, %swap3A_65], %broadcast_in_dim3A_63 {strides = array<i32>} : memref<64x128xf32, #tpu.memory_space<vmem>>, vector<64x128xf32>,
      %broadcast_in_dim3A_67 = arith.constant 0.000000e+00 : f32
      %broadcast_in_dim3A_68 = vector.broadcast %broadcast_in_dim3A_67 : f32 to vector<64x128xf32>
      %swap3A_69 = arith.constant 0 : index
      %swap3A_70 = arith.constant 0 : index
      %swap3A_71 = vector.load %arg11[%swap3A_69, %swap3A_70] : memref<64x128xf32, #tpu.memory_space<vmem>>, vector<64x128xf32>
      tpu.vector_store %arg11[%swap3A_69, %swap3A_70], %broadcast_in_dim3A_68 {strides = array<i32>} : memref<64x128xf32, #tpu.memory_space<vmem>>, vector<64x128xf32>,
    } else {
    }
    %get3A = arith.constant 0 : index
    %get3A_2 = arith.constant 0 : index
    %get3A_3 = vector.load %arg2[%get3A, %get3A_2] : memref<128x128xf32, #tpu.memory_space<vmem>>, vector<128x1xf32>
    %get3A_4 = arith.constant 0 : index
    %get3A_5 = arith.constant 0 : index
    %get3A_6 = arith.constant 0 : index
    %get3A_7 = vector.load %arg1[%get3A_4, %get3A_5, %get3A_6] : memref<2x128x128xf32, #tpu.memory_space<vmem>>, vector<1x128x128xf32>
    %get3A_8 = vector.shape_cast %get3A_7 : vector<1x128x128xf32> to vector<128x128xf32>
    %get3A_9 = arith.constant 1 : index
    %get3A_10 = arith.constant 0 : index
    %get3A_11 = arith.constant 0 : index
    %get3A_12 = vector.load %arg1[%get3A_9, %get3A_10, %get3A_11] : memref<2x128x128xf32, #tpu.memory_space<vmem>>, vector<1x128x128xf32>
    %get3A_13 = vector.shape_cast %get3A_12 : vector<1x128x128xf32> to vector<128x128xf32>
    %add3A = arith.addf %get3A_8, %get3A_13 : vector<128x128xf32>
    %iota3A = tpu.iota {dimensions = array<i32: 0>} : vector<128x1xi32>
    %mul3A = arith.constant 128 : i32
    %mul3A_14 = arith.muli %arg0, %mul3A : i32
    %add3A_15 = vector.broadcast %mul3A_14 : i32 to vector<128x1xi32>
    %add3A_16 = arith.addi %iota3A, %add3A_15 : vector<128x1xi32>
    %lt3A = arith.constant 10000 : i32
    %lt3A_17 = vector.broadcast %lt3A : i32 to vector<128x1xi32>
    %lt3A_18 = arith.cmpi slt, %add3A_16, %lt3A_17 : vector<128x1xi32>
    %mul3A_19 = vector.broadcast %get3A_3 : vector<128x1xf32> to vector<128x128xf32>
    %mul3A_20 = arith.mulf %add3A, %mul3A_19 : vector<128x128xf32>
    %get3A_21 = arith.constant 0 : index
    %get3A_22 = arith.constant 0 : index
    %get3A_23 = vector.load %arg3[%get3A_21, %get3A_22] : memref<1x128xf32, #tpu.memory_space<vmem>>, vector<1x128xf32>
    %add3A_24 = vector.broadcast %get3A_23 : vector<1x128xf32> to vector<128x128xf32>
    %add3A_25 = arith.addf %mul3A_20, %add3A_24 : vector<128x128xf32>
    %max3A = arith.constant 0.000000e+00 : f32
    %max3A_26 = vector.broadcast %max3A : f32 to vector<128x128xf32>
    %max3A_27 = arith.maximumf %add3A_25, %max3A_26 : vector<128x128xf32>
    %jit3A = arith.constant 0.000000e+00 : f32
    %broadcast_in_dim3A = vector.shape_cast %lt3A_18 : vector<128x1xi1> to vector<128x1xi1>
    %broadcast_in_dim3A_28 = vector.broadcast %broadcast_in_dim3A : vector<128x1xi1> to vector<128x128xi1>
    %broadcast_in_dim3A_29 = vector.broadcast %jit3A : f32 to vector<128x128xf32>
    %select_n3A = arith.select %broadcast_in_dim3A_28, %max3A_27, %broadcast_in_dim3A_29 : vector<128x128xi1>, vector<128x128xf32>
    %iota3A_30 = tpu.iota {dimensions = array<i32: 0>} : vector<64x128xi32>
    %get3A_31 = arith.constant 0 : index
    %get3A_32 = arith.constant 0 : index
    %get3A_33 = arith.constant 0 : index
    %get3A_34 = vector.load %arg4[%get3A_31, %get3A_32, %get3A_33] : memref<1x1x128xi32, #tpu.memory_space<vmem>>, vector<1x1x128xi32>
    %get3A_35 = vector.shape_cast %get3A_34 : vector<1x1x128xi32> to vector<1x128xi32>
    %eq3A_36 = vector.broadcast %get3A_35 : vector<1x128xi32> to vector<64x128xi32>
    %eq3A_37 = arith.cmpi eq, %iota3A_30, %eq3A_36 : vector<64x128xi32>
    %convert_element_type3A_38 = arith.extui %eq3A_37 : vector<64x128xi1> to vector<64x128xi32>
    %convert_element_type3A_39 = arith.sitofp %convert_element_type3A_38 : vector<64x128xi32> to vector<64x128xf32>
    %get3A_40 = arith.constant 0 : index
    %get3A_41 = arith.constant 0 : index
    %get3A_42 = vector.load %arg10[%get3A_40, %get3A_41] : memref<64x128xf32, #tpu.memory_space<vmem>>, vector<64x128xf32>
    %dot_general3A = arith.constant dense<0.000000e+00> : vector<64x128xf32>
    %dot_general3A_43 = tpu.matmul %convert_element_type3A_39, %select_n3A, %dot_general3A {dimension_numbers = #tpu.dot_dimension_numbers<[1], [0], [0], [1], [0, 0, 1, 1], [], []>, transpose_lhs_hint = false} : vector<64x128xf32>, vector<128x128xf32>, vector<64x128xf32> -> vector<64x128xf32>
    %add3A_44 = arith.addf %get3A_42, %dot_general3A_43 : vector<64x128xf32>
    %swap3A = arith.constant 0 : index
    %swap3A_45 = arith.constant 0 : index
    %swap3A_46 = vector.load %arg10[%swap3A, %swap3A_45] : memref<64x128xf32, #tpu.memory_space<vmem>>, vector<64x128xf32>
    tpu.vector_store %arg10[%swap3A, %swap3A_45], %add3A_44 {strides = array<i32>} : memref<64x128xf32, #tpu.memory_space<vmem>>, vector<64x128xf32>,
    %get3A_47 = arith.constant 0 : index
    %get3A_48 = arith.constant 0 : index
    %get3A_49 = vector.load %arg11[%get3A_47, %get3A_48] : memref<64x128xf32, #tpu.memory_space<vmem>>, vector<64x128xf32>
    %reduce_sum3A = arith.constant dense<0.000000e+00> : vector<64xf32>
    %reduce_sum3A_50 = vector.multi_reduction <add>, %convert_element_type3A_39, %reduce_sum3A [1] : vector<64x128xf32> to vector<64xf32>
    %broadcast_in_dim3A_51 = vector.shape_cast %reduce_sum3A_50 : vector<64xf32> to vector<64x1xf32>
    %add3A_52 = vector.broadcast %broadcast_in_dim3A_51 : vector<64x1xf32> to vector<64x128xf32>
    %add3A_53 = arith.addf %get3A_49, %add3A_52 : vector<64x128xf32>
    %swap3A_54 = arith.constant 0 : index
    %swap3A_55 = arith.constant 0 : index
    %swap3A_56 = vector.load %arg11[%swap3A_54, %swap3A_55] : memref<64x128xf32, #tpu.memory_space<vmem>>, vector<64x128xf32>
    tpu.vector_store %arg11[%swap3A_54, %swap3A_55], %add3A_53 {strides = array<i32>} : memref<64x128xf32, #tpu.memory_space<vmem>>, vector<64x128xf32>,
    %eq3A_57 = arith.constant 79 : i32
    %eq3A_58 = arith.cmpi eq, %arg0, %eq3A_57 : i32
    %convert_element_type3A_59 = arith.extui %eq3A_58 : i1 to i32
    %cond3A_60 = arith.constant 0 : i32
    %cond3A_61 = arith.cmpi ne, %convert_element_type3A_59, %cond3A_60 : i32
    scf.if %cond3A_61 {
      %get3A_62 = arith.constant 0 : index
      %get3A_63 = arith.constant 0 : index
      %get3A_64 = vector.load %arg10[%get3A_62, %get3A_63] : memref<64x128xf32, #tpu.memory_space<vmem>>, vector<64x128xf32>
      %get3A_65 = arith.constant 0 : index
      %get3A_66 = arith.constant 0 : index
      %get3A_67 = vector.load %arg11[%get3A_65, %get3A_66] : memref<64x128xf32, #tpu.memory_space<vmem>>, vector<64x128xf32>
      %max3A_68 = arith.constant 1.000000e+00 : f32
      %max3A_69 = vector.broadcast %max3A_68 : f32 to vector<64x128xf32>
      %max3A_70 = arith.maximumf %get3A_67, %max3A_69 : vector<64x128xf32>
      %div3A = arith.divf %get3A_64, %max3A_70 : vector<64x128xf32>
      %get3A_71 = arith.constant 0 : index
      %get3A_72 = arith.constant 0 : index
      %get3A_73 = vector.load %arg5[%get3A_71, %get3A_72] : memref<128x128xf32, #tpu.memory_space<vmem>>, vector<128x128xf32>
      %dot_general3A_74 = arith.constant dense<0.000000e+00> : vector<64x128xf32>
      %dot_general3A_75 = tpu.matmul %div3A, %get3A_73, %dot_general3A_74 {dimension_numbers = #tpu.dot_dimension_numbers<[1], [0], [0], [1], [0, 0, 1, 1], [], []>, transpose_lhs_hint = false} : vector<64x128xf32>, vector<128x128xf32>, vector<64x128xf32> -> vector<64x128xf32>
      %get3A_76 = arith.constant 0 : index
      %get3A_77 = arith.constant 0 : index
      %get3A_78 = vector.load %arg6[%get3A_76, %get3A_77] : memref<1x128xf32, #tpu.memory_space<vmem>>, vector<1x128xf32>
      %add3A_79 = vector.broadcast %get3A_78 : vector<1x128xf32> to vector<64x128xf32>
      %add3A_80 = arith.addf %dot_general3A_75, %add3A_79 : vector<64x128xf32>
      %max3A_81 = arith.constant 0.000000e+00 : f32
      %max3A_82 = vector.broadcast %max3A_81 : f32 to vector<64x128xf32>
      %max3A_83 = arith.maximumf %add3A_80, %max3A_82 : vector<64x128xf32>
      %get3A_84 = arith.constant 0 : index
      %get3A_85 = arith.constant 0 : index
      %get3A_86 = vector.load %arg7[%get3A_84, %get3A_85] : memref<128x10xf32, #tpu.memory_space<vmem>>, vector<128x10xf32>
      %dot_general3A_87 = arith.constant dense<0.000000e+00> : vector<64x10xf32>
      %dot_general3A_88 = tpu.matmul %max3A_83, %get3A_86, %dot_general3A_87 {dimension_numbers = #tpu.dot_dimension_numbers<[1], [0], [0], [1], [0, 0, 1, 1], [], []>, transpose_lhs_hint = false} : vector<64x128xf32>, vector<128x10xf32>, vector<64x10xf32> -> vector<64x10xf32>
      %get3A_89 = arith.constant 0 : index
      %get3A_90 = arith.constant 0 : index
      %get3A_91 = vector.load %arg8[%get3A_89, %get3A_90] : memref<1x10xf32, #tpu.memory_space<vmem>>, vector<1x10xf32>
      %add3A_92 = vector.broadcast %get3A_91 : vector<1x10xf32> to vector<64x10xf32>
      %add3A_93 = arith.addf %dot_general3A_88, %add3A_92 : vector<64x10xf32>
      %reduce_max3A = arith.constant dense<0xFF800000> : vector<64xf32>
      %reduce_max3A_94 = vector.multi_reduction <maximumf>, %add3A_93, %reduce_max3A [1] : vector<64x10xf32> to vector<64xf32>
      %broadcast_in_dim3A_95 = vector.shape_cast %reduce_max3A_94 : vector<64xf32> to vector<64x1xf32>
      %sub3A = vector.broadcast %broadcast_in_dim3A_95 : vector<64x1xf32> to vector<64x10xf32>
      %sub3A_96 = arith.subf %add3A_93, %sub3A : vector<64x10xf32>
      %exp3A = math.exp %sub3A_96 : vector<64x10xf32>
      %reduce_sum3A_97 = arith.constant dense<0.000000e+00> : vector<64xf32>
      %reduce_sum3A_98 = vector.multi_reduction <add>, %exp3A, %reduce_sum3A_97 [1] : vector<64x10xf32> to vector<64xf32>
      %broadcast_in_dim3A_99 = vector.shape_cast %reduce_sum3A_98 : vector<64xf32> to vector<64x1xf32>
      %log3A = math.log %broadcast_in_dim3A_99 : vector<64x1xf32>
      %add3A_100 = arith.addf %broadcast_in_dim3A_95, %log3A : vector<64x1xf32>
      %sub3A_101 = vector.broadcast %add3A_100 : vector<64x1xf32> to vector<64x10xf32>
      %sub3A_102 = arith.subf %add3A_93, %sub3A_101 : vector<64x10xf32>
      %swap3A_103 = arith.constant 0 : index
      %swap3A_104 = arith.constant 0 : index
      %swap3A_105 = vector.load %arg9[%swap3A_103, %swap3A_104] : memref<64x10xf32, #tpu.memory_space<vmem>>, vector<64x10xf32>
      tpu.vector_store %arg9[%swap3A_103, %swap3A_104], %sub3A_102 {strides = array<i32>} : memref<64x10xf32, #tpu.memory_space<vmem>>, vector<64x10xf32>,
    } else {
    }
    return
  }
  func.func @transform_0(%arg0: i32) -> (i32, i32, i32) {
    %c0_i32 = arith.constant 0 : i32
    %c0_i32_0 = arith.constant 0 : i32
    %c0_i32_1 = arith.constant 0 : i32
    return %c0_i32, %arg0, %c0_i32_0 : i32, i32, i32
  }
  func.func @transform_1(%arg0: i32) -> (i32, i32) {
    %c0_i32 = arith.constant 0 : i32
    %c0_i32_0 = arith.constant 0 : i32
    return %arg0, %c0_i32 : i32, i32
  }
  func.func @transform_2(%arg0: i32) -> (i32, i32) {
    %c0_i32 = arith.constant 0 : i32
    %c0_i32_0 = arith.constant 0 : i32
    %c0_i32_1 = arith.constant 0 : i32
    return %c0_i32, %c0_i32_0 : i32, i32
  }
  func.func @transform_3(%arg0: i32) -> (i32, i32, i32) {
    %c0_i32 = arith.constant 0 : i32
    %c0_i32_0 = arith.constant 0 : i32
    %c0_i32_1 = arith.constant 0 : i32
    return %arg0, %c0_i32, %c0_i32_0 : i32, i32, i32
  }
  func.func @transform_4(%arg0: i32) -> (i32, i32) {
    %c0_i32 = arith.constant 0 : i32
    %c0_i32_0 = arith.constant 0 : i32
    %c0_i32_1 = arith.constant 0 : i32
    return %c0_i32, %c0_i32_0 : i32, i32
  }
  func.func @transform_5(%arg0: i32) -> (i32, i32) {
    %c0_i32 = arith.constant 0 : i32
    %c0_i32_0 = arith.constant 0 : i32
    %c0_i32_1 = arith.constant 0 : i32
    return %c0_i32, %c0_i32_0 : i32, i32
  }
  func.func @transform_6(%arg0: i32) -> (i32, i32) {
    %c0_i32 = arith.constant 0 : i32
    %c0_i32_0 = arith.constant 0 : i32
    %c0_i32_1 = arith.constant 0 : i32
    return %c0_i32, %c0_i32_0 : i32, i32
  }
  func.func @transform_7(%arg0: i32) -> (i32, i32) {
    %c0_i32 = arith.constant 0 : i32
    %c0_i32_0 = arith.constant 0 : i32
    %c0_i32_1 = arith.constant 0 : i32
    return %c0_i32, %c0_i32_0 : i32, i32
  }
  func.func @transform_8(%arg0: i32) -> (i32, i32) {
    %c0_i32 = arith.constant 0 : i32
    %c0_i32_0 = arith.constant 0 : i32
    %c0_i32_1 = arith.constant 0 : i32
    return %c0_i32, %c0_i32_0 : i32, i32
  }
}

module attributes {stable_mosaic.version = 14 : i64} {
  func.func @body(%arg0: i32, %arg1: memref<2x128x128xf32, #tpu.memory_space<vmem>>, %arg2: memref<2x128x128xf32, #tpu.memory_space<vmem>>, %arg3: memref<128x128xf32, #tpu.memory_space<vmem>>, %arg4: memref<1x256xf32, #tpu.memory_space<vmem>>, %arg5: memref<256x128xf32, #tpu.memory_space<vmem>>, %arg6: memref<128x128xf32, #tpu.memory_space<vmem>>) attributes {dimension_semantics = [#tpu.dimension_semantics<arbitrary>], iteration_bounds = array<i64: 80>, scalar_prefetch = 0 : i64, scratch_operands = 0 : i64, tpu.core_type = #tpu.core_type<tc>, window_params = [{transform_indices = @transform_0, window_bounds = array<i64: 2, 128, 128>}, {transform_indices = @transform_1, window_bounds = array<i64: 2, 128, 128>}, {transform_indices = @transform_2, window_bounds = array<i64: 128, 128>}, {pipeline_mode = #tpu.pipeline_mode<synchronous>, transform_indices = @transform_3, window_bounds = array<i64: 1, 256>}, {pipeline_mode = #tpu.pipeline_mode<synchronous>, transform_indices = @transform_4, window_bounds = array<i64: 256, 128>}, {transform_indices = @transform_5, window_bounds = array<i64: 128, 128>}]} {
    %get3A = arith.constant 0 : index
    %get3A_0 = arith.constant 0 : index
    %get3A_1 = vector.load %arg3[%get3A, %get3A_0] : memref<128x128xf32, #tpu.memory_space<vmem>>, vector<128x1xf32>
    %get3A_2 = arith.constant 0 : index
    %get3A_3 = arith.constant 0 : index
    %get3A_4 = arith.constant 0 : index
    %get3A_5 = vector.load %arg1[%get3A_2, %get3A_3, %get3A_4] : memref<2x128x128xf32, #tpu.memory_space<vmem>>, vector<1x128x128xf32>
    %get3A_6 = vector.shape_cast %get3A_5 : vector<1x128x128xf32> to vector<128x128xf32>
    %get3A_7 = arith.constant 1 : index
    %get3A_8 = arith.constant 0 : index
    %get3A_9 = arith.constant 0 : index
    %get3A_10 = vector.load %arg1[%get3A_7, %get3A_8, %get3A_9] : memref<2x128x128xf32, #tpu.memory_space<vmem>>, vector<1x128x128xf32>
    %get3A_11 = vector.shape_cast %get3A_10 : vector<1x128x128xf32> to vector<128x128xf32>
    %add3A = arith.addf %get3A_6, %get3A_11 : vector<128x128xf32>
    %get3A_12 = arith.constant 0 : index
    %get3A_13 = arith.constant 0 : index
    %get3A_14 = arith.constant 0 : index
    %get3A_15 = vector.load %arg2[%get3A_12, %get3A_13, %get3A_14] : memref<2x128x128xf32, #tpu.memory_space<vmem>>, vector<1x128x128xf32>
    %get3A_16 = vector.shape_cast %get3A_15 : vector<1x128x128xf32> to vector<128x128xf32>
    %get3A_17 = arith.constant 1 : index
    %get3A_18 = arith.constant 0 : index
    %get3A_19 = arith.constant 0 : index
    %get3A_20 = vector.load %arg2[%get3A_17, %get3A_18, %get3A_19] : memref<2x128x128xf32, #tpu.memory_space<vmem>>, vector<1x128x128xf32>
    %get3A_21 = vector.shape_cast %get3A_20 : vector<1x128x128xf32> to vector<128x128xf32>
    %add3A_22 = arith.addf %get3A_16, %get3A_21 : vector<128x128xf32>
    %concatenate3A = tpu.concatenate %add3A, %add3A_22 in 1 : vector<128x128xf32>, vector<128x128xf32> -> vector<128x256xf32>
    %iota3A = tpu.iota {dimensions = array<i32: 0>} : vector<128x1xi32>
    %mul3A = arith.constant 128 : i32
    %mul3A_23 = arith.muli %arg0, %mul3A : i32
    %add3A_24 = vector.broadcast %mul3A_23 : i32 to vector<128x1xi32>
    %add3A_25 = arith.addi %iota3A, %add3A_24 : vector<128x1xi32>
    %lt3A = arith.constant 10000 : i32
    %lt3A_26 = vector.broadcast %lt3A : i32 to vector<128x1xi32>
    %lt3A_27 = arith.cmpi slt, %add3A_25, %lt3A_26 : vector<128x1xi32>
    %mul3A_28 = vector.broadcast %get3A_1 : vector<128x1xf32> to vector<128x256xf32>
    %mul3A_29 = arith.mulf %concatenate3A, %mul3A_28 : vector<128x256xf32>
    %get3A_30 = arith.constant 0 : index
    %get3A_31 = arith.constant 0 : index
    %get3A_32 = vector.load %arg4[%get3A_30, %get3A_31] : memref<1x256xf32, #tpu.memory_space<vmem>>, vector<1x256xf32>
    %add3A_33 = vector.broadcast %get3A_32 : vector<1x256xf32> to vector<128x256xf32>
    %add3A_34 = arith.addf %mul3A_29, %add3A_33 : vector<128x256xf32>
    %max3A = arith.constant 0.000000e+00 : f32
    %max3A_35 = vector.broadcast %max3A : f32 to vector<128x256xf32>
    %max3A_36 = arith.maximumf %add3A_34, %max3A_35 : vector<128x256xf32>
    %jit3A = arith.constant 0.000000e+00 : f32
    %broadcast_in_dim3A = vector.shape_cast %lt3A_27 : vector<128x1xi1> to vector<128x1xi1>
    %broadcast_in_dim3A_37 = vector.broadcast %broadcast_in_dim3A : vector<128x1xi1> to vector<128x256xi1>
    %broadcast_in_dim3A_38 = vector.broadcast %jit3A : f32 to vector<128x256xf32>
    %select_n3A = arith.select %broadcast_in_dim3A_37, %max3A_36, %broadcast_in_dim3A_38 : vector<128x256xi1>, vector<128x256xf32>
    %get3A_39 = arith.constant 0 : index
    %get3A_40 = arith.constant 0 : index
    %get3A_41 = vector.load %arg5[%get3A_39, %get3A_40] : memref<256x128xf32, #tpu.memory_space<vmem>>, vector<256x128xf32>
    %dot_general3A = arith.constant dense<0.000000e+00> : vector<128x128xf32>
    %dot_general3A_42 = tpu.matmul %select_n3A, %get3A_41, %dot_general3A {dimension_numbers = #tpu.dot_dimension_numbers<[1], [0], [0], [1], [0, 0, 1, 1], [], []>, transpose_lhs_hint = false} : vector<128x256xf32>, vector<256x128xf32>, vector<128x128xf32> -> vector<128x128xf32>
    %mul3A_43 = vector.broadcast %get3A_1 : vector<128x1xf32> to vector<128x128xf32>
    %mul3A_44 = arith.mulf %dot_general3A_42, %mul3A_43 : vector<128x128xf32>
    %jit3A_45 = arith.constant 0.000000e+00 : f32
    %broadcast_in_dim3A_46 = vector.shape_cast %lt3A_27 : vector<128x1xi1> to vector<128x1xi1>
    %broadcast_in_dim3A_47 = vector.broadcast %broadcast_in_dim3A_46 : vector<128x1xi1> to vector<128x128xi1>
    %broadcast_in_dim3A_48 = vector.broadcast %jit3A_45 : f32 to vector<128x128xf32>
    %select_n3A_49 = arith.select %broadcast_in_dim3A_47, %mul3A_44, %broadcast_in_dim3A_48 : vector<128x128xi1>, vector<128x128xf32>
    %swap3A = arith.constant 0 : index
    %swap3A_50 = arith.constant 0 : index
    %swap3A_51 = vector.load %arg6[%swap3A, %swap3A_50] : memref<128x128xf32, #tpu.memory_space<vmem>>, vector<128x128xf32>
    tpu.vector_store %arg6[%swap3A, %swap3A_50], %select_n3A_49 {strides = array<i32>} : memref<128x128xf32, #tpu.memory_space<vmem>>, vector<128x128xf32>,
    return
  }
  func.func @transform_0(%arg0: i32) -> (i32, i32, i32) {
    %c0_i32 = arith.constant 0 : i32
    %c0_i32_0 = arith.constant 0 : i32
    %c0_i32_1 = arith.constant 0 : i32
    return %c0_i32, %arg0, %c0_i32_0 : i32, i32, i32
  }
  func.func @transform_1(%arg0: i32) -> (i32, i32, i32) {
    %c0_i32 = arith.constant 0 : i32
    %c0_i32_0 = arith.constant 0 : i32
    %c0_i32_1 = arith.constant 0 : i32
    return %c0_i32, %arg0, %c0_i32_0 : i32, i32, i32
  }
  func.func @transform_2(%arg0: i32) -> (i32, i32) {
    %c0_i32 = arith.constant 0 : i32
    %c0_i32_0 = arith.constant 0 : i32
    return %arg0, %c0_i32 : i32, i32
  }
  func.func @transform_3(%arg0: i32) -> (i32, i32) {
    %c0_i32 = arith.constant 0 : i32
    %c0_i32_0 = arith.constant 0 : i32
    %c0_i32_1 = arith.constant 0 : i32
    return %c0_i32, %c0_i32_0 : i32, i32
  }
  func.func @transform_4(%arg0: i32) -> (i32, i32) {
    %c0_i32 = arith.constant 0 : i32
    %c0_i32_0 = arith.constant 0 : i32
    %c0_i32_1 = arith.constant 0 : i32
    return %c0_i32, %c0_i32_0 : i32, i32
  }
  func.func @transform_5(%arg0: i32) -> (i32, i32) {
    %c0_i32 = arith.constant 0 : i32
    %c0_i32_0 = arith.constant 0 : i32
    return %arg0, %c0_i32 : i32, i32
  }
}

</mosaic_0001>

<sc_bundles>
// kernel: kernel.11.cloned.1.call-start
scs
__scs_entry_jumppad:
0x0: {  	(pc) =	sbr.rel $0x88, $3  }
0x1: {  	(tag) =	ssettag $0x0;
	lr =	simm.s32 $0x1  }
0x2: {  	[smem:$0x3F94] =	sst lr;
	_ =	strace $0xD0000000  }
0x3: {  	_ = 	snop  }
0x4: {  	_ = 	snop  }
0x5: {  	_ = 	snop  }
0x6: {  	_ = 	snop  }
0x7: {  	_ = 	snop  }
__scs_overlays_trampoline_lowered:
0x8: {  	[smem:$0x3FA3] =	sst s0  }
0x9: {  	[smem:$0x3FA4] =	sst s1  }
0xa: {  	[smem:$0x3FA5] =	sst s2  }
0xb: {  	[smem:$0x3FA6] =	sst s3  }
0xc: {  	[smem:$0x3FA7] =	sst s4  }
0xd: {  	[smem:$0x3FA8] =	sst s5  }
0xe: {  	[smem:$0x3FA9] =	sst s6  }
0xf: {  	[smem:$0x3FAA] =	sst s7  }
0x10: {  	[smem:$0x3FAB] =	sst s8  }
0x11: {  	[smem:$0x3FAC] =	sst s9;
	s0 =	simm.s32 @!p0 $0x0  }
0x12: {  	s1 =	sld [smem:$0x3F92];
	s0 =	simm.s32 @p0 $0x1  }
0x13: {  	[smem:$0x3FAD] =	sst s0;
	s0 =	simm.s32 @!p1 $0x0  }
0x14: {  	s2 =	sld [smem:$0x3F91];
	s0 =	simm.s32 @p1 $0x1  }
0x15: {  	[smem:$0x3FAE] =	sst s0;
	s0 =	simm.s32 @!p2 $0x0  }
0x16: {  	s3 =	sld [smem:$0x3FDB];
	s0 =	simm.s32 @p2 $0x1  }
0x17: {  	s4 =	simm.s32 $0x1BF5;
	[smem:$0x3FB0] =	sst s0  }
0x18: {  	s0 =	sld [smem:$0x3F93];
	_ =	swait.ge [sflag:s4], $0x0  }
0x19: {  	s7 =	sld [smem:$0x3F94]  }
0x1a: {  	s8 =	sadd.s32 $0xFFFFE003, lr  }
0x1b: {  	s9 =	sadd.s32 $0xFFFFFEF7, lr;
	s5 =	simm.s32 $0xFFFFFFFF;
	p2 =	slt.u32 s8, $0xFFFFF086  }
0x1c: {  	p1 =	slt.u32 s9, $0xF7A;
	s5 =	simm.s32 @!p2 $0x0  }
0x1d: {  	s5 =	simm.s32 @p1 $0x1;
	p0 =	seq.s32 s7, s2  }
0x1e: {  	s7 =	smul.u32 @!p0 $0xF7A, s2;
	p2 =	seq.s32 @!p0 s5, $0x0  }
0x1f: {  	s9 =	smul.u32 $0xF7A, s1;
	s8 =	simm.s32 @!p0 $0x1BF5;
	p2 =	por !p2, p0  }
0x20: {  	[sflag:s8] =	ssyncset.s32 @!p0 $0xFFFFF086;
	s6 =	sadd.s32 @!p0 s3, s7;
	s7 =	simm.s32 @!p0 $0x108  }
0x21: {  	s3 =	sadd.s32 s3, s9;
	s6 =	sadd.s32 @!p0 $0x88, s6;
	s7 =	simm.s32 @p2 $0x1082  }
0x22: {  	[simem:s7], [sflag:s8] =	dma.local @!p0 [hbm:s6], $0xF7A  }
0x23: {  	s9 =	sor.u32 $0xD0000000, s2;
	s6 =	simm.s32 $0x108;
	_ =	swait.ge @!p0 [sflag:s8], $0x0  }
0x24: {  	s3 =	sadd.s32 $0x88, s3;
	s6 =	simm.s32 @!p1 $0x1082;
	[sflag:s4] =	ssyncset.s32 $0xFFFFF086  }
0x25: {  	[simem:s6], [sflag:s4] =	dma.local [hbm:s3], $0xF7A  }
0x26: {  	[smem:$0x3F94] =	sst s1;
	(tag) =	ssettag s2;
	_ =	strace s9  }
0x27: {  	s1 =	sld [smem:$0x3FA4]  }
0x28: {  	s2 =	sld [smem:$0x3FA5]  }
0x29: {  	s4 =	sld [smem:$0x3FA7]  }
0x2a: {  	p0 =	seq.s32 s5, $0x0;
	s5 =	sld [smem:$0x3FA8]  }
0x2b: {  	s6 =	sld [smem:$0x3FA9]  }
0x2c: {  	s7 =	sld [smem:$0x3FAA]  }
0x2d: {  	s3 =	simm.s32 $0x108;
	s8 =	sld [smem:$0x3FAB]  }
0x2e: {  	s3 =	simm.s32 @!p0 $0x1082;
	s9 =	sld [smem:$0x3FAC]  }
0x2f: {  	lr =	sadd.s32 s0, s3;
	s0 =	sld [smem:$0x3FA3]  }
0x30: {  	s3 =	sld [smem:$0x3FA6]  }
0x31: {  	[smem:$0x3FAF] =	sst s10  }
0x32: {  	s10 =	sld [smem:$0x3FAD];
	_ =	sdelay $0x3  }
0x33: {  	p0 =	seq.s32 s10, $0x1;
	s10 =	sld [smem:$0x3FAF];
	_ =	sdelay $0x3  }
0x34: {  	[smem:$0x3FAF] =	sst s10  }
0x35: {  	s10 =	sld [smem:$0x3FAE];
	_ =	sdelay $0x3  }
0x36: {  	p1 =	seq.s32 s10, $0x1;
	s10 =	sld [smem:$0x3FAF];
	_ =	sdelay $0x3  }
0x37: {  	[smem:$0x3FAF] =	sst s10  }
0x38: {  	s10 =	sld [smem:$0x3FB0]  }
0x39: {  	_ = 	snop;
	(pc) =	sbr.ind lr, $3  }
0x3a: {  	_ = 	snop  }
0x3b: {  	_ = 	snop  }
0x3c: {  	p2 =	seq.s32 s10, $0x1;
	s10 =	sld [smem:$0x3FAF]  }
0x3d: {  	_ =	shalt  }
0x3e: {  	_ =	shalt  }
0x3f: {  	_ =	shalt  }
0x40: {  	_ =	shalt  }
0x41: {  	_ =	shalt  }
0x42: {  	_ =	shalt  }
0x43: {  	_ =	shalt  }
0x44: {  	_ =	shalt  }
0x45: {  	_ =	shalt  }
0x46: {  	_ =	shalt  }
0x47: {  	_ =	shalt  }
0x48: {  	_ =	shalt  }
0x49: {  	_ =	shalt  }
0x4a: {  	_ =	shalt  }
0x4b: {  	_ =	shalt  }
0x4c: {  	_ =	shalt  }
0x4d: {  	_ =	shalt  }
0x4e: {  	_ =	shalt  }
0x4f: {  	_ =	shalt  }
0x50: {  	_ =	shalt  }
0x51: {  	_ =	shalt  }
0x52: {  	_ =	shalt  }
0x53: {  	_ =	shalt  }
0x54: {  	_ =	shalt  }
0x55: {  	_ =	shalt  }
0x56: {  	_ =	shalt  }
0x57: {  	_ =	shalt  }
0x58: {  	_ =	shalt  }
0x59: {  	_ =	shalt  }
0x5a: {  	_ =	shalt  }
0x5b: {  	_ =	shalt  }
0x5c: {  	_ =	shalt  }
0x5d: {  	_ =	shalt  }
0x5e: {  	_ =	shalt  }
0x5f: {  	_ =	shalt  }
0x60: {  	_ =	shalt  }
0x61: {  	_ =	shalt  }
0x62: {  	_ =	shalt  }
0x63: {  	_ =	shalt  }
0x64: {  	_ =	shalt  }
0x65: {  	_ =	shalt  }
0x66: {  	_ =	shalt  }
0x67: {  	_ =	shalt  }
0x68: {  	_ =	shalt  }
0x69: {  	_ =	shalt  }
0x6a: {  	_ =	shalt  }
0x6b: {  	_ =	shalt  }
0x6c: {  	_ =	shalt  }
0x6d: {  	_ =	shalt  }
0x6e: {  	_ =	shalt  }
0x6f: {  	_ =	shalt  }
0x70: {  	_ =	shalt  }
0x71: {  	_ =	shalt  }
0x72: {  	_ =	shalt  }
0x73: {  	_ =	shalt  }
0x74: {  	_ =	shalt  }
0x75: {  	_ =	shalt  }
0x76: {  	_ =	shalt  }
0x77: {  	_ =	shalt  }
0x78: {  	_ =	shalt  }
0x79: {  	_ =	shalt  }
0x7a: {  	_ =	shalt  }
0x7b: {  	_ =	shalt  }
0x7c: {  	_ =	shalt  }
0x7d: {  	_ =	shalt  }
0x7e: {  	_ =	shalt  }
0x7f: {  	_ =	shalt  }
0x80: {  	_ =	shalt  }
0x81: {  	_ =	shalt  }
0x82: {  	_ =	shalt  }
0x83: {  	_ =	shalt  }
0x84: {  	_ =	shalt  }
0x85: {  	_ =	shalt  }
0x86: {  	_ =	shalt  }
0x87: {  	_ =	shalt  }
.Lfunc_end0:
.L_simem_size_0:
called_computation_lowered:
.L_overlay_start_0:
0x88: {  	s2 =	sld [smem:$0x3FD9]  }
0x89: {  	s3 =	sld [smem:$0x3FFE];
	_ =	sdelay $0x1  }
0x8a: {  	s1 =	srdreg.scid  }
0x8b: {  	s0 =	sand.u32 $0x1, s1  }
0x8c: {  	s16 =	sshll.u32 s0, $0xA;
	s2 =	sadd.s32 s3, s2  }
0x8d: {  	s2 =	sadd.s32 s2, s16  }
0x8e: {  	[smem:$0x3FBB] =	sst s2  }
0x8f: {  	_ = 	snop  }
0x90: {  	(tm) =	ssettm $0x1  }
0x91: {  	s17 =	sld [smem:$0x3FFB];
	_ =	sdelay $0x3  }
0x92: {  	_ =	strace s17  }
0x93: {  	s2 =	sld [smem:$0x3FFC];
	_ =	sdelay $0x3  }
0x94: {  	_ =	strace s2  }
0x95: {  	s2 =	sld [smem:$0x3FFD];
	_ =	sdelay $0x3  }
0x96: {  	_ =	strace s2  }
0x97: {  	_ =	strace $0x8FFFFFFF  }
0x98: {  	s18 =	sld [smem:$0x3FDB];
	_ =	sdelay $0x1  }
0x99: {  	s19 =	simm.s32 $_scs_section_size  }
0x9a: {  	s4 =	simm.s32 $_size__tile_overlayer_lowered;
	s5 =	simm.s32 $_tile_overlayer_lowered  }
0x9b: {  	s22 =	simm.s32 $0x1BFF;
	s21 =	sshll.u32 s5, $0x1;
	s2 =	sadd.s32 s19, s18  }
0x9c: {  	s6 =	simm.s32 $0x0;
	s20 =	sshll.u32 s4, $0x1;
	s4 =	sadd.s32 s21, s2  }
0x9d: {  	[timem:s6], [sflag:s22] =	dma.local [hbm:s4], s20  }
0x9e: {  	_ =	swait.ge [sflag:s22], s20  }
0x9f: {  	s3 =	ssub.s32 $0x0, s20;
	[sflag:s22] =	ssyncset.done $0x0  }
0xa0: {  	[sflag:s22] =	ssyncadd.s32 s3;
	_ =	sdelay $0x1  }
0xa1: {  	s23 =	simm.s32 $0x1B8B  }
0xa2: {  	_ =	swait.ge [sflag:s23], $0x1  }
0xa3: {  	[sflag:s23] =	ssyncset.done $0x0  }
0xa4: {  	s25 =	simm.s32 $0x1B8E;
	s24 =	sld [smem:$0x3FFE];
	[sflag:s23] =	ssyncadd.s32 $0xFFFFFFFF  }
0xa5: {  	s26 =	simm.s32 $execute0_lowered;
	[smem:$0x3FD2] =	sst s25  }
0xa6: {  	s4 =	sshll.u32 s26, $0x1;
	_ =	strace $0x80000046;
	[dreg:$0x1] =	wrdreg $0xFFFFFFFF  }
0xa7: {  	s28 =	simm.s32 $_size_execute0_lowered;
	s2 =	sadd.s32 s2, s4;
	[dreg:$0x0] =	wrdreg $0x0  }
0xa8: {  	s4 =	sshll.u32 s28, $0x1;
	[dreg:$0x2] =	wrdreg s2  }
0xa9: {  	[dreg:$0x3] =	wrdreg s4  }
0xaa: {  	[dreg:$0x4] =	wrdreg $0xC0  }
0xab: {  	_ =	task [dreg:s6], $0x5FFFF  }
0xac: {  	[dreg:$0x1] =	wrdreg $0xFFFFFFFF  }
0xad: {  	[dreg:$0x0] =	wrdreg $0x60  }
0xae: {  	[dreg:$0x2] =	wrdreg s24  }
0xaf: {  	[dreg:$0x3] =	wrdreg $0x0  }
0xb0: {  	[dreg:$0x4] =	wrdreg $0x9  }
0xb1: {  	_ =	task.clear_ibuf [dreg:s6], $0x5FFFF;
	_ =	strace $0x90000046  }
0xb2: {  	s29 =	simm.s32 $0x9;
	_ =	strace $0x80000048  }
0xb3: {  	_ =	swait.ge [sflag:s29], $0x1  }
0xb4: {  	[sflag:s29] =	ssyncadd.s32 $0xFFFFFFFF  }
0xb5: {  	_ =	strace $0x90000048  }
0xb6: {  	_ =	sfence  }
0xb7: {  	s30 =	sld [smem:$0x0];
	_ =	sdelay $0x2  }
0xb8: {  	s31 =	sshll.u32 s1, $0xD;
	s1 =	sshrl.u32 s1, $0x2  }
0xb9: {  	s3 =	sand.u32 $0x4000, s31;
	s1 =	sadd.s32 s1, s30  }
0xba: {  	s0 =	sor.u32 s3, s0;
	s1 =	sshll.u32 s1, $0x11  }
0xbb: {  	s0 =	sor.u32 s1, s0  }
0xbc: {  	s0 =	sadd.s32 $0x8F2B, s0  }
0xbd: {  	[sflag:s0] =	ssyncadd.remote.s32 $0x1  }
0xbe: {  	_ =	sfence.sel $0xFFFF  }
0xbf: {  	[dreg:$0x0] =	wrdreg $0xFFFFFFFF;
	(pc) =	sbr.abs _section_cstart, $3  }
0xc0: {  	[dreg:$0x1] =	wrdreg $0xFFFFFFFF  }
0xc1: {  	_ =	task.clear_ibuf [dreg:s6], $0x2FFFF;
	_ =	strace $0x9FFFFFFF  }
0xc2: {  	(tm) =	ssettm $0x7FFFFFFF  }
0xc3: {  	_ =	shalt  }
tec
execute0_lowered:
.L_overlay_start_1:
0x0: {  	(tag) =	ssettag $0x1  }
0x1: {  	s1 =	srdreg.scid;
	s4 =	rddreg [dreg:$0x0]  }
0x2: {  	s0 =	stileid.u32;
	s2 =	rddreg [dreg:$0x1]  }
0x3: {  	s3 =	simm.s32 $0x0;
	s12 =	simm.s32 $0x9000;
	s6 =	smul.u32 $0x5000, s0  }
0x4: {  	s13 =	simm.s32 $0x1;
	s14 =	simm.s32 $0x2800;
	s30 =	smul.u32 $0x14000, s0  }
0x5: {  	s15 =	simm.s32 $0x80;
	s5 =	sand.u32 $0x1, s1;
	s9 =	smul.u32 $0x50000, s0  }
0x6: {  	s16 =	simm.s32 $0x5000;
	s1 =	rddreg [dreg:$0x2];
	s7 =	smul.u32 $0x2800, s5  }
0x7: {  	[smem:$0x7FF] =	sst s3;
	s17 =	sshll.u32 s0, $0x6;
	s8 =	smul.u32 $0x140000, s5  }
0x8: {  	_ =	strace $0x80000047;
	s5 =	ssub.s32 $0x2, s5;
	s17 =	sor.u32 $0x1C01, s17  }
0x9: {  	s31 =	sshrl.u32 s5, $0x1;
	s6 =	sadd.s32 s7, s6;
	s7 =	sadd.s32 s30, s8  }
0xa: {  	s9 =	sshrl.u32 s9, $0x2;
	s6 =	sshrl.u32 s6, $0x3;
	s7 =	sshrl.u32 s7, $0x3  }
0xb: {  	s8 =	ssub.s32 s5, s31;
	s6 =	sadd.s32 s6, s4;
	s7 =	sadd.s32 s7, s4  }
0xc: {  	s4 =	sadd.s32 s9, s2;
	s5 =	sadd.s32 $0x3600, s6;
	s6 =	sadd.s32 $0xD600, s7  }
0xd: {  	s7 =	smax.u32 s8, $0x1;
	s8 =	sadd.s32 $0x4000, s4;
	s9 =	sadd.s32 $0x8000, s4  }
0xe: {  	v0 =	vimm.f32 $6.250000000e-02;
	v1 =	vimm.f32 $0.0e+00;
	s10 =	sadd.s32 $0xC000, s4;
	s11 =	sadd.s32 $0x10000, s4;
	s18 =	sshrl.u32 s4, $0x3  }
.LBB2_1:
0xf: {  	s19 =	simm.s32 $0x200;
	s20 =	simm.s32 $0x0  }
.LBB2_2:
0x10: {  	p0 =	sne.s32 s19, $0xFE00;
	[tilespmem:s20+$0x5000] =	vst v0;
	s21 =	smov.u32 s19;
	s19 =	sadd.s32 $0x200, s19  }
.Ltmp0:
0x11: {  	[tilespmem:s20+$0x9000] =	vst v1;
	(pc) =	sbr.rel @p0 .LBB2_2-.Ltmp0, $2  }
0x12: {  	_ =	sdelay $0x2  }
0x13: {  	s20 =	sshra.s32 s21, $0x2  }
0x14: {  	[tilespmem:s20+$0x5000] =	vst v0  }
0x15: {  	[tilespmem:s20+$0x9000] =	vst v1  }
0x16: {  	[spmem:s4] =	stream.linear.scatter [tilespmem:s12], [sflag:$0x1], $0x4000, $0x38;
	[tilespmem:$0xD000] =	vst v63  }
0x17: {  	_ =	swait.ge [sflag:s13], $0x4000  }
0x18: {  	[sflag:s13] =	ssyncset.done $0x0  }
0x19: {  	[sflag:s13] =	ssyncadd.s32 $0xFFFFC000  }
0x1a: {  	[spmem:s8] =	stream.linear.scatter [tilespmem:s12], [sflag:$0x1], $0x4000, $0x38;
	[tilespmem:$0xD000] =	vst v63  }
0x1b: {  	_ =	swait.ge [sflag:s13], $0x4000  }
0x1c: {  	[sflag:s13] =	ssyncset.done $0x0  }
0x1d: {  	[sflag:s13] =	ssyncadd.s32 $0xFFFFC000  }
0x1e: {  	[spmem:s9] =	stream.linear.scatter [tilespmem:s12], [sflag:$0x1], $0x4000, $0x38;
	[tilespmem:$0xD000] =	vst v63  }
0x1f: {  	_ =	swait.ge [sflag:s13], $0x4000  }
0x20: {  	[sflag:s13] =	ssyncset.done $0x0  }
0x21: {  	[sflag:s13] =	ssyncadd.s32 $0xFFFFC000  }
0x22: {  	[spmem:s10] =	stream.linear.scatter [tilespmem:s12], [sflag:$0x1], $0x4000, $0x38;
	[tilespmem:$0xD000] =	vst v63  }
0x23: {  	_ =	swait.ge [sflag:s13], $0x4000  }
0x24: {  	[sflag:s13] =	ssyncset.done $0x0  }
0x25: {  	[sflag:s13] =	ssyncadd.s32 $0xFFFFC000  }
0x26: {  	[spmem:s11] =	stream.linear.scatter [tilespmem:s12], [sflag:$0x1], $0x4000, $0x38;
	[tilespmem:$0xD000] =	vst v63  }
0x27: {  	_ =	swait.ge [sflag:s13], $0x4000  }
0x28: {  	[sflag:s13] =	ssyncset.done $0x0  }
0x29: {  	s19 =	simm.s32 $0x0;
	[sflag:s13] =	ssyncadd.s32 $0xFFFFC000  }
0x2a: {  	[tilespmem:s14], [sflag:$0x1] =	stream.linear.gather [hbm4b:s5+s19], $0x2800, $0x38;
	[tilespmem:$0xD000] =	vst v63  }
0x2b: {  	_ =	swait.ge [sflag:s13], $0x2800  }
0x2c: {  	[sflag:s13] =	ssyncset.done $0x0  }
0x2d: {  	[sflag:s13] =	ssyncadd.s32 $0xFFFFD800  }
0x2e: {  	s31 =	simm.s32 $0x2800;
	[bflag:$0x0] =	sbarrier.arrive $0xFFFF  }
0x2f: {  	[spmem:s2] =	stream.indirect.scatter.add.f32 [tilespmem:s16], [sflag:$0x1], $0x10, s31, s15, $0xb8;
	[tilespmem:$0xD000] =	vst v63  }
0x30: {  	s19 =	simm.s32 $0x200;
	_ =	swait.ge [sflag:s13], $0x800  }
.LBB2_4:
0x31: {  	s20 =	sshra.s32 s19, $0x2;
	[sflag:s13] =	ssyncset.done $0x0;
	p0 =	sne.s32 s19, $0x9E00  }
.Ltmp1:
0x32: {  	s20 =	sadd.s32 $0x2800, s20;
	[sflag:s13] =	ssyncadd.s32 $0xFFFFF800;
	(pc) =	sbr.rel @p0 .LBB2_4-.Ltmp1, $3  }
0x33: {  	[spmem:s2] =	stream.indirect.scatter.add.f32 [tilespmem:s16], [sflag:$0x1], $0x10, s20, s15, $0xb8;
	[tilespmem:$0xD000] =	vst v63  }
0x34: {  	s19 =	sadd.s32 $0x200, s19;
	_ =	sdelay $0x1  }
0x35: {  	_ =	swait.ge [sflag:s13], $0x800  }
0x36: {  	[sflag:s13] =	ssyncset.done $0x0;
	s3 =	sadd.s32 $0x1, s3  }
0x37: {  	[sflag:s13] =	ssyncadd.s32 $0xFFFFF800;
	p0 =	sne.s32 s3, s7  }
.Ltmp2:
0x38: {  	[bflag:$0x0] =	sbarrier.arrive $0xFFFF;
	(pc) =	sbr.rel @p0 .LBB2_1-.Ltmp2, $4  }
0x39: {  	[hbm:s6], [sflag:s17] =	dma.local [spmem:s18], $0x2800  }
0x3a: {  	_ =	swait.ge [sflag:s13], $0x2800  }
0x3b: {  	[sflag:s13] =	ssyncset.done $0x0  }
0x3c: {  	[sflag:s13] =	ssyncadd.s32 $0xFFFFD800  }
0x3d: {  	_ =	sfence.sel $0x180000  }
0x3e: {  	[bflag:$0x0] =	sbarrier.arrive $0xFFFF  }
0x3f: {  	p0 =	sne.s32 s0, $0x0;
	_ =	strace $0x90000047  }
0x40: {  	s0 =	sadd.s32 @!p0 $0x100000, s1;
	[bflag:$0x2] =	sbarrier.arrive $0xFFFF  }
0x41: {  	[sflag:s0] =	ssyncadd.tile.s32 @!p0 $0x1;
	_ =	shalt  }
.Lfunc_end2:
_tile_overlayer_lowered:
.L_overlay_start_2:
0x42: {  	(tag) =	ssettag $0x2  }
0x43: {  	s0 =	rddreg [dreg:$0x0];
	s2 =	stileid.u32  }
0x44: {  	s1 =	rddreg [dreg:$0x1];
	p0 =	sne.s32 s2, $0x0  }
0x45: {  	s3 =	rddreg [dreg:$0x2];
	[bflag:$0x3] =	sbarrier.arrive $0xFFFF;
	s2 =	simm.s32 @!p0 $0x1C01  }
0x46: {  	[timem:s3], [sflag:s2] =	dma.local @!p0 [hbm:s0], s1  }
0x47: {  	s0 =	simm.s32 @!p0 $0x1  }
0x48: {  	_ =	swait.ge @!p0 [sflag:s0], s1  }
0x49: {  	s1 =	ssub.s32 @!p0 $0x0, s1;
	[sflag:s0] =	ssyncset.done @!p0 $0x0  }
0x4a: {  	[sflag:s0] =	ssyncadd.s32 @!p0 s1  }
0x4b: {  	[bflag:$0x3] =	sbarrier.arrive $0xFFFF  }
0x4c: {  	_ =	shalt  }

// kernel: kernel.14.cloned.1.call-start
scs
__scs_entry_jumppad:
0x0: {  	(pc) =	sbr.rel $0x88, $3  }
0x1: {  	(tag) =	ssettag $0x0;
	lr =	simm.s32 $0x1  }
0x2: {  	[smem:$0x3F94] =	sst lr;
	_ =	strace $0xD0000000  }
0x3: {  	_ = 	snop  }
0x4: {  	_ = 	snop  }
0x5: {  	_ = 	snop  }
0x6: {  	_ = 	snop  }
0x7: {  	_ = 	snop  }
__scs_overlays_trampoline_lowered:
0x8: {  	[smem:$0x3FA3] =	sst s0  }
0x9: {  	[smem:$0x3FA4] =	sst s1  }
0xa: {  	[smem:$0x3FA5] =	sst s2  }
0xb: {  	[smem:$0x3FA6] =	sst s3  }
0xc: {  	[smem:$0x3FA7] =	sst s4  }
0xd: {  	[smem:$0x3FA8] =	sst s5  }
0xe: {  	[smem:$0x3FA9] =	sst s6  }
0xf: {  	[smem:$0x3FAA] =	sst s7  }
0x10: {  	[smem:$0x3FAB] =	sst s8  }
0x11: {  	[smem:$0x3FAC] =	sst s9;
	s0 =	simm.s32 @!p0 $0x0  }
0x12: {  	s1 =	sld [smem:$0x3F92];
	s0 =	simm.s32 @p0 $0x1  }
0x13: {  	[smem:$0x3FAD] =	sst s0;
	s0 =	simm.s32 @!p1 $0x0  }
0x14: {  	s2 =	sld [smem:$0x3F91];
	s0 =	simm.s32 @p1 $0x1  }
0x15: {  	[smem:$0x3FAE] =	sst s0;
	s0 =	simm.s32 @!p2 $0x0  }
0x16: {  	s3 =	sld [smem:$0x3FDB];
	s0 =	simm.s32 @p2 $0x1  }
0x17: {  	s4 =	simm.s32 $0x1BF5;
	[smem:$0x3FB0] =	sst s0  }
0x18: {  	s0 =	sld [smem:$0x3F93];
	_ =	swait.ge [sflag:s4], $0x0  }
0x19: {  	s7 =	sld [smem:$0x3F94]  }
0x1a: {  	s8 =	sadd.s32 $0xFFFFE003, lr  }
0x1b: {  	s9 =	sadd.s32 $0xFFFFFEF7, lr;
	s5 =	simm.s32 $0xFFFFFFFF;
	p2 =	slt.u32 s8, $0xFFFFF086  }
0x1c: {  	p1 =	slt.u32 s9, $0xF7A;
	s5 =	simm.s32 @!p2 $0x0  }
0x1d: {  	s5 =	simm.s32 @p1 $0x1;
	p0 =	seq.s32 s7, s2  }
0x1e: {  	s7 =	smul.u32 @!p0 $0xF7A, s2;
	p2 =	seq.s32 @!p0 s5, $0x0  }
0x1f: {  	s9 =	smul.u32 $0xF7A, s1;
	s8 =	simm.s32 @!p0 $0x1BF5;
	p2 =	por !p2, p0  }
0x20: {  	[sflag:s8] =	ssyncset.s32 @!p0 $0xFFFFF086;
	s6 =	sadd.s32 @!p0 s3, s7;
	s7 =	simm.s32 @!p0 $0x108  }
0x21: {  	s3 =	sadd.s32 s3, s9;
	s6 =	sadd.s32 @!p0 $0x88, s6;
	s7 =	simm.s32 @p2 $0x1082  }
0x22: {  	[simem:s7], [sflag:s8] =	dma.local @!p0 [hbm:s6], $0xF7A  }
0x23: {  	s9 =	sor.u32 $0xD0000000, s2;
	s6 =	simm.s32 $0x108;
	_ =	swait.ge @!p0 [sflag:s8], $0x0  }
0x24: {  	s3 =	sadd.s32 $0x88, s3;
	s6 =	simm.s32 @!p1 $0x1082;
	[sflag:s4] =	ssyncset.s32 $0xFFFFF086  }
0x25: {  	[simem:s6], [sflag:s4] =	dma.local [hbm:s3], $0xF7A  }
0x26: {  	[smem:$0x3F94] =	sst s1;
	(tag) =	ssettag s2;
	_ =	strace s9  }
0x27: {  	s1 =	sld [smem:$0x3FA4]  }
0x28: {  	s2 =	sld [smem:$0x3FA5]  }
0x29: {  	s4 =	sld [smem:$0x3FA7]  }
0x2a: {  	p0 =	seq.s32 s5, $0x0;
	s5 =	sld [smem:$0x3FA8]  }
0x2b: {  	s6 =	sld [smem:$0x3FA9]  }
0x2c: {  	s7 =	sld [smem:$0x3FAA]  }
0x2d: {  	s3 =	simm.s32 $0x108;
	s8 =	sld [smem:$0x3FAB]  }
0x2e: {  	s3 =	simm.s32 @!p0 $0x1082;
	s9 =	sld [smem:$0x3FAC]  }
0x2f: {  	lr =	sadd.s32 s0, s3;
	s0 =	sld [smem:$0x3FA3]  }
0x30: {  	s3 =	sld [smem:$0x3FA6]  }
0x31: {  	[smem:$0x3FAF] =	sst s10  }
0x32: {  	s10 =	sld [smem:$0x3FAD];
	_ =	sdelay $0x3  }
0x33: {  	p0 =	seq.s32 s10, $0x1;
	s10 =	sld [smem:$0x3FAF];
	_ =	sdelay $0x3  }
0x34: {  	[smem:$0x3FAF] =	sst s10  }
0x35: {  	s10 =	sld [smem:$0x3FAE];
	_ =	sdelay $0x3  }
0x36: {  	p1 =	seq.s32 s10, $0x1;
	s10 =	sld [smem:$0x3FAF];
	_ =	sdelay $0x3  }
0x37: {  	[smem:$0x3FAF] =	sst s10  }
0x38: {  	s10 =	sld [smem:$0x3FB0]  }
0x39: {  	_ = 	snop;
	(pc) =	sbr.ind lr, $3  }
0x3a: {  	_ = 	snop  }
0x3b: {  	_ = 	snop  }
0x3c: {  	p2 =	seq.s32 s10, $0x1;
	s10 =	sld [smem:$0x3FAF]  }
0x3d: {  	_ =	shalt  }
0x3e: {  	_ =	shalt  }
0x3f: {  	_ =	shalt  }
0x40: {  	_ =	shalt  }
0x41: {  	_ =	shalt  }
0x42: {  	_ =	shalt  }
0x43: {  	_ =	shalt  }
0x44: {  	_ =	shalt  }
0x45: {  	_ =	shalt  }
0x46: {  	_ =	shalt  }
0x47: {  	_ =	shalt  }
0x48: {  	_ =	shalt  }
0x49: {  	_ =	shalt  }
0x4a: {  	_ =	shalt  }
0x4b: {  	_ =	shalt  }
0x4c: {  	_ =	shalt  }
0x4d: {  	_ =	shalt  }
0x4e: {  	_ =	shalt  }
0x4f: {  	_ =	shalt  }
0x50: {  	_ =	shalt  }
0x51: {  	_ =	shalt  }
0x52: {  	_ =	shalt  }
0x53: {  	_ =	shalt  }
0x54: {  	_ =	shalt  }
0x55: {  	_ =	shalt  }
0x56: {  	_ =	shalt  }
0x57: {  	_ =	shalt  }
0x58: {  	_ =	shalt  }
0x59: {  	_ =	shalt  }
0x5a: {  	_ =	shalt  }
0x5b: {  	_ =	shalt  }
0x5c: {  	_ =	shalt  }
0x5d: {  	_ =	shalt  }
0x5e: {  	_ =	shalt  }
0x5f: {  	_ =	shalt  }
0x60: {  	_ =	shalt  }
0x61: {  	_ =	shalt  }
0x62: {  	_ =	shalt  }
0x63: {  	_ =	shalt  }
0x64: {  	_ =	shalt  }
0x65: {  	_ =	shalt  }
0x66: {  	_ =	shalt  }
0x67: {  	_ =	shalt  }
0x68: {  	_ =	shalt  }
0x69: {  	_ =	shalt  }
0x6a: {  	_ =	shalt  }
0x6b: {  	_ =	shalt  }
0x6c: {  	_ =	shalt  }
0x6d: {  	_ =	shalt  }
0x6e: {  	_ =	shalt  }
0x6f: {  	_ =	shalt  }
0x70: {  	_ =	shalt  }
0x71: {  	_ =	shalt  }
0x72: {  	_ =	shalt  }
0x73: {  	_ =	shalt  }
0x74: {  	_ =	shalt  }
0x75: {  	_ =	shalt  }
0x76: {  	_ =	shalt  }
0x77: {  	_ =	shalt  }
0x78: {  	_ =	shalt  }
0x79: {  	_ =	shalt  }
0x7a: {  	_ =	shalt  }
0x7b: {  	_ =	shalt  }
0x7c: {  	_ =	shalt  }
0x7d: {  	_ =	shalt  }
0x7e: {  	_ =	shalt  }
0x7f: {  	_ =	shalt  }
0x80: {  	_ =	shalt  }
0x81: {  	_ =	shalt  }
0x82: {  	_ =	shalt  }
0x83: {  	_ =	shalt  }
0x84: {  	_ =	shalt  }
0x85: {  	_ =	shalt  }
0x86: {  	_ =	shalt  }
0x87: {  	_ =	shalt  }
.Lfunc_end0:
.L_simem_size_0:
called_computation.1_lowered:
.L_overlay_start_0:
0x88: {  	s2 =	sld [smem:$0x3FD9]  }
0x89: {  	s3 =	sld [smem:$0x3FFE];
	_ =	sdelay $0x1  }
0x8a: {  	s1 =	srdreg.scid  }
0x8b: {  	s0 =	sand.u32 $0x1, s1  }
0x8c: {  	s16 =	sshll.u32 s0, $0xA;
	s2 =	sadd.s32 s3, s2  }
0x8d: {  	s2 =	sadd.s32 s2, s16  }
0x8e: {  	[smem:$0x3FBB] =	sst s2  }
0x8f: {  	_ = 	snop  }
0x90: {  	(tm) =	ssettm $0x1  }
0x91: {  	s17 =	sld [smem:$0x3FFB];
	_ =	sdelay $0x3  }
0x92: {  	_ =	strace s17  }
0x93: {  	s2 =	sld [smem:$0x3FFC];
	_ =	sdelay $0x3  }
0x94: {  	_ =	strace s2  }
0x95: {  	s2 =	sld [smem:$0x3FFD];
	_ =	sdelay $0x3  }
0x96: {  	_ =	strace s2  }
0x97: {  	_ =	strace $0x8FFFFFFF  }
0x98: {  	s18 =	sld [smem:$0x3FDB];
	_ =	sdelay $0x1  }
0x99: {  	s19 =	simm.s32 $_scs_section_size  }
0x9a: {  	s4 =	simm.s32 $_size__tile_overlayer_lowered;
	s5 =	simm.s32 $_tile_overlayer_lowered  }
0x9b: {  	s22 =	simm.s32 $0x1BFF;
	s21 =	sshll.u32 s5, $0x1;
	s2 =	sadd.s32 s19, s18  }
0x9c: {  	s6 =	simm.s32 $0x0;
	s20 =	sshll.u32 s4, $0x1;
	s4 =	sadd.s32 s21, s2  }
0x9d: {  	[timem:s6], [sflag:s22] =	dma.local [hbm:s4], s20  }
0x9e: {  	_ =	swait.ge [sflag:s22], s20  }
0x9f: {  	s3 =	ssub.s32 $0x0, s20;
	[sflag:s22] =	ssyncset.done $0x0  }
0xa0: {  	[sflag:s22] =	ssyncadd.s32 s3;
	_ =	sdelay $0x1  }
0xa1: {  	s23 =	simm.s32 $0x1B8B  }
0xa2: {  	_ =	swait.ge [sflag:s23], $0x1  }
0xa3: {  	[sflag:s23] =	ssyncset.done $0x0  }
0xa4: {  	s25 =	simm.s32 $0x1B8E;
	s24 =	sld [smem:$0x3FFE];
	[sflag:s23] =	ssyncadd.s32 $0xFFFFFFFF  }
0xa5: {  	s26 =	simm.s32 $execute0_lowered;
	[smem:$0x3FD2] =	sst s25  }
0xa6: {  	s4 =	sshll.u32 s26, $0x1;
	_ =	strace $0x80000049;
	[dreg:$0x1] =	wrdreg $0xFFFFFFFF  }
0xa7: {  	s28 =	simm.s32 $_size_execute0_lowered;
	s2 =	sadd.s32 s2, s4;
	[dreg:$0x0] =	wrdreg $0x0  }
0xa8: {  	s4 =	sshll.u32 s28, $0x1;
	[dreg:$0x2] =	wrdreg s2  }
0xa9: {  	[dreg:$0x3] =	wrdreg s4  }
0xaa: {  	[dreg:$0x4] =	wrdreg $0xC0  }
0xab: {  	_ =	task [dreg:s6], $0x5FFFF  }
0xac: {  	[dreg:$0x1] =	wrdreg $0xFFFFFFFF  }
0xad: {  	[dreg:$0x0] =	wrdreg $0x60  }
0xae: {  	[dreg:$0x2] =	wrdreg s24  }
0xaf: {  	[dreg:$0x3] =	wrdreg $0x0  }
0xb0: {  	[dreg:$0x4] =	wrdreg $0x9  }
0xb1: {  	_ =	task.clear_ibuf [dreg:s6], $0x5FFFF;
	_ =	strace $0x90000049  }
0xb2: {  	s29 =	simm.s32 $0x9;
	_ =	strace $0x8000004B  }
0xb3: {  	_ =	swait.ge [sflag:s29], $0x1  }
0xb4: {  	[sflag:s29] =	ssyncadd.s32 $0xFFFFFFFF  }
0xb5: {  	_ =	strace $0x9000004B  }
0xb6: {  	_ =	sfence  }
0xb7: {  	s30 =	sld [smem:$0x0];
	_ =	sdelay $0x2  }
0xb8: {  	s31 =	sshll.u32 s1, $0xD;
	s1 =	sshrl.u32 s1, $0x2  }
0xb9: {  	s3 =	sand.u32 $0x4000, s31;
	s1 =	sadd.s32 s1, s30  }
0xba: {  	s0 =	sor.u32 s3, s0;
	s1 =	sshll.u32 s1, $0x11  }
0xbb: {  	s0 =	sor.u32 s1, s0  }
0xbc: {  	s0 =	sadd.s32 $0x8F2B, s0  }
0xbd: {  	[sflag:s0] =	ssyncadd.remote.s32 $0x1  }
0xbe: {  	_ =	sfence.sel $0xFFFF  }
0xbf: {  	[dreg:$0x0] =	wrdreg $0xFFFFFFFF;
	(pc) =	sbr.abs _section_cstart, $3  }
0xc0: {  	[dreg:$0x1] =	wrdreg $0xFFFFFFFF  }
0xc1: {  	_ =	task.clear_ibuf [dreg:s6], $0x2FFFF;
	_ =	strace $0x9FFFFFFF  }
0xc2: {  	(tm) =	ssettm $0x7FFFFFFF  }
0xc3: {  	_ =	shalt  }
tec
execute0_lowered:
.L_overlay_start_1:
0x0: {  	(tag) =	ssettag $0x1  }
0x1: {  	s1 =	srdreg.scid  }
0x2: {  	s0 =	stileid.u32;
	s5 =	rddreg [dreg:$0x0]  }
0x3: {  	s2 =	rddreg [dreg:$0x1];
	s3 =	simm.s32 $0x0;
	s13 =	simm.s32 $0x14000  }
0x4: {  	s14 =	simm.s32 $0x16800;
	s15 =	simm.s32 $0x80;
	s7 =	smul.u32 $0x5000, s0  }
0x5: {  	s16 =	simm.s32 $0x19000;
	s17 =	simm.s32 $0x1;
	s10 =	smul.u32 $0x14000, s0  }
0x6: {  	s6 =	sand.u32 $0x1, s1;
	s1 =	rddreg [dreg:$0x2];
	s26 =	smul.u32 $0x50000, s0  }
0x7: {  	s18 =	simm.s32 $0x0;
	[smem:$0x7FF] =	sst s3;
	s30 =	smul.u32 $0x2800, s0  }
0x8: {  	s4 =	sadd.s32 $0xD600, s5;
	s11 =	sadd.s32 $0x35600, s5;
	s8 =	smul.u32 $0x2800, s6  }
0x9: {  	s31 =	sshll.u32 s0, $0x6;
	s9 =	smul.u32 $0x140000, s6;
	s25 =	ssub.s32 $0x2, s6  }
0xa: {  	_ =	strace $0x8000004A;
	p0 =	seq.s32 s6, $0x0;
	s28 =	sshrl.u32 s25, $0x1  }
0xb: {  	s29 =	sshrl.u32 s26, $0x2;
	s11 =	smov.u32 @p0 s4;
	s7 =	sadd.s32 s8, s7  }
0xc: {  	s24 =	sadd.s32 s10, s9;
	s9 =	ssub.s32 s25, s28;
	s7 =	sshrl.u32 s7, $0x3  }
0xd: {  	s12 =	sadd.s32 s29, s2;
	s8 =	sshrl.u32 s24, $0x3;
	s7 =	sadd.s32 s7, s5  }
0xe: {  	s10 =	sor.u32 $0x1C02, s31;
	s8 =	sadd.s32 s8, s5;
	s5 =	sadd.s32 $0x5D600, s7  }
0xf: {  	s6 =	sadd.s32 $0x3600, s7;
	s7 =	sadd.s32 $0x67600, s8;
	s8 =	smax.u32 s9, $0x1  }
0x10: {  	s9 =	sadd.s32 s11, s30;
	s11 =	sshrl.u32 s12, $0x3;
	s12 =	simm.s32 $0x2  }
.LBB2_1:
0x11: {  	[spmem:s11], [sflag:s10] =	dma.local [hbm:s9], $0x2800  }
0x12: {  	_ =	swait.ge [sflag:s12], $0x2800  }
0x13: {  	[sflag:s12] =	ssyncset.done $0x0  }
0x14: {  	[sflag:s12] =	ssyncadd.s32 $0xFFFFD800  }
0x15: {  	[tilespmem:s13], [sflag:$0x2] =	stream.linear.gather [hbm4b:s5+s3], $0x2800, $0x38;
	[tilespmem:$0x1D000] =	vst v63  }
0x16: {  	_ =	swait.ge [sflag:s12], $0x2800  }
0x17: {  	[sflag:s12] =	ssyncset.done $0x0  }
0x18: {  	[sflag:s12] =	ssyncadd.s32 $0xFFFFD800  }
0x19: {  	[tilespmem:s14], [sflag:$0x2] =	stream.linear.gather [hbm4b:s6+s3], $0x2800, $0x38;
	[tilespmem:$0x1D000] =	vst v63  }
0x1a: {  	_ =	swait.ge [sflag:s12], $0x2800  }
0x1b: {  	[sflag:s12] =	ssyncset.done $0x0  }
0x1c: {  	[sflag:s12] =	ssyncadd.s32 $0xFFFFD800  }
0x1d: {  	s19 =	simm.s32 $0x14000;
	[bflag:$0x0] =	sbarrier.arrive $0xFFFF  }
0x1e: {  	[tilespmem:s16], [sflag:$0x1] =	stream.indirect.gather [hbm4b:s4+s15], $0x80, s19, s15, $0xb8;
	[tilespmem:$0x1D000] =	vst v63  }
0x1f: {  	_ =	swait.ge [sflag:s17], $0x4000  }
0x20: {  	[sflag:s17] =	ssyncset.done $0x0  }
0x21: {  	s31 =	simm.s32 $0x16800;
	[sflag:s17] =	ssyncadd.s32 $0xFFFFC000  }
0x22: {  	[spmem:s2] =	stream.indirect.scatter.add.f32 [tilespmem:s16], [sflag:$0x2], $0x80, s31, s15, $0xb8;
	[tilespmem:$0x1D000] =	vst v63  }
0x23: {  	_ =	swait.ge [sflag:s12], $0x4000  }
0x24: {  	s20 =	simm.s32 $0x400;
	s19 =	simm.s32 $0x80;
	[sflag:s12] =	ssyncset.done $0x0  }
.LBB2_2:
0x25: {  	s21 =	sadd.s32 $0x14000, s19  }
0x26: {  	[sflag:s12] =	ssyncadd.s32 $0xFFFFC000;
	s22 =	smov.u32 s20;
	s23 =	sadd.s32 $0x200, s20  }
0x27: {  	[tilespmem:s16], [sflag:$0x1] =	stream.indirect.gather [hbm4b:s4+s15], $0x80, s21, s15, $0xb8;
	[tilespmem:$0x1D000] =	vst v63  }
0x28: {  	p0 =	sne.s32 s20, $0x9E00;
	_ =	swait.ge [sflag:s17], $0x4000  }
.Ltmp0:
0x29: {  	[sflag:s17] =	ssyncset.done $0x0;
	(pc) =	sbr.rel @p0 .LBB2_2-.Ltmp0, $4  }
0x2a: {  	s19 =	sadd.s32 $0x16800, s19;
	[sflag:s17] =	ssyncadd.s32 $0xFFFFC000  }
0x2b: {  	[spmem:s2] =	stream.indirect.scatter.add.f32 [tilespmem:s16], [sflag:$0x2], $0x80, s19, s15, $0xb8;
	[tilespmem:$0x1D000] =	vst v63  }
0x2c: {  	_ =	swait.ge [sflag:s12], $0x4000  }
0x2d: {  	s20 =	smov.u32 s23;
	s19 =	sshra.s32 s22, $0x2;
	[sflag:s12] =	ssyncset.done $0x0  }
0x2e: {  	s20 =	sadd.s32 $0x14000, s19;
	[sflag:s12] =	ssyncadd.s32 $0xFFFFC000  }
0x2f: {  	[tilespmem:s16], [sflag:$0x1] =	stream.indirect.gather [hbm4b:s4+s15], $0x80, s20, s15, $0xb8;
	[tilespmem:$0x1D000] =	vst v63  }
0x30: {  	_ =	swait.ge [sflag:s17], $0x4000  }
0x31: {  	[sflag:s17] =	ssyncset.done $0x0  }
0x32: {  	s31 =	sadd.s32 $0x16800, s19;
	[sflag:s17] =	ssyncadd.s32 $0xFFFFC000  }
0x33: {  	[spmem:s2] =	stream.indirect.scatter.add.f32 [tilespmem:s16], [sflag:$0x2], $0x80, s31, s15, $0xb8;
	[tilespmem:$0x1D000] =	vst v63  }
0x34: {  	_ =	swait.ge [sflag:s12], $0x4000  }
0x35: {  	s18 =	sadd.s32 $0x1, s18;
	[sflag:s12] =	ssyncset.done $0x0  }
0x36: {  	p0 =	sne.s32 s18, s8;
	[sflag:s12] =	ssyncadd.s32 $0xFFFFC000  }
.Ltmp1:
0x37: {  	[bflag:$0x0] =	sbarrier.arrive $0xFFFF;
	(pc) =	sbr.rel @p0 .LBB2_1-.Ltmp1, $4  }
0x38: {  	[hbm:s7], [sflag:s10] =	dma.local [spmem:s11], $0x2800  }
0x39: {  	_ =	swait.ge [sflag:s12], $0x2800  }
0x3a: {  	[sflag:s12] =	ssyncset.done $0x0  }
0x3b: {  	[sflag:s12] =	ssyncadd.s32 $0xFFFFD800  }
0x3c: {  	_ =	sfence.sel $0x180000  }
0x3d: {  	[bflag:$0x0] =	sbarrier.arrive $0xFFFF  }
0x3e: {  	p0 =	sne.s32 s0, $0x0;
	_ =	strace $0x9000004A  }
0x3f: {  	s0 =	sadd.s32 @!p0 $0x100000, s1;
	[bflag:$0x2] =	sbarrier.arrive $0xFFFF  }
0x40: {  	[sflag:s0] =	ssyncadd.tile.s32 @!p0 $0x1;
	_ =	shalt  }
.Lfunc_end2:
_tile_overlayer_lowered:
.L_overlay_start_2:
0x41: {  	(tag) =	ssettag $0x2  }
0x42: {  	s0 =	rddreg [dreg:$0x0];
	s2 =	stileid.u32  }
0x43: {  	s1 =	rddreg [dreg:$0x1];
	p0 =	sne.s32 s2, $0x0  }
0x44: {  	s3 =	rddreg [dreg:$0x2];
	[bflag:$0x3] =	sbarrier.arrive $0xFFFF;
	s2 =	simm.s32 @!p0 $0x1C02  }
0x45: {  	[timem:s3], [sflag:s2] =	dma.local @!p0 [hbm:s0], s1  }
0x46: {  	s0 =	simm.s32 @!p0 $0x2  }
0x47: {  	_ =	swait.ge @!p0 [sflag:s0], s1  }
0x48: {  	s1 =	ssub.s32 @!p0 $0x0, s1;
	[sflag:s0] =	ssyncset.done @!p0 $0x0  }
0x49: {  	[sflag:s0] =	ssyncadd.s32 @!p0 s1  }
0x4a: {  	[bflag:$0x3] =	sbarrier.arrive $0xFFFF  }
0x4b: {  	_ =	shalt  }

// kernel: kernel.17.cloned.1.call-start
scs
__scs_entry_jumppad:
0x0: {  	(pc) =	sbr.rel $0x88, $3  }
0x1: {  	(tag) =	ssettag $0x0;
	lr =	simm.s32 $0x1  }
0x2: {  	[smem:$0x3F94] =	sst lr;
	_ =	strace $0xD0000000  }
0x3: {  	_ = 	snop  }
0x4: {  	_ = 	snop  }
0x5: {  	_ = 	snop  }
0x6: {  	_ = 	snop  }
0x7: {  	_ = 	snop  }
__scs_overlays_trampoline_lowered:
0x8: {  	[smem:$0x3FA3] =	sst s0  }
0x9: {  	[smem:$0x3FA4] =	sst s1  }
0xa: {  	[smem:$0x3FA5] =	sst s2  }
0xb: {  	[smem:$0x3FA6] =	sst s3  }
0xc: {  	[smem:$0x3FA7] =	sst s4  }
0xd: {  	[smem:$0x3FA8] =	sst s5  }
0xe: {  	[smem:$0x3FA9] =	sst s6  }
0xf: {  	[smem:$0x3FAA] =	sst s7  }
0x10: {  	[smem:$0x3FAB] =	sst s8  }
0x11: {  	[smem:$0x3FAC] =	sst s9;
	s0 =	simm.s32 @!p0 $0x0  }
0x12: {  	s1 =	sld [smem:$0x3F92];
	s0 =	simm.s32 @p0 $0x1  }
0x13: {  	[smem:$0x3FAD] =	sst s0;
	s0 =	simm.s32 @!p1 $0x0  }
0x14: {  	s2 =	sld [smem:$0x3F91];
	s0 =	simm.s32 @p1 $0x1  }
0x15: {  	[smem:$0x3FAE] =	sst s0;
	s0 =	simm.s32 @!p2 $0x0  }
0x16: {  	s3 =	sld [smem:$0x3FDB];
	s0 =	simm.s32 @p2 $0x1  }
0x17: {  	s4 =	simm.s32 $0x1BF5;
	[smem:$0x3FB0] =	sst s0  }
0x18: {  	s0 =	sld [smem:$0x3F93];
	_ =	swait.ge [sflag:s4], $0x0  }
0x19: {  	s7 =	sld [smem:$0x3F94]  }
0x1a: {  	s8 =	sadd.s32 $0xFFFFE003, lr  }
0x1b: {  	s9 =	sadd.s32 $0xFFFFFEF7, lr;
	s5 =	simm.s32 $0xFFFFFFFF;
	p2 =	slt.u32 s8, $0xFFFFF086  }
0x1c: {  	p1 =	slt.u32 s9, $0xF7A;
	s5 =	simm.s32 @!p2 $0x0  }
0x1d: {  	s5 =	simm.s32 @p1 $0x1;
	p0 =	seq.s32 s7, s2  }
0x1e: {  	s7 =	smul.u32 @!p0 $0xF7A, s2;
	p2 =	seq.s32 @!p0 s5, $0x0  }
0x1f: {  	s9 =	smul.u32 $0xF7A, s1;
	s8 =	simm.s32 @!p0 $0x1BF5;
	p2 =	por !p2, p0  }
0x20: {  	[sflag:s8] =	ssyncset.s32 @!p0 $0xFFFFF086;
	s6 =	sadd.s32 @!p0 s3, s7;
	s7 =	simm.s32 @!p0 $0x108  }
0x21: {  	s3 =	sadd.s32 s3, s9;
	s6 =	sadd.s32 @!p0 $0x88, s6;
	s7 =	simm.s32 @p2 $0x1082  }
0x22: {  	[simem:s7], [sflag:s8] =	dma.local @!p0 [hbm:s6], $0xF7A  }
0x23: {  	s9 =	sor.u32 $0xD0000000, s2;
	s6 =	simm.s32 $0x108;
	_ =	swait.ge @!p0 [sflag:s8], $0x0  }
0x24: {  	s3 =	sadd.s32 $0x88, s3;
	s6 =	simm.s32 @!p1 $0x1082;
	[sflag:s4] =	ssyncset.s32 $0xFFFFF086  }
0x25: {  	[simem:s6], [sflag:s4] =	dma.local [hbm:s3], $0xF7A  }
0x26: {  	[smem:$0x3F94] =	sst s1;
	(tag) =	ssettag s2;
	_ =	strace s9  }
0x27: {  	s1 =	sld [smem:$0x3FA4]  }
0x28: {  	s2 =	sld [smem:$0x3FA5]  }
0x29: {  	s4 =	sld [smem:$0x3FA7]  }
0x2a: {  	p0 =	seq.s32 s5, $0x0;
	s5 =	sld [smem:$0x3FA8]  }
0x2b: {  	s6 =	sld [smem:$0x3FA9]  }
0x2c: {  	s7 =	sld [smem:$0x3FAA]  }
0x2d: {  	s3 =	simm.s32 $0x108;
	s8 =	sld [smem:$0x3FAB]  }
0x2e: {  	s3 =	simm.s32 @!p0 $0x1082;
	s9 =	sld [smem:$0x3FAC]  }
0x2f: {  	lr =	sadd.s32 s0, s3;
	s0 =	sld [smem:$0x3FA3]  }
0x30: {  	s3 =	sld [smem:$0x3FA6]  }
0x31: {  	[smem:$0x3FAF] =	sst s10  }
0x32: {  	s10 =	sld [smem:$0x3FAD];
	_ =	sdelay $0x3  }
0x33: {  	p0 =	seq.s32 s10, $0x1;
	s10 =	sld [smem:$0x3FAF];
	_ =	sdelay $0x3  }
0x34: {  	[smem:$0x3FAF] =	sst s10  }
0x35: {  	s10 =	sld [smem:$0x3FAE];
	_ =	sdelay $0x3  }
0x36: {  	p1 =	seq.s32 s10, $0x1;
	s10 =	sld [smem:$0x3FAF];
	_ =	sdelay $0x3  }
0x37: {  	[smem:$0x3FAF] =	sst s10  }
0x38: {  	s10 =	sld [smem:$0x3FB0]  }
0x39: {  	_ = 	snop;
	(pc) =	sbr.ind lr, $3  }
0x3a: {  	_ = 	snop  }
0x3b: {  	_ = 	snop  }
0x3c: {  	p2 =	seq.s32 s10, $0x1;
	s10 =	sld [smem:$0x3FAF]  }
0x3d: {  	_ =	shalt  }
0x3e: {  	_ =	shalt  }
0x3f: {  	_ =	shalt  }
0x40: {  	_ =	shalt  }
0x41: {  	_ =	shalt  }
0x42: {  	_ =	shalt  }
0x43: {  	_ =	shalt  }
0x44: {  	_ =	shalt  }
0x45: {  	_ =	shalt  }
0x46: {  	_ =	shalt  }
0x47: {  	_ =	shalt  }
0x48: {  	_ =	shalt  }
0x49: {  	_ =	shalt  }
0x4a: {  	_ =	shalt  }
0x4b: {  	_ =	shalt  }
0x4c: {  	_ =	shalt  }
0x4d: {  	_ =	shalt  }
0x4e: {  	_ =	shalt  }
0x4f: {  	_ =	shalt  }
0x50: {  	_ =	shalt  }
0x51: {  	_ =	shalt  }
0x52: {  	_ =	shalt  }
0x53: {  	_ =	shalt  }
0x54: {  	_ =	shalt  }
0x55: {  	_ =	shalt  }
0x56: {  	_ =	shalt  }
0x57: {  	_ =	shalt  }
0x58: {  	_ =	shalt  }
0x59: {  	_ =	shalt  }
0x5a: {  	_ =	shalt  }
0x5b: {  	_ =	shalt  }
0x5c: {  	_ =	shalt  }
0x5d: {  	_ =	shalt  }
0x5e: {  	_ =	shalt  }
0x5f: {  	_ =	shalt  }
0x60: {  	_ =	shalt  }
0x61: {  	_ =	shalt  }
0x62: {  	_ =	shalt  }
0x63: {  	_ =	shalt  }
0x64: {  	_ =	shalt  }
0x65: {  	_ =	shalt  }
0x66: {  	_ =	shalt  }
0x67: {  	_ =	shalt  }
0x68: {  	_ =	shalt  }
0x69: {  	_ =	shalt  }
0x6a: {  	_ =	shalt  }
0x6b: {  	_ =	shalt  }
0x6c: {  	_ =	shalt  }
0x6d: {  	_ =	shalt  }
0x6e: {  	_ =	shalt  }
0x6f: {  	_ =	shalt  }
0x70: {  	_ =	shalt  }
0x71: {  	_ =	shalt  }
0x72: {  	_ =	shalt  }
0x73: {  	_ =	shalt  }
0x74: {  	_ =	shalt  }
0x75: {  	_ =	shalt  }
0x76: {  	_ =	shalt  }
0x77: {  	_ =	shalt  }
0x78: {  	_ =	shalt  }
0x79: {  	_ =	shalt  }
0x7a: {  	_ =	shalt  }
0x7b: {  	_ =	shalt  }
0x7c: {  	_ =	shalt  }
0x7d: {  	_ =	shalt  }
0x7e: {  	_ =	shalt  }
0x7f: {  	_ =	shalt  }
0x80: {  	_ =	shalt  }
0x81: {  	_ =	shalt  }
0x82: {  	_ =	shalt  }
0x83: {  	_ =	shalt  }
0x84: {  	_ =	shalt  }
0x85: {  	_ =	shalt  }
0x86: {  	_ =	shalt  }
0x87: {  	_ =	shalt  }
.Lfunc_end0:
.L_simem_size_0:
called_computation.2_lowered:
.L_overlay_start_0:
0x88: {  	s2 =	sld [smem:$0x3FD9]  }
0x89: {  	s3 =	sld [smem:$0x3FFE];
	_ =	sdelay $0x1  }
0x8a: {  	s1 =	srdreg.scid  }
0x8b: {  	s0 =	sand.u32 $0x1, s1  }
0x8c: {  	s17 =	sshll.u32 s0, $0xA;
	s2 =	sadd.s32 s3, s2  }
0x8d: {  	s2 =	sadd.s32 s2, s17  }
0x8e: {  	[smem:$0x3FBB] =	sst s2  }
0x8f: {  	_ = 	snop  }
0x90: {  	(tm) =	ssettm $0x1  }
0x91: {  	s18 =	sld [smem:$0x3FFB];
	_ =	sdelay $0x3  }
0x92: {  	_ =	strace s18  }
0x93: {  	s2 =	sld [smem:$0x3FFC];
	_ =	sdelay $0x3  }
0x94: {  	_ =	strace s2  }
0x95: {  	s2 =	sld [smem:$0x3FFD];
	_ =	sdelay $0x3  }
0x96: {  	_ =	strace s2  }
0x97: {  	_ =	strace $0x8FFFFFFF  }
0x98: {  	s19 =	sld [smem:$0x3FDB];
	_ =	sdelay $0x1  }
0x99: {  	s20 =	simm.s32 $_scs_section_size  }
0x9a: {  	s4 =	simm.s32 $_size__tile_overlayer_lowered;
	s5 =	simm.s32 $_tile_overlayer_lowered  }
0x9b: {  	s6 =	simm.s32 $0x1BFF;
	s21 =	sshll.u32 s5, $0x1;
	s3 =	sadd.s32 s20, s19  }
0x9c: {  	s22 =	simm.s32 $0x0;
	s4 =	sshll.u32 s4, $0x1;
	s5 =	sadd.s32 s21, s3  }
0x9d: {  	[timem:s22], [sflag:s6] =	dma.local [hbm:s5], s4  }
0x9e: {  	_ =	swait.ge [sflag:s6], s4  }
0x9f: {  	s4 =	ssub.s32 $0x0, s4;
	[sflag:s6] =	ssyncset.done $0x0  }
0xa0: {  	[sflag:s6] =	ssyncadd.s32 s4;
	_ =	sdelay $0x1  }
0xa1: {  	s23 =	simm.s32 $0x1B8B  }
0xa2: {  	_ =	swait.ge [sflag:s23], $0x1  }
0xa3: {  	[sflag:s23] =	ssyncset.done $0x0  }
0xa4: {  	[sflag:s23] =	ssyncadd.s32 $0xFFFFFFFF  }
0xa5: {  	s4 =	sld [smem:$0x0]  }
0xa6: {  	s5 =	sand.u32 $0xFFFFFFFE, s1  }
0xa7: {  	p0 =	sne.s32 s1, s5  }
0xa8: {  	s5 =	sshll.u32 @p0 s5, $0xE  }
0xa9: {  	s5 =	sadd.s32 @p0 $0x11B8D, s5;
	s6 =	sshll.u32 @p0 s4, $0x11  }
0xaa: {  	s5 =	sor.u32 @p0 s6, s5  }
0xab: {  	[sflag:s5] =	ssyncadd.remote.s32 @p0 $0x1;
	_ =	sdelay $0x1  }
0xac: {  	s5 =	simm.s32 @p0 $0x1B8D  }
0xad: {  	_ =	swait.eq @p0 [sflag:s5], $0x1  }
0xae: {  	[sflag:s5] =	ssyncadd.s32 @p0 $0xFFFFFFFF  }
0xaf: {  	s6 =	sshll.u32 @!p0 s1, $0xE  }
0xb0: {  	s6 =	sor.u32 @!p0 $0x4000, s6;
	s5 =	simm.s32 @!p0 $0x1B8D  }
0xb1: {  	s4 =	sshll.u32 @!p0 s4, $0x11;
	s6 =	sadd.s32 @!p0 $0x11B8D, s6;
	_ =	swait.eq @!p0 [sflag:s5], $0x1  }
0xb2: {  	s4 =	sor.u32 @!p0 s4, s6;
	[sflag:s5] =	ssyncadd.s32 @!p0 $0xFFFFFFFF  }
0xb3: {  	s25 =	simm.s32 $0x1B8E;
	s24 =	sld [smem:$0x3FFE];
	[sflag:s4] =	ssyncadd.remote.s32 @!p0 $0x1  }
0xb4: {  	s26 =	simm.s32 $execute0_lowered;
	[smem:$0x3FD2] =	sst s25  }
0xb5: {  	s5 =	sshll.u32 s26, $0x1;
	_ =	strace $0x8000004F;
	[dreg:$0x1] =	wrdreg $0xFFFFFFFF  }
0xb6: {  	s28 =	simm.s32 $_size_execute0_lowered;
	s3 =	sadd.s32 s3, s5;
	[dreg:$0x0] =	wrdreg $0x0  }
0xb7: {  	s5 =	sshll.u32 s28, $0x1;
	[dreg:$0x2] =	wrdreg s3  }
0xb8: {  	[dreg:$0x3] =	wrdreg s5  }
0xb9: {  	[dreg:$0x4] =	wrdreg $0xC0  }
0xba: {  	_ =	task [dreg:s22], $0x5FFFF  }
0xbb: {  	[dreg:$0x1] =	wrdreg $0xFFFFFFFF  }
0xbc: {  	[dreg:$0x0] =	wrdreg $0x60  }
0xbd: {  	[dreg:$0x2] =	wrdreg s24  }
0xbe: {  	[dreg:$0x3] =	wrdreg $0x0  }
0xbf: {  	[dreg:$0x4] =	wrdreg $0x9  }
0xc0: {  	_ =	task.clear_ibuf [dreg:s22], $0x5FFFF;
	_ =	strace $0x9000004F  }
0xc1: {  	s29 =	simm.s32 $0x9;
	_ =	strace $0x80000051  }
0xc2: {  	_ =	swait.ge [sflag:s29], $0x1  }
0xc3: {  	[sflag:s29] =	ssyncadd.s32 $0xFFFFFFFF  }
0xc4: {  	_ =	strace $0x90000051  }
0xc5: {  	_ =	sfence  }
0xc6: {  	s30 =	sld [smem:$0x0];
	_ =	sdelay $0x2  }
0xc7: {  	s31 =	sshll.u32 s1, $0xD;
	s1 =	sshrl.u32 s1, $0x2  }
0xc8: {  	s4 =	sand.u32 $0x4000, s31;
	s1 =	sadd.s32 s1, s30  }
0xc9: {  	s0 =	sor.u32 s4, s0;
	s1 =	sshll.u32 s1, $0x11  }
0xca: {  	s0 =	sor.u32 s1, s0  }
0xcb: {  	s0 =	sadd.s32 $0x8F2B, s0  }
0xcc: {  	[sflag:s0] =	ssyncadd.remote.s32 $0x1  }
0xcd: {  	_ =	sfence.sel $0xFFFF  }
0xce: {  	[dreg:$0x0] =	wrdreg $0xFFFFFFFF;
	(pc) =	sbr.abs _section_cstart, $3  }
0xcf: {  	[dreg:$0x1] =	wrdreg $0xFFFFFFFF  }
0xd0: {  	_ =	task.clear_ibuf [dreg:s22], $0x2FFFF;
	_ =	strace $0x9FFFFFFF  }
0xd1: {  	(tm) =	ssettm $0x7FFFFFFF  }
tec
execute0_lowered:
.L_overlay_start_1:
0x0: {  	(tag) =	ssettag $0x1  }
0x1: {  	s1 =	srdreg.scid  }
0x2: {  	s0 =	stileid.u32;
	s5 =	rddreg [dreg:$0x0]  }
0x3: {  	s2 =	rddreg [dreg:$0x1];
	s3 =	simm.s32 $0x0;
	s13 =	simm.s32 $0x14000  }
0x4: {  	s14 =	simm.s32 $0x16800;
	s15 =	simm.s32 $0x80;
	s7 =	smul.u32 $0x5000, s0  }
0x5: {  	s16 =	simm.s32 $0x19000;
	s17 =	simm.s32 $0x1;
	s10 =	smul.u32 $0x14000, s0  }
0x6: {  	s6 =	sand.u32 $0x1, s1;
	s1 =	rddreg [dreg:$0x2];
	s26 =	smul.u32 $0x50000, s0  }
0x7: {  	s18 =	simm.s32 $0x0;
	[smem:$0x7FF] =	sst s3;
	s30 =	smul.u32 $0x2800, s0  }
0x8: {  	s4 =	sadd.s32 $0x67600, s5;
	s11 =	sadd.s32 $0x35600, s5;
	s8 =	smul.u32 $0x2800, s6  }
0x9: {  	s31 =	sshll.u32 s0, $0x6;
	s9 =	smul.u32 $0x140000, s6;
	s25 =	ssub.s32 $0x2, s6  }
0xa: {  	_ =	strace $0x80000050;
	p0 =	seq.s32 s6, $0x0;
	s28 =	sshrl.u32 s25, $0x1  }
0xb: {  	s29 =	sshrl.u32 s26, $0x2;
	s11 =	smov.u32 @p0 s4;
	s7 =	sadd.s32 s8, s7  }
0xc: {  	s24 =	sadd.s32 s10, s9;
	s9 =	ssub.s32 s25, s28;
	s7 =	sshrl.u32 s7, $0x3  }
0xd: {  	s12 =	sadd.s32 s29, s2;
	s8 =	sshrl.u32 s24, $0x3;
	s7 =	sadd.s32 s7, s5  }
0xe: {  	s10 =	sor.u32 $0x1C02, s31;
	s8 =	sadd.s32 s8, s5;
	s5 =	sadd.s32 $0x5D600, s7  }
0xf: {  	s6 =	sadd.s32 $0x3600, s7;
	s7 =	sadd.s32 $0xDF600, s8;
	s8 =	smax.u32 s9, $0x1  }
0x10: {  	s9 =	sadd.s32 s11, s30;
	s11 =	sshrl.u32 s12, $0x3;
	s12 =	simm.s32 $0x2  }
.LBB2_1:
0x11: {  	[spmem:s11], [sflag:s10] =	dma.local [hbm:s9], $0x2800  }
0x12: {  	_ =	swait.ge [sflag:s12], $0x2800  }
0x13: {  	[sflag:s12] =	ssyncset.done $0x0  }
0x14: {  	[sflag:s12] =	ssyncadd.s32 $0xFFFFD800  }
0x15: {  	[tilespmem:s13], [sflag:$0x2] =	stream.linear.gather [hbm4b:s5+s3], $0x2800, $0x38;
	[tilespmem:$0x1D000] =	vst v63  }
0x16: {  	_ =	swait.ge [sflag:s12], $0x2800  }
0x17: {  	[sflag:s12] =	ssyncset.done $0x0  }
0x18: {  	[sflag:s12] =	ssyncadd.s32 $0xFFFFD800  }
0x19: {  	[tilespmem:s14], [sflag:$0x2] =	stream.linear.gather [hbm4b:s6+s3], $0x2800, $0x38;
	[tilespmem:$0x1D000] =	vst v63  }
0x1a: {  	_ =	swait.ge [sflag:s12], $0x2800  }
0x1b: {  	[sflag:s12] =	ssyncset.done $0x0  }
0x1c: {  	[sflag:s12] =	ssyncadd.s32 $0xFFFFD800  }
0x1d: {  	s19 =	simm.s32 $0x14000;
	[bflag:$0x0] =	sbarrier.arrive $0xFFFF  }
0x1e: {  	[tilespmem:s16], [sflag:$0x1] =	stream.indirect.gather [hbm4b:s4+s15], $0x80, s19, s15, $0xb8;
	[tilespmem:$0x1D000] =	vst v63  }
0x1f: {  	_ =	swait.ge [sflag:s17], $0x4000  }
0x20: {  	[sflag:s17] =	ssyncset.done $0x0  }
0x21: {  	s31 =	simm.s32 $0x16800;
	[sflag:s17] =	ssyncadd.s32 $0xFFFFC000  }
0x22: {  	[spmem:s2] =	stream.indirect.scatter.add.f32 [tilespmem:s16], [sflag:$0x2], $0x80, s31, s15, $0xb8;
	[tilespmem:$0x1D000] =	vst v63  }
0x23: {  	_ =	swait.ge [sflag:s12], $0x4000  }
0x24: {  	s20 =	simm.s32 $0x400;
	s19 =	simm.s32 $0x80;
	[sflag:s12] =	ssyncset.done $0x0  }
.LBB2_2:
0x25: {  	s21 =	sadd.s32 $0x14000, s19  }
0x26: {  	[sflag:s12] =	ssyncadd.s32 $0xFFFFC000;
	s22 =	smov.u32 s20;
	s23 =	sadd.s32 $0x200, s20  }
0x27: {  	[tilespmem:s16], [sflag:$0x1] =	stream.indirect.gather [hbm4b:s4+s15], $0x80, s21, s15, $0xb8;
	[tilespmem:$0x1D000] =	vst v63  }
0x28: {  	p0 =	sne.s32 s20, $0x9E00;
	_ =	swait.ge [sflag:s17], $0x4000  }
.Ltmp0:
0x29: {  	[sflag:s17] =	ssyncset.done $0x0;
	(pc) =	sbr.rel @p0 .LBB2_2-.Ltmp0, $4  }
0x2a: {  	s19 =	sadd.s32 $0x16800, s19;
	[sflag:s17] =	ssyncadd.s32 $0xFFFFC000  }
0x2b: {  	[spmem:s2] =	stream.indirect.scatter.add.f32 [tilespmem:s16], [sflag:$0x2], $0x80, s19, s15, $0xb8;
	[tilespmem:$0x1D000] =	vst v63  }
0x2c: {  	_ =	swait.ge [sflag:s12], $0x4000  }
0x2d: {  	s20 =	smov.u32 s23;
	s19 =	sshra.s32 s22, $0x2;
	[sflag:s12] =	ssyncset.done $0x0  }
0x2e: {  	s20 =	sadd.s32 $0x14000, s19;
	[sflag:s12] =	ssyncadd.s32 $0xFFFFC000  }
0x2f: {  	[tilespmem:s16], [sflag:$0x1] =	stream.indirect.gather [hbm4b:s4+s15], $0x80, s20, s15, $0xb8;
	[tilespmem:$0x1D000] =	vst v63  }
0x30: {  	_ =	swait.ge [sflag:s17], $0x4000  }
0x31: {  	[sflag:s17] =	ssyncset.done $0x0  }
0x32: {  	s31 =	sadd.s32 $0x16800, s19;
	[sflag:s17] =	ssyncadd.s32 $0xFFFFC000  }
0x33: {  	[spmem:s2] =	stream.indirect.scatter.add.f32 [tilespmem:s16], [sflag:$0x2], $0x80, s31, s15, $0xb8;
	[tilespmem:$0x1D000] =	vst v63  }
0x34: {  	_ =	swait.ge [sflag:s12], $0x4000  }
0x35: {  	s18 =	sadd.s32 $0x1, s18;
	[sflag:s12] =	ssyncset.done $0x0  }
0x36: {  	p0 =	sne.s32 s18, s8;
	[sflag:s12] =	ssyncadd.s32 $0xFFFFC000  }
.Ltmp1:
0x37: {  	[bflag:$0x0] =	sbarrier.arrive $0xFFFF;
	(pc) =	sbr.rel @p0 .LBB2_1-.Ltmp1, $4  }
0x38: {  	[hbm:s7], [sflag:s10] =	dma.local [spmem:s11], $0x2800  }
0x39: {  	_ =	swait.ge [sflag:s12], $0x2800  }
0x3a: {  	[sflag:s12] =	ssyncset.done $0x0  }
0x3b: {  	[sflag:s12] =	ssyncadd.s32 $0xFFFFD800  }
0x3c: {  	_ =	sfence.sel $0x180000  }
0x3d: {  	[bflag:$0x0] =	sbarrier.arrive $0xFFFF  }
0x3e: {  	p0 =	sne.s32 s0, $0x0;
	_ =	strace $0x90000050  }
0x3f: {  	s0 =	sadd.s32 @!p0 $0x100000, s1;
	[bflag:$0x2] =	sbarrier.arrive $0xFFFF  }
0x40: {  	[sflag:s0] =	ssyncadd.tile.s32 @!p0 $0x1;
	_ =	shalt  }
.Lfunc_end2:
_tile_overlayer_lowered:
.L_overlay_start_2:
0x41: {  	(tag) =	ssettag $0x2  }
0x42: {  	s0 =	rddreg [dreg:$0x0];
	s2 =	stileid.u32  }
0x43: {  	s1 =	rddreg [dreg:$0x1];
	p0 =	sne.s32 s2, $0x0  }
0x44: {  	s3 =	rddreg [dreg:$0x2];
	[bflag:$0x3] =	sbarrier.arrive $0xFFFF;
	s2 =	simm.s32 @!p0 $0x1C02  }
0x45: {  	[timem:s3], [sflag:s2] =	dma.local @!p0 [hbm:s0], s1  }
0x46: {  	s0 =	simm.s32 @!p0 $0x2  }
0x47: {  	_ =	swait.ge @!p0 [sflag:s0], s1  }
0x48: {  	s1 =	ssub.s32 @!p0 $0x0, s1;
	[sflag:s0] =	ssyncset.done @!p0 $0x0  }
0x49: {  	[sflag:s0] =	ssyncadd.s32 @!p0 s1  }
0x4a: {  	[bflag:$0x3] =	sbarrier.arrive $0xFFFF  }
0x4b: {  	_ =	shalt  }

// kernel: kernel.20.cloned.1.call-start
scs
__scs_entry_jumppad:
0x0: {  	(pc) =	sbr.rel $0x88, $3  }
0x1: {  	(tag) =	ssettag $0x0;
	lr =	simm.s32 $0x1  }
0x2: {  	[smem:$0x3F94] =	sst lr;
	_ =	strace $0xD0000000  }
0x3: {  	_ = 	snop  }
0x4: {  	_ = 	snop  }
0x5: {  	_ = 	snop  }
0x6: {  	_ = 	snop  }
0x7: {  	_ = 	snop  }
__scs_overlays_trampoline_lowered:
0x8: {  	[smem:$0x3FA3] =	sst s0  }
0x9: {  	[smem:$0x3FA4] =	sst s1  }
0xa: {  	[smem:$0x3FA5] =	sst s2  }
0xb: {  	[smem:$0x3FA6] =	sst s3  }
0xc: {  	[smem:$0x3FA7] =	sst s4  }
0xd: {  	[smem:$0x3FA8] =	sst s5  }
0xe: {  	[smem:$0x3FA9] =	sst s6  }
0xf: {  	[smem:$0x3FAA] =	sst s7  }
0x10: {  	[smem:$0x3FAB] =	sst s8  }
0x11: {  	[smem:$0x3FAC] =	sst s9;
	s0 =	simm.s32 @!p0 $0x0  }
0x12: {  	s1 =	sld [smem:$0x3F92];
	s0 =	simm.s32 @p0 $0x1  }
0x13: {  	[smem:$0x3FAD] =	sst s0;
	s0 =	simm.s32 @!p1 $0x0  }
0x14: {  	s2 =	sld [smem:$0x3F91];
	s0 =	simm.s32 @p1 $0x1  }
0x15: {  	[smem:$0x3FAE] =	sst s0;
	s0 =	simm.s32 @!p2 $0x0  }
0x16: {  	s3 =	sld [smem:$0x3FDB];
	s0 =	simm.s32 @p2 $0x1  }
0x17: {  	s4 =	simm.s32 $0x1BF5;
	[smem:$0x3FB0] =	sst s0  }
0x18: {  	s0 =	sld [smem:$0x3F93];
	_ =	swait.ge [sflag:s4], $0x0  }
0x19: {  	s7 =	sld [smem:$0x3F94]  }
0x1a: {  	s8 =	sadd.s32 $0xFFFFE003, lr  }
0x1b: {  	s9 =	sadd.s32 $0xFFFFFEF7, lr;
	s5 =	simm.s32 $0xFFFFFFFF;
	p2 =	slt.u32 s8, $0xFFFFF086  }
0x1c: {  	p1 =	slt.u32 s9, $0xF7A;
	s5 =	simm.s32 @!p2 $0x0  }
0x1d: {  	s5 =	simm.s32 @p1 $0x1;
	p0 =	seq.s32 s7, s2  }
0x1e: {  	s7 =	smul.u32 @!p0 $0xF7A, s2;
	p2 =	seq.s32 @!p0 s5, $0x0  }
0x1f: {  	s9 =	smul.u32 $0xF7A, s1;
	s8 =	simm.s32 @!p0 $0x1BF5;
	p2 =	por !p2, p0  }
0x20: {  	[sflag:s8] =	ssyncset.s32 @!p0 $0xFFFFF086;
	s6 =	sadd.s32 @!p0 s3, s7;
	s7 =	simm.s32 @!p0 $0x108  }
0x21: {  	s3 =	sadd.s32 s3, s9;
	s6 =	sadd.s32 @!p0 $0x88, s6;
	s7 =	simm.s32 @p2 $0x1082  }
0x22: {  	[simem:s7], [sflag:s8] =	dma.local @!p0 [hbm:s6], $0xF7A  }
0x23: {  	s9 =	sor.u32 $0xD0000000, s2;
	s6 =	simm.s32 $0x108;
	_ =	swait.ge @!p0 [sflag:s8], $0x0  }
0x24: {  	s3 =	sadd.s32 $0x88, s3;
	s6 =	simm.s32 @!p1 $0x1082;
	[sflag:s4] =	ssyncset.s32 $0xFFFFF086  }
0x25: {  	[simem:s6], [sflag:s4] =	dma.local [hbm:s3], $0xF7A  }
0x26: {  	[smem:$0x3F94] =	sst s1;
	(tag) =	ssettag s2;
	_ =	strace s9  }
0x27: {  	s1 =	sld [smem:$0x3FA4]  }
0x28: {  	s2 =	sld [smem:$0x3FA5]  }
0x29: {  	s4 =	sld [smem:$0x3FA7]  }
0x2a: {  	p0 =	seq.s32 s5, $0x0;
	s5 =	sld [smem:$0x3FA8]  }
0x2b: {  	s6 =	sld [smem:$0x3FA9]  }
0x2c: {  	s7 =	sld [smem:$0x3FAA]  }
0x2d: {  	s3 =	simm.s32 $0x108;
	s8 =	sld [smem:$0x3FAB]  }
0x2e: {  	s3 =	simm.s32 @!p0 $0x1082;
	s9 =	sld [smem:$0x3FAC]  }
0x2f: {  	lr =	sadd.s32 s0, s3;
	s0 =	sld [smem:$0x3FA3]  }
0x30: {  	s3 =	sld [smem:$0x3FA6]  }
0x31: {  	[smem:$0x3FAF] =	sst s10  }
0x32: {  	s10 =	sld [smem:$0x3FAD];
	_ =	sdelay $0x3  }
0x33: {  	p0 =	seq.s32 s10, $0x1;
	s10 =	sld [smem:$0x3FAF];
	_ =	sdelay $0x3  }
0x34: {  	[smem:$0x3FAF] =	sst s10  }
0x35: {  	s10 =	sld [smem:$0x3FAE];
	_ =	sdelay $0x3  }
0x36: {  	p1 =	seq.s32 s10, $0x1;
	s10 =	sld [smem:$0x3FAF];
	_ =	sdelay $0x3  }
0x37: {  	[smem:$0x3FAF] =	sst s10  }
0x38: {  	s10 =	sld [smem:$0x3FB0]  }
0x39: {  	_ = 	snop;
	(pc) =	sbr.ind lr, $3  }
0x3a: {  	_ = 	snop  }
0x3b: {  	_ = 	snop  }
0x3c: {  	p2 =	seq.s32 s10, $0x1;
	s10 =	sld [smem:$0x3FAF]  }
0x3d: {  	_ =	shalt  }
0x3e: {  	_ =	shalt  }
0x3f: {  	_ =	shalt  }
0x40: {  	_ =	shalt  }
0x41: {  	_ =	shalt  }
0x42: {  	_ =	shalt  }
0x43: {  	_ =	shalt  }
0x44: {  	_ =	shalt  }
0x45: {  	_ =	shalt  }
0x46: {  	_ =	shalt  }
0x47: {  	_ =	shalt  }
0x48: {  	_ =	shalt  }
0x49: {  	_ =	shalt  }
0x4a: {  	_ =	shalt  }
0x4b: {  	_ =	shalt  }
0x4c: {  	_ =	shalt  }
0x4d: {  	_ =	shalt  }
0x4e: {  	_ =	shalt  }
0x4f: {  	_ =	shalt  }
0x50: {  	_ =	shalt  }
0x51: {  	_ =	shalt  }
0x52: {  	_ =	shalt  }
0x53: {  	_ =	shalt  }
0x54: {  	_ =	shalt  }
0x55: {  	_ =	shalt  }
0x56: {  	_ =	shalt  }
0x57: {  	_ =	shalt  }
0x58: {  	_ =	shalt  }
0x59: {  	_ =	shalt  }
0x5a: {  	_ =	shalt  }
0x5b: {  	_ =	shalt  }
0x5c: {  	_ =	shalt  }
0x5d: {  	_ =	shalt  }
0x5e: {  	_ =	shalt  }
0x5f: {  	_ =	shalt  }
0x60: {  	_ =	shalt  }
0x61: {  	_ =	shalt  }
0x62: {  	_ =	shalt  }
0x63: {  	_ =	shalt  }
0x64: {  	_ =	shalt  }
0x65: {  	_ =	shalt  }
0x66: {  	_ =	shalt  }
0x67: {  	_ =	shalt  }
0x68: {  	_ =	shalt  }
0x69: {  	_ =	shalt  }
0x6a: {  	_ =	shalt  }
0x6b: {  	_ =	shalt  }
0x6c: {  	_ =	shalt  }
0x6d: {  	_ =	shalt  }
0x6e: {  	_ =	shalt  }
0x6f: {  	_ =	shalt  }
0x70: {  	_ =	shalt  }
0x71: {  	_ =	shalt  }
0x72: {  	_ =	shalt  }
0x73: {  	_ =	shalt  }
0x74: {  	_ =	shalt  }
0x75: {  	_ =	shalt  }
0x76: {  	_ =	shalt  }
0x77: {  	_ =	shalt  }
0x78: {  	_ =	shalt  }
0x79: {  	_ =	shalt  }
0x7a: {  	_ =	shalt  }
0x7b: {  	_ =	shalt  }
0x7c: {  	_ =	shalt  }
0x7d: {  	_ =	shalt  }
0x7e: {  	_ =	shalt  }
0x7f: {  	_ =	shalt  }
0x80: {  	_ =	shalt  }
0x81: {  	_ =	shalt  }
0x82: {  	_ =	shalt  }
0x83: {  	_ =	shalt  }
0x84: {  	_ =	shalt  }
0x85: {  	_ =	shalt  }
0x86: {  	_ =	shalt  }
0x87: {  	_ =	shalt  }
.Lfunc_end0:
.L_simem_size_0:
called_computation.3_lowered:
.L_overlay_start_0:
0x88: {  	s2 =	sld [smem:$0x3FD9]  }
0x89: {  	s3 =	sld [smem:$0x3FFE];
	_ =	sdelay $0x1  }
0x8a: {  	s1 =	srdreg.scid  }
0x8b: {  	s0 =	sand.u32 $0x1, s1  }
0x8c: {  	s16 =	sshll.u32 s0, $0xA;
	s2 =	sadd.s32 s3, s2  }
0x8d: {  	s2 =	sadd.s32 s2, s16  }
0x8e: {  	[smem:$0x3FBB] =	sst s2  }
0x8f: {  	_ = 	snop  }
0x90: {  	(tm) =	ssettm $0x1  }
0x91: {  	s17 =	sld [smem:$0x3FFB];
	_ =	sdelay $0x3  }
0x92: {  	_ =	strace s17  }
0x93: {  	s2 =	sld [smem:$0x3FFC];
	_ =	sdelay $0x3  }
0x94: {  	_ =	strace s2  }
0x95: {  	s2 =	sld [smem:$0x3FFD];
	_ =	sdelay $0x3  }
0x96: {  	_ =	strace s2  }
0x97: {  	_ =	strace $0x8FFFFFFF  }
0x98: {  	s18 =	sld [smem:$0x3FDB];
	_ =	sdelay $0x1  }
0x99: {  	s19 =	simm.s32 $_scs_section_size  }
0x9a: {  	s4 =	simm.s32 $_size__tile_overlayer_lowered;
	s5 =	simm.s32 $_tile_overlayer_lowered  }
0x9b: {  	s22 =	simm.s32 $0x1BFF;
	s21 =	sshll.u32 s5, $0x1;
	s2 =	sadd.s32 s19, s18  }
0x9c: {  	s6 =	simm.s32 $0x0;
	s20 =	sshll.u32 s4, $0x1;
	s4 =	sadd.s32 s21, s2  }
0x9d: {  	[timem:s6], [sflag:s22] =	dma.local [hbm:s4], s20  }
0x9e: {  	_ =	swait.ge [sflag:s22], s20  }
0x9f: {  	s3 =	ssub.s32 $0x0, s20;
	[sflag:s22] =	ssyncset.done $0x0  }
0xa0: {  	[sflag:s22] =	ssyncadd.s32 s3;
	_ =	sdelay $0x1  }
0xa1: {  	s23 =	simm.s32 $0x1B8B  }
0xa2: {  	_ =	swait.ge [sflag:s23], $0x1  }
0xa3: {  	[sflag:s23] =	ssyncset.done $0x0  }
0xa4: {  	s25 =	simm.s32 $0x1B8E;
	s24 =	sld [smem:$0x3FFE];
	[sflag:s23] =	ssyncadd.s32 $0xFFFFFFFF  }
0xa5: {  	s26 =	simm.s32 $execute0_lowered;
	[smem:$0x3FD2] =	sst s25  }
0xa6: {  	s4 =	sshll.u32 s26, $0x1;
	_ =	strace $0x8000004C;
	[dreg:$0x1] =	wrdreg $0xFFFFFFFF  }
0xa7: {  	s28 =	simm.s32 $_size_execute0_lowered;
	s2 =	sadd.s32 s2, s4;
	[dreg:$0x0] =	wrdreg $0x0  }
0xa8: {  	s4 =	sshll.u32 s28, $0x1;
	[dreg:$0x2] =	wrdreg s2  }
0xa9: {  	[dreg:$0x3] =	wrdreg s4  }
0xaa: {  	[dreg:$0x4] =	wrdreg $0xC0  }
0xab: {  	_ =	task [dreg:s6], $0x5FFFF  }
0xac: {  	[dreg:$0x1] =	wrdreg $0xFFFFFFFF  }
0xad: {  	[dreg:$0x0] =	wrdreg $0x60  }
0xae: {  	[dreg:$0x2] =	wrdreg s24  }
0xaf: {  	[dreg:$0x3] =	wrdreg $0x0  }
0xb0: {  	[dreg:$0x4] =	wrdreg $0xA  }
0xb1: {  	_ =	task.clear_ibuf [dreg:s6], $0x5FFFF;
	_ =	strace $0x9000004C  }
0xb2: {  	s29 =	simm.s32 $0xA;
	_ =	strace $0x8000004E  }
0xb3: {  	_ =	swait.ge [sflag:s29], $0x1  }
0xb4: {  	[sflag:s29] =	ssyncadd.s32 $0xFFFFFFFF  }
0xb5: {  	_ =	strace $0x9000004E  }
0xb6: {  	_ =	sfence  }
0xb7: {  	s30 =	sld [smem:$0x0];
	_ =	sdelay $0x2  }
0xb8: {  	s31 =	sshll.u32 s1, $0xD;
	s1 =	sshrl.u32 s1, $0x2  }
0xb9: {  	s3 =	sand.u32 $0x4000, s31;
	s1 =	sadd.s32 s1, s30  }
0xba: {  	s0 =	sor.u32 s3, s0;
	s1 =	sshll.u32 s1, $0x11  }
0xbb: {  	s0 =	sor.u32 s1, s0  }
0xbc: {  	s0 =	sadd.s32 $0x8F2B, s0  }
0xbd: {  	[sflag:s0] =	ssyncadd.remote.s32 $0x1  }
0xbe: {  	_ =	sfence.sel $0xFFFF  }
0xbf: {  	[dreg:$0x0] =	wrdreg $0xFFFFFFFF;
	(pc) =	sbr.abs _section_cstart, $3  }
0xc0: {  	[dreg:$0x1] =	wrdreg $0xFFFFFFFF  }
0xc1: {  	_ =	task.clear_ibuf [dreg:s6], $0x2FFFF;
	_ =	strace $0x9FFFFFFF  }
0xc2: {  	(tm) =	ssettm $0x7FFFFFFF  }
0xc3: {  	_ =	shalt  }
tec
execute0_lowered:
.L_overlay_start_1:
0x0: {  	(tag) =	ssettag $0x1  }
0x1: {  	s1 =	srdreg.scid  }
0x2: {  	s0 =	stileid.u32;
	s5 =	rddreg [dreg:$0x0]  }
0x3: {  	s2 =	rddreg [dreg:$0x1];
	s3 =	simm.s32 $0x0;
	s13 =	simm.s32 $0x14000  }
0x4: {  	s14 =	simm.s32 $0x16800;
	s15 =	simm.s32 $0x80;
	s7 =	smul.u32 $0x5000, s0  }
0x5: {  	s16 =	simm.s32 $0x19000;
	s17 =	simm.s32 $0x1;
	s10 =	smul.u32 $0x14000, s0  }
0x6: {  	s6 =	sand.u32 $0x1, s1;
	s1 =	rddreg [dreg:$0x2];
	s26 =	smul.u32 $0x50000, s0  }
0x7: {  	s18 =	simm.s32 $0x0;
	[smem:$0x7FF] =	sst s3;
	s30 =	smul.u32 $0x2800, s0  }
0x8: {  	s4 =	sadd.s32 $0xD600, s5;
	s11 =	sadd.s32 $0x35600, s5;
	s8 =	smul.u32 $0x2800, s6  }
0x9: {  	s31 =	sshll.u32 s0, $0x6;
	s9 =	smul.u32 $0x140000, s6;
	s25 =	ssub.s32 $0x2, s6  }
0xa: {  	_ =	strace $0x8000004D;
	p0 =	seq.s32 s6, $0x0;
	s28 =	sshrl.u32 s25, $0x1  }
0xb: {  	s29 =	sshrl.u32 s26, $0x2;
	s11 =	smov.u32 @p0 s4;
	s7 =	sadd.s32 s8, s7  }
0xc: {  	s24 =	sadd.s32 s10, s9;
	s9 =	ssub.s32 s25, s28;
	s7 =	sshrl.u32 s7, $0x3  }
0xd: {  	s12 =	sadd.s32 s29, s2;
	s8 =	sshrl.u32 s24, $0x3;
	s7 =	sadd.s32 s7, s5  }
0xe: {  	s10 =	sor.u32 $0x1C02, s31;
	s8 =	sadd.s32 s8, s5;
	s5 =	sadd.s32 $0x5D600, s7  }
0xf: {  	s6 =	sadd.s32 $0x3600, s7;
	s7 =	sadd.s32 $0x8F600, s8;
	s8 =	smax.u32 s9, $0x1  }
0x10: {  	s9 =	sadd.s32 s11, s30;
	s11 =	sshrl.u32 s12, $0x3;
	s12 =	simm.s32 $0x2  }
.LBB2_1:
0x11: {  	[spmem:s11], [sflag:s10] =	dma.local [hbm:s9], $0x2800  }
0x12: {  	_ =	swait.ge [sflag:s12], $0x2800  }
0x13: {  	[sflag:s12] =	ssyncset.done $0x0  }
0x14: {  	[sflag:s12] =	ssyncadd.s32 $0xFFFFD800  }
0x15: {  	[tilespmem:s13], [sflag:$0x2] =	stream.linear.gather [hbm4b:s5+s3], $0x2800, $0x38;
	[tilespmem:$0x1D000] =	vst v63  }
0x16: {  	_ =	swait.ge [sflag:s12], $0x2800  }
0x17: {  	[sflag:s12] =	ssyncset.done $0x0  }
0x18: {  	[sflag:s12] =	ssyncadd.s32 $0xFFFFD800  }
0x19: {  	[tilespmem:s14], [sflag:$0x2] =	stream.linear.gather [hbm4b:s6+s3], $0x2800, $0x38;
	[tilespmem:$0x1D000] =	vst v63  }
0x1a: {  	_ =	swait.ge [sflag:s12], $0x2800  }
0x1b: {  	[sflag:s12] =	ssyncset.done $0x0  }
0x1c: {  	[sflag:s12] =	ssyncadd.s32 $0xFFFFD800  }
0x1d: {  	s19 =	simm.s32 $0x14000;
	[bflag:$0x0] =	sbarrier.arrive $0xFFFF  }
0x1e: {  	[tilespmem:s16], [sflag:$0x1] =	stream.indirect.gather [hbm4b:s4+s15], $0x80, s19, s15, $0xb8;
	[tilespmem:$0x1D000] =	vst v63  }
0x1f: {  	_ =	swait.ge [sflag:s17], $0x4000  }
0x20: {  	[sflag:s17] =	ssyncset.done $0x0  }
0x21: {  	s31 =	simm.s32 $0x16800;
	[sflag:s17] =	ssyncadd.s32 $0xFFFFC000  }
0x22: {  	[spmem:s2] =	stream.indirect.scatter.add.f32 [tilespmem:s16], [sflag:$0x2], $0x80, s31, s15, $0xb8;
	[tilespmem:$0x1D000] =	vst v63  }
0x23: {  	_ =	swait.ge [sflag:s12], $0x4000  }
0x24: {  	s20 =	simm.s32 $0x400;
	s19 =	simm.s32 $0x80;
	[sflag:s12] =	ssyncset.done $0x0  }
.LBB2_2:
0x25: {  	s21 =	sadd.s32 $0x14000, s19  }
0x26: {  	[sflag:s12] =	ssyncadd.s32 $0xFFFFC000;
	s22 =	smov.u32 s20;
	s23 =	sadd.s32 $0x200, s20  }
0x27: {  	[tilespmem:s16], [sflag:$0x1] =	stream.indirect.gather [hbm4b:s4+s15], $0x80, s21, s15, $0xb8;
	[tilespmem:$0x1D000] =	vst v63  }
0x28: {  	p0 =	sne.s32 s20, $0x9E00;
	_ =	swait.ge [sflag:s17], $0x4000  }
.Ltmp0:
0x29: {  	[sflag:s17] =	ssyncset.done $0x0;
	(pc) =	sbr.rel @p0 .LBB2_2-.Ltmp0, $4  }
0x2a: {  	s19 =	sadd.s32 $0x16800, s19;
	[sflag:s17] =	ssyncadd.s32 $0xFFFFC000  }
0x2b: {  	[spmem:s2] =	stream.indirect.scatter.add.f32 [tilespmem:s16], [sflag:$0x2], $0x80, s19, s15, $0xb8;
	[tilespmem:$0x1D000] =	vst v63  }
0x2c: {  	_ =	swait.ge [sflag:s12], $0x4000  }
0x2d: {  	s20 =	smov.u32 s23;
	s19 =	sshra.s32 s22, $0x2;
	[sflag:s12] =	ssyncset.done $0x0  }
0x2e: {  	s20 =	sadd.s32 $0x14000, s19;
	[sflag:s12] =	ssyncadd.s32 $0xFFFFC000  }
0x2f: {  	[tilespmem:s16], [sflag:$0x1] =	stream.indirect.gather [hbm4b:s4+s15], $0x80, s20, s15, $0xb8;
	[tilespmem:$0x1D000] =	vst v63  }
0x30: {  	_ =	swait.ge [sflag:s17], $0x4000  }
0x31: {  	[sflag:s17] =	ssyncset.done $0x0  }
0x32: {  	s31 =	sadd.s32 $0x16800, s19;
	[sflag:s17] =	ssyncadd.s32 $0xFFFFC000  }
0x33: {  	[spmem:s2] =	stream.indirect.scatter.add.f32 [tilespmem:s16], [sflag:$0x2], $0x80, s31, s15, $0xb8;
	[tilespmem:$0x1D000] =	vst v63  }
0x34: {  	_ =	swait.ge [sflag:s12], $0x4000  }
0x35: {  	s18 =	sadd.s32 $0x1, s18;
	[sflag:s12] =	ssyncset.done $0x0  }
0x36: {  	p0 =	sne.s32 s18, s8;
	[sflag:s12] =	ssyncadd.s32 $0xFFFFC000  }
.Ltmp1:
0x37: {  	[bflag:$0x0] =	sbarrier.arrive $0xFFFF;
	(pc) =	sbr.rel @p0 .LBB2_1-.Ltmp1, $4  }
0x38: {  	[hbm:s7], [sflag:s10] =	dma.local [spmem:s11], $0x2800  }
0x39: {  	_ =	swait.ge [sflag:s12], $0x2800  }
0x3a: {  	[sflag:s12] =	ssyncset.done $0x0  }
0x3b: {  	[sflag:s12] =	ssyncadd.s32 $0xFFFFD800  }
0x3c: {  	_ =	sfence.sel $0x180000  }
0x3d: {  	[bflag:$0x0] =	sbarrier.arrive $0xFFFF  }
0x3e: {  	p0 =	sne.s32 s0, $0x0;
	_ =	strace $0x9000004D  }
0x3f: {  	s0 =	sadd.s32 @!p0 $0x100000, s1;
	[bflag:$0x2] =	sbarrier.arrive $0xFFFF  }
0x40: {  	[sflag:s0] =	ssyncadd.tile.s32 @!p0 $0x1;
	_ =	shalt  }
.Lfunc_end2:
_tile_overlayer_lowered:
.L_overlay_start_2:
0x41: {  	(tag) =	ssettag $0x2  }
0x42: {  	s0 =	rddreg [dreg:$0x0];
	s2 =	stileid.u32  }
0x43: {  	s1 =	rddreg [dreg:$0x1];
	p0 =	sne.s32 s2, $0x0  }
0x44: {  	s3 =	rddreg [dreg:$0x2];
	[bflag:$0x3] =	sbarrier.arrive $0xFFFF;
	s2 =	simm.s32 @!p0 $0x1C02  }
0x45: {  	[timem:s3], [sflag:s2] =	dma.local @!p0 [hbm:s0], s1  }
0x46: {  	s0 =	simm.s32 @!p0 $0x2  }
0x47: {  	_ =	swait.ge @!p0 [sflag:s0], s1  }
0x48: {  	s1 =	ssub.s32 @!p0 $0x0, s1;
	[sflag:s0] =	ssyncset.done @!p0 $0x0  }
0x49: {  	[sflag:s0] =	ssyncadd.s32 @!p0 s1  }
0x4a: {  	[bflag:$0x3] =	sbarrier.arrive $0xFFFF  }
0x4b: {  	_ =	shalt  }

// kernel: kernel.23.cloned.1.call-start
scs
__scs_entry_jumppad:
0x0: {  	(pc) =	sbr.rel $0x88, $3  }
0x1: {  	(tag) =	ssettag $0x0;
	lr =	simm.s32 $0x1  }
0x2: {  	[smem:$0x3F94] =	sst lr;
	_ =	strace $0xD0000000  }
0x3: {  	_ = 	snop  }
0x4: {  	_ = 	snop  }
0x5: {  	_ = 	snop  }
0x6: {  	_ = 	snop  }
0x7: {  	_ = 	snop  }
__scs_overlays_trampoline_lowered:
0x8: {  	[smem:$0x3FA3] =	sst s0  }
0x9: {  	[smem:$0x3FA4] =	sst s1  }
0xa: {  	[smem:$0x3FA5] =	sst s2  }
0xb: {  	[smem:$0x3FA6] =	sst s3  }
0xc: {  	[smem:$0x3FA7] =	sst s4  }
0xd: {  	[smem:$0x3FA8] =	sst s5  }
0xe: {  	[smem:$0x3FA9] =	sst s6  }
0xf: {  	[smem:$0x3FAA] =	sst s7  }
0x10: {  	[smem:$0x3FAB] =	sst s8  }
0x11: {  	[smem:$0x3FAC] =	sst s9;
	s0 =	simm.s32 @!p0 $0x0  }
0x12: {  	s1 =	sld [smem:$0x3F92];
	s0 =	simm.s32 @p0 $0x1  }
0x13: {  	[smem:$0x3FAD] =	sst s0;
	s0 =	simm.s32 @!p1 $0x0  }
0x14: {  	s2 =	sld [smem:$0x3F91];
	s0 =	simm.s32 @p1 $0x1  }
0x15: {  	[smem:$0x3FAE] =	sst s0;
	s0 =	simm.s32 @!p2 $0x0  }
0x16: {  	s3 =	sld [smem:$0x3FDB];
	s0 =	simm.s32 @p2 $0x1  }
0x17: {  	s4 =	simm.s32 $0x1BF5;
	[smem:$0x3FB0] =	sst s0  }
0x18: {  	s0 =	sld [smem:$0x3F93];
	_ =	swait.ge [sflag:s4], $0x0  }
0x19: {  	s7 =	sld [smem:$0x3F94]  }
0x1a: {  	s8 =	sadd.s32 $0xFFFFE003, lr  }
0x1b: {  	s9 =	sadd.s32 $0xFFFFFEF7, lr;
	s5 =	simm.s32 $0xFFFFFFFF;
	p2 =	slt.u32 s8, $0xFFFFF086  }
0x1c: {  	p1 =	slt.u32 s9, $0xF7A;
	s5 =	simm.s32 @!p2 $0x0  }
0x1d: {  	s5 =	simm.s32 @p1 $0x1;
	p0 =	seq.s32 s7, s2  }
0x1e: {  	s7 =	smul.u32 @!p0 $0xF7A, s2;
	p2 =	seq.s32 @!p0 s5, $0x0  }
0x1f: {  	s9 =	smul.u32 $0xF7A, s1;
	s8 =	simm.s32 @!p0 $0x1BF5;
	p2 =	por !p2, p0  }
0x20: {  	[sflag:s8] =	ssyncset.s32 @!p0 $0xFFFFF086;
	s6 =	sadd.s32 @!p0 s3, s7;
	s7 =	simm.s32 @!p0 $0x108  }
0x21: {  	s3 =	sadd.s32 s3, s9;
	s6 =	sadd.s32 @!p0 $0x88, s6;
	s7 =	simm.s32 @p2 $0x1082  }
0x22: {  	[simem:s7], [sflag:s8] =	dma.local @!p0 [hbm:s6], $0xF7A  }
0x23: {  	s9 =	sor.u32 $0xD0000000, s2;
	s6 =	simm.s32 $0x108;
	_ =	swait.ge @!p0 [sflag:s8], $0x0  }
0x24: {  	s3 =	sadd.s32 $0x88, s3;
	s6 =	simm.s32 @!p1 $0x1082;
	[sflag:s4] =	ssyncset.s32 $0xFFFFF086  }
0x25: {  	[simem:s6], [sflag:s4] =	dma.local [hbm:s3], $0xF7A  }
0x26: {  	[smem:$0x3F94] =	sst s1;
	(tag) =	ssettag s2;
	_ =	strace s9  }
0x27: {  	s1 =	sld [smem:$0x3FA4]  }
0x28: {  	s2 =	sld [smem:$0x3FA5]  }
0x29: {  	s4 =	sld [smem:$0x3FA7]  }
0x2a: {  	p0 =	seq.s32 s5, $0x0;
	s5 =	sld [smem:$0x3FA8]  }
0x2b: {  	s6 =	sld [smem:$0x3FA9]  }
0x2c: {  	s7 =	sld [smem:$0x3FAA]  }
0x2d: {  	s3 =	simm.s32 $0x108;
	s8 =	sld [smem:$0x3FAB]  }
0x2e: {  	s3 =	simm.s32 @!p0 $0x1082;
	s9 =	sld [smem:$0x3FAC]  }
0x2f: {  	lr =	sadd.s32 s0, s3;
	s0 =	sld [smem:$0x3FA3]  }
0x30: {  	s3 =	sld [smem:$0x3FA6]  }
0x31: {  	[smem:$0x3FAF] =	sst s10  }
0x32: {  	s10 =	sld [smem:$0x3FAD];
	_ =	sdelay $0x3  }
0x33: {  	p0 =	seq.s32 s10, $0x1;
	s10 =	sld [smem:$0x3FAF];
	_ =	sdelay $0x3  }
0x34: {  	[smem:$0x3FAF] =	sst s10  }
0x35: {  	s10 =	sld [smem:$0x3FAE];
	_ =	sdelay $0x3  }
0x36: {  	p1 =	seq.s32 s10, $0x1;
	s10 =	sld [smem:$0x3FAF];
	_ =	sdelay $0x3  }
0x37: {  	[smem:$0x3FAF] =	sst s10  }
0x38: {  	s10 =	sld [smem:$0x3FB0]  }
0x39: {  	_ = 	snop;
	(pc) =	sbr.ind lr, $3  }
0x3a: {  	_ = 	snop  }
0x3b: {  	_ = 	snop  }
0x3c: {  	p2 =	seq.s32 s10, $0x1;
	s10 =	sld [smem:$0x3FAF]  }
0x3d: {  	_ =	shalt  }
0x3e: {  	_ =	shalt  }
0x3f: {  	_ =	shalt  }
0x40: {  	_ =	shalt  }
0x41: {  	_ =	shalt  }
0x42: {  	_ =	shalt  }
0x43: {  	_ =	shalt  }
0x44: {  	_ =	shalt  }
0x45: {  	_ =	shalt  }
0x46: {  	_ =	shalt  }
0x47: {  	_ =	shalt  }
0x48: {  	_ =	shalt  }
0x49: {  	_ =	shalt  }
0x4a: {  	_ =	shalt  }
0x4b: {  	_ =	shalt  }
0x4c: {  	_ =	shalt  }
0x4d: {  	_ =	shalt  }
0x4e: {  	_ =	shalt  }
0x4f: {  	_ =	shalt  }
0x50: {  	_ =	shalt  }
0x51: {  	_ =	shalt  }
0x52: {  	_ =	shalt  }
0x53: {  	_ =	shalt  }
0x54: {  	_ =	shalt  }
0x55: {  	_ =	shalt  }
0x56: {  	_ =	shalt  }
0x57: {  	_ =	shalt  }
0x58: {  	_ =	shalt  }
0x59: {  	_ =	shalt  }
0x5a: {  	_ =	shalt  }
0x5b: {  	_ =	shalt  }
0x5c: {  	_ =	shalt  }
0x5d: {  	_ =	shalt  }
0x5e: {  	_ =	shalt  }
0x5f: {  	_ =	shalt  }
0x60: {  	_ =	shalt  }
0x61: {  	_ =	shalt  }
0x62: {  	_ =	shalt  }
0x63: {  	_ =	shalt  }
0x64: {  	_ =	shalt  }
0x65: {  	_ =	shalt  }
0x66: {  	_ =	shalt  }
0x67: {  	_ =	shalt  }
0x68: {  	_ =	shalt  }
0x69: {  	_ =	shalt  }
0x6a: {  	_ =	shalt  }
0x6b: {  	_ =	shalt  }
0x6c: {  	_ =	shalt  }
0x6d: {  	_ =	shalt  }
0x6e: {  	_ =	shalt  }
0x6f: {  	_ =	shalt  }
0x70: {  	_ =	shalt  }
0x71: {  	_ =	shalt  }
0x72: {  	_ =	shalt  }
0x73: {  	_ =	shalt  }
0x74: {  	_ =	shalt  }
0x75: {  	_ =	shalt  }
0x76: {  	_ =	shalt  }
0x77: {  	_ =	shalt  }
0x78: {  	_ =	shalt  }
0x79: {  	_ =	shalt  }
0x7a: {  	_ =	shalt  }
0x7b: {  	_ =	shalt  }
0x7c: {  	_ =	shalt  }
0x7d: {  	_ =	shalt  }
0x7e: {  	_ =	shalt  }
0x7f: {  	_ =	shalt  }
0x80: {  	_ =	shalt  }
0x81: {  	_ =	shalt  }
0x82: {  	_ =	shalt  }
0x83: {  	_ =	shalt  }
0x84: {  	_ =	shalt  }
0x85: {  	_ =	shalt  }
0x86: {  	_ =	shalt  }
0x87: {  	_ =	shalt  }
.Lfunc_end0:
.L_simem_size_0:
called_computation.4_lowered:
.L_overlay_start_0:
0x88: {  	s2 =	sld [smem:$0x3FD9]  }
0x89: {  	s3 =	sld [smem:$0x3FFE];
	_ =	sdelay $0x1  }
0x8a: {  	s1 =	srdreg.scid  }
0x8b: {  	s0 =	sand.u32 $0x1, s1  }
0x8c: {  	s16 =	sshll.u32 s0, $0xA;
	s2 =	sadd.s32 s3, s2  }
0x8d: {  	s2 =	sadd.s32 s2, s16  }
0x8e: {  	[smem:$0x3FBB] =	sst s2  }
0x8f: {  	_ = 	snop  }
0x90: {  	(tm) =	ssettm $0x1  }
0x91: {  	s17 =	sld [smem:$0x3FFB];
	_ =	sdelay $0x3  }
0x92: {  	_ =	strace s17  }
0x93: {  	s2 =	sld [smem:$0x3FFC];
	_ =	sdelay $0x3  }
0x94: {  	_ =	strace s2  }
0x95: {  	s2 =	sld [smem:$0x3FFD];
	_ =	sdelay $0x3  }
0x96: {  	_ =	strace s2  }
0x97: {  	_ =	strace $0x8FFFFFFF  }
0x98: {  	s18 =	sld [smem:$0x3FDB];
	_ =	sdelay $0x1  }
0x99: {  	s19 =	simm.s32 $_scs_section_size  }
0x9a: {  	s4 =	simm.s32 $_size__tile_overlayer_lowered;
	s5 =	simm.s32 $_tile_overlayer_lowered  }
0x9b: {  	s22 =	simm.s32 $0x1BFF;
	s21 =	sshll.u32 s5, $0x1;
	s2 =	sadd.s32 s19, s18  }
0x9c: {  	s6 =	simm.s32 $0x0;
	s20 =	sshll.u32 s4, $0x1;
	s4 =	sadd.s32 s21, s2  }
0x9d: {  	[timem:s6], [sflag:s22] =	dma.local [hbm:s4], s20  }
0x9e: {  	_ =	swait.ge [sflag:s22], s20  }
0x9f: {  	s3 =	ssub.s32 $0x0, s20;
	[sflag:s22] =	ssyncset.done $0x0  }
0xa0: {  	[sflag:s22] =	ssyncadd.s32 s3;
	_ =	sdelay $0x1  }
0xa1: {  	s23 =	simm.s32 $0x1B8B  }
0xa2: {  	_ =	swait.ge [sflag:s23], $0x1  }
0xa3: {  	[sflag:s23] =	ssyncset.done $0x0  }
0xa4: {  	s25 =	simm.s32 $0x1B8E;
	s24 =	sld [smem:$0x3FFE];
	[sflag:s23] =	ssyncadd.s32 $0xFFFFFFFF  }
0xa5: {  	s26 =	simm.s32 $execute0_lowered;
	[smem:$0x3FD2] =	sst s25  }
0xa6: {  	s4 =	sshll.u32 s26, $0x1;
	_ =	strace $0x80000052;
	[dreg:$0x1] =	wrdreg $0xFFFFFFFF  }
0xa7: {  	s28 =	simm.s32 $_size_execute0_lowered;
	s2 =	sadd.s32 s2, s4;
	[dreg:$0x0] =	wrdreg $0x0  }
0xa8: {  	s4 =	sshll.u32 s28, $0x1;
	[dreg:$0x2] =	wrdreg s2  }
0xa9: {  	[dreg:$0x3] =	wrdreg s4  }
0xaa: {  	[dreg:$0x4] =	wrdreg $0xC0  }
0xab: {  	_ =	task [dreg:s6], $0x5FFFF  }
0xac: {  	[dreg:$0x1] =	wrdreg $0xFFFFFFFF  }
0xad: {  	[dreg:$0x0] =	wrdreg $0x60  }
0xae: {  	[dreg:$0x2] =	wrdreg s24  }
0xaf: {  	[dreg:$0x3] =	wrdreg $0x0  }
0xb0: {  	[dreg:$0x4] =	wrdreg $0x9  }
0xb1: {  	_ =	task.clear_ibuf [dreg:s6], $0x5FFFF;
	_ =	strace $0x90000052  }
0xb2: {  	s29 =	simm.s32 $0x9;
	_ =	strace $0x80000054  }
0xb3: {  	_ =	swait.ge [sflag:s29], $0x1  }
0xb4: {  	[sflag:s29] =	ssyncadd.s32 $0xFFFFFFFF  }
0xb5: {  	_ =	strace $0x90000054  }
0xb6: {  	_ =	sfence  }
0xb7: {  	s30 =	sld [smem:$0x0];
	_ =	sdelay $0x2  }
0xb8: {  	s31 =	sshll.u32 s1, $0xD;
	s1 =	sshrl.u32 s1, $0x2  }
0xb9: {  	s3 =	sand.u32 $0x4000, s31;
	s1 =	sadd.s32 s1, s30  }
0xba: {  	s0 =	sor.u32 s3, s0;
	s1 =	sshll.u32 s1, $0x11  }
0xbb: {  	s0 =	sor.u32 s1, s0  }
0xbc: {  	s0 =	sadd.s32 $0x8F2B, s0  }
0xbd: {  	[sflag:s0] =	ssyncadd.remote.s32 $0x1  }
0xbe: {  	_ =	sfence.sel $0xFFFF  }
0xbf: {  	[dreg:$0x0] =	wrdreg $0xFFFFFFFF;
	(pc) =	sbr.abs _section_cstart, $3  }
0xc0: {  	[dreg:$0x1] =	wrdreg $0xFFFFFFFF  }
0xc1: {  	_ =	task.clear_ibuf [dreg:s6], $0x2FFFF;
	_ =	strace $0x9FFFFFFF  }
0xc2: {  	(tm) =	ssettm $0x7FFFFFFF  }
0xc3: {  	_ =	shalt  }
tec
execute0_lowered:
.L_overlay_start_1:
0x0: {  	(tag) =	ssettag $0x1  }
0x1: {  	s1 =	srdreg.scid  }
0x2: {  	s0 =	stileid.u32;
	s5 =	rddreg [dreg:$0x0]  }
0x3: {  	s2 =	rddreg [dreg:$0x1];
	s3 =	simm.s32 $0x0;
	s13 =	simm.s32 $0x14000  }
0x4: {  	s14 =	simm.s32 $0x16800;
	s15 =	simm.s32 $0x80;
	s7 =	smul.u32 $0x5000, s0  }
0x5: {  	s16 =	simm.s32 $0x19000;
	s17 =	simm.s32 $0x1;
	s10 =	smul.u32 $0x14000, s0  }
0x6: {  	s6 =	sand.u32 $0x1, s1;
	s1 =	rddreg [dreg:$0x2];
	s26 =	smul.u32 $0x50000, s0  }
0x7: {  	s18 =	simm.s32 $0x0;
	[smem:$0x7FF] =	sst s3;
	s30 =	smul.u32 $0x2800, s0  }
0x8: {  	s4 =	sadd.s32 $0xD600, s5;
	s11 =	sadd.s32 $0x35600, s5;
	s8 =	smul.u32 $0x2800, s6  }
0x9: {  	s31 =	sshll.u32 s0, $0x6;
	s9 =	smul.u32 $0x140000, s6;
	s25 =	ssub.s32 $0x2, s6  }
0xa: {  	_ =	strace $0x80000053;
	p0 =	seq.s32 s6, $0x0;
	s28 =	sshrl.u32 s25, $0x1  }
0xb: {  	s29 =	sshrl.u32 s26, $0x2;
	s11 =	smov.u32 @p0 s4;
	s7 =	sadd.s32 s8, s7  }
0xc: {  	s24 =	sadd.s32 s10, s9;
	s9 =	ssub.s32 s25, s28;
	s7 =	sshrl.u32 s7, $0x3  }
0xd: {  	s12 =	sadd.s32 s29, s2;
	s8 =	sshrl.u32 s24, $0x3;
	s7 =	sadd.s32 s7, s5  }
0xe: {  	s10 =	sor.u32 $0x1C02, s31;
	s8 =	sadd.s32 s8, s5;
	s5 =	sadd.s32 $0x5D600, s7  }
0xf: {  	s6 =	sadd.s32 $0x3600, s7;
	s7 =	sadd.s32 $0x67600, s8;
	s8 =	smax.u32 s9, $0x1  }
0x10: {  	s9 =	sadd.s32 s11, s30;
	s11 =	sshrl.u32 s12, $0x3;
	s12 =	simm.s32 $0x2  }
.LBB2_1:
0x11: {  	[spmem:s11], [sflag:s10] =	dma.local [hbm:s9], $0x2800  }
0x12: {  	_ =	swait.ge [sflag:s12], $0x2800  }
0x13: {  	[sflag:s12] =	ssyncset.done $0x0  }
0x14: {  	[sflag:s12] =	ssyncadd.s32 $0xFFFFD800  }
0x15: {  	[tilespmem:s13], [sflag:$0x2] =	stream.linear.gather [hbm4b:s5+s3], $0x2800, $0x38;
	[tilespmem:$0x1D000] =	vst v63  }
0x16: {  	_ =	swait.ge [sflag:s12], $0x2800  }
0x17: {  	[sflag:s12] =	ssyncset.done $0x0  }
0x18: {  	[sflag:s12] =	ssyncadd.s32 $0xFFFFD800  }
0x19: {  	[tilespmem:s14], [sflag:$0x2] =	stream.linear.gather [hbm4b:s6+s3], $0x2800, $0x38;
	[tilespmem:$0x1D000] =	vst v63  }
0x1a: {  	_ =	swait.ge [sflag:s12], $0x2800  }
0x1b: {  	[sflag:s12] =	ssyncset.done $0x0  }
0x1c: {  	[sflag:s12] =	ssyncadd.s32 $0xFFFFD800  }
0x1d: {  	s19 =	simm.s32 $0x14000;
	[bflag:$0x0] =	sbarrier.arrive $0xFFFF  }
0x1e: {  	[tilespmem:s16], [sflag:$0x1] =	stream.indirect.gather [hbm4b:s4+s15], $0x80, s19, s15, $0xb8;
	[tilespmem:$0x1D000] =	vst v63  }
0x1f: {  	_ =	swait.ge [sflag:s17], $0x4000  }
0x20: {  	[sflag:s17] =	ssyncset.done $0x0  }
0x21: {  	s31 =	simm.s32 $0x16800;
	[sflag:s17] =	ssyncadd.s32 $0xFFFFC000  }
0x22: {  	[spmem:s2] =	stream.indirect.scatter.add.f32 [tilespmem:s16], [sflag:$0x2], $0x80, s31, s15, $0xb8;
	[tilespmem:$0x1D000] =	vst v63  }
0x23: {  	_ =	swait.ge [sflag:s12], $0x4000  }
0x24: {  	s20 =	simm.s32 $0x400;
	s19 =	simm.s32 $0x80;
	[sflag:s12] =	ssyncset.done $0x0  }
.LBB2_2:
0x25: {  	s21 =	sadd.s32 $0x14000, s19  }
0x26: {  	[sflag:s12] =	ssyncadd.s32 $0xFFFFC000;
	s22 =	smov.u32 s20;
	s23 =	sadd.s32 $0x200, s20  }
0x27: {  	[tilespmem:s16], [sflag:$0x1] =	stream.indirect.gather [hbm4b:s4+s15], $0x80, s21, s15, $0xb8;
	[tilespmem:$0x1D000] =	vst v63  }
0x28: {  	p0 =	sne.s32 s20, $0x9E00;
	_ =	swait.ge [sflag:s17], $0x4000  }
.Ltmp0:
0x29: {  	[sflag:s17] =	ssyncset.done $0x0;
	(pc) =	sbr.rel @p0 .LBB2_2-.Ltmp0, $4  }
0x2a: {  	s19 =	sadd.s32 $0x16800, s19;
	[sflag:s17] =	ssyncadd.s32 $0xFFFFC000  }
0x2b: {  	[spmem:s2] =	stream.indirect.scatter.add.f32 [tilespmem:s16], [sflag:$0x2], $0x80, s19, s15, $0xb8;
	[tilespmem:$0x1D000] =	vst v63  }
0x2c: {  	_ =	swait.ge [sflag:s12], $0x4000  }
0x2d: {  	s20 =	smov.u32 s23;
	s19 =	sshra.s32 s22, $0x2;
	[sflag:s12] =	ssyncset.done $0x0  }
0x2e: {  	s20 =	sadd.s32 $0x14000, s19;
	[sflag:s12] =	ssyncadd.s32 $0xFFFFC000  }
0x2f: {  	[tilespmem:s16], [sflag:$0x1] =	stream.indirect.gather [hbm4b:s4+s15], $0x80, s20, s15, $0xb8;
	[tilespmem:$0x1D000] =	vst v63  }
0x30: {  	_ =	swait.ge [sflag:s17], $0x4000  }
0x31: {  	[sflag:s17] =	ssyncset.done $0x0  }
0x32: {  	s31 =	sadd.s32 $0x16800, s19;
	[sflag:s17] =	ssyncadd.s32 $0xFFFFC000  }
0x33: {  	[spmem:s2] =	stream.indirect.scatter.add.f32 [tilespmem:s16], [sflag:$0x2], $0x80, s31, s15, $0xb8;
	[tilespmem:$0x1D000] =	vst v63  }
0x34: {  	_ =	swait.ge [sflag:s12], $0x4000  }
0x35: {  	s18 =	sadd.s32 $0x1, s18;
	[sflag:s12] =	ssyncset.done $0x0  }
0x36: {  	p0 =	sne.s32 s18, s8;
	[sflag:s12] =	ssyncadd.s32 $0xFFFFC000  }
.Ltmp1:
0x37: {  	[bflag:$0x0] =	sbarrier.arrive $0xFFFF;
	(pc) =	sbr.rel @p0 .LBB2_1-.Ltmp1, $4  }
0x38: {  	[hbm:s7], [sflag:s10] =	dma.local [spmem:s11], $0x2800  }
0x39: {  	_ =	swait.ge [sflag:s12], $0x2800  }
0x3a: {  	[sflag:s12] =	ssyncset.done $0x0  }
0x3b: {  	[sflag:s12] =	ssyncadd.s32 $0xFFFFD800  }
0x3c: {  	_ =	sfence.sel $0x180000  }
0x3d: {  	[bflag:$0x0] =	sbarrier.arrive $0xFFFF  }
0x3e: {  	p0 =	sne.s32 s0, $0x0;
	_ =	strace $0x90000053  }
0x3f: {  	s0 =	sadd.s32 @!p0 $0x100000, s1;
	[bflag:$0x2] =	sbarrier.arrive $0xFFFF  }
0x40: {  	[sflag:s0] =	ssyncadd.tile.s32 @!p0 $0x1;
	_ =	shalt  }
.Lfunc_end2:
_tile_overlayer_lowered:
.L_overlay_start_2:
0x41: {  	(tag) =	ssettag $0x2  }
0x42: {  	s0 =	rddreg [dreg:$0x0];
	s2 =	stileid.u32  }
0x43: {  	s1 =	rddreg [dreg:$0x1];
	p0 =	sne.s32 s2, $0x0  }
0x44: {  	s3 =	rddreg [dreg:$0x2];
	[bflag:$0x3] =	sbarrier.arrive $0xFFFF;
	s2 =	simm.s32 @!p0 $0x1C02  }
0x45: {  	[timem:s3], [sflag:s2] =	dma.local @!p0 [hbm:s0], s1  }
0x46: {  	s0 =	simm.s32 @!p0 $0x2  }
0x47: {  	_ =	swait.ge @!p0 [sflag:s0], s1  }
0x48: {  	s1 =	ssub.s32 @!p0 $0x0, s1;
	[sflag:s0] =	ssyncset.done @!p0 $0x0  }
0x49: {  	[sflag:s0] =	ssyncadd.s32 @!p0 s1  }
0x4a: {  	[bflag:$0x3] =	sbarrier.arrive $0xFFFF  }
0x4b: {  	_ =	shalt  }

</sc_bundles>
